<compile_context>
chip_gen: v7x
topology: tpu7x:2x2x1
jax: 0.10.2.dev20260603
libtpu: 0.0.44.dev20260713+nightly
codegen_flags: <defaults>
</compile_context>

<pallas_src>
import functools

import numpy as np

import jax
import jax.numpy as jnp
from jax import lax
from jax.experimental import pallas as pl
from jax.experimental.pallas import tpu as pltpu
from jax.experimental.pallas import tpu_sc as plsc

D = 128
HD = D // 2
LN = 16
NC = 2
NS = 16
CH = 128
RB = 1024


def _sc_degree(dst3, n_pad):
    cpt = dst3.shape[1]
    rpt = n_pad // NS
    mesh = plsc.VectorSubcoreMesh(core_axis_name="c", subcore_axis_name="s")

    @functools.partial(
        pl.kernel,
        out_type=jax.ShapeDtypeStruct((NC, n_pad), jnp.float32),
        mesh=mesh,
        scratch_types=[
            pltpu.VMEM((cpt, CH), jnp.int32),
            pltpu.VMEM((CH,), jnp.float32),
            pltpu.VMEM((rpt,), jnp.float32),
            pltpu.VMEM_SHARED((n_pad,), jnp.float32),
        ],
        compiler_params=pltpu.CompilerParams(use_tc_tiling_on_sc=False),
    )
    def deg_kernel(dst_hbm, out_hbm, dst_v, ones_v, zbuf, acc):
        cid = lax.axis_index("c")
        sid = lax.axis_index("s")
        pltpu.sync_copy(dst_hbm.at[sid], dst_v)

        def zb(i, c):
            zbuf[pl.ds(i * LN, LN)] = jnp.zeros((LN,), jnp.float32)
            return c

        lax.fori_loop(0, rpt // LN, zb, 0)

        def ob(i, c):
            ones_v[pl.ds(i * LN, LN)] = jnp.ones((LN,), jnp.float32)
            return c

        lax.fori_loop(0, CH // LN, ob, 0)
        pltpu.sync_copy(zbuf, acc.at[pl.ds(sid * rpt, rpt)])
        plsc.subcore_barrier()

        def body(i, k):
            c = 2 * i + cid
            pltpu.sync_copy(ones_v, acc.at[dst_v.at[c]], add=True)
            return k

        lax.fori_loop(0, cpt // 2, body, 0)
        plsc.subcore_barrier()
        pltpu.sync_copy(acc.at[pl.ds(sid * rpt, rpt)],
                        out_hbm.at[cid, pl.ds(sid * rpt, rpt)])

    return deg_kernel(dst3)


def _sc_scatter(xs, src3, dst3, zeros, n_pad):
    cpt = src3.shape[1]
    rpt = n_pad // NS
    mesh = plsc.VectorSubcoreMesh(core_axis_name="c", subcore_axis_name="s")

    nb = 5

    @functools.partial(
        pl.kernel,
        out_type=jax.ShapeDtypeStruct((NC, n_pad, HD), jnp.float32),
        mesh=mesh,
        scratch_types=[
            pltpu.VMEM((cpt, CH), jnp.int32),
            pltpu.VMEM((cpt, CH), jnp.int32),
            [pltpu.VMEM((CH, HD), jnp.float32)] * nb,
            pltpu.VMEM_SHARED((n_pad, HD), jnp.float32),
            [pltpu.SemaphoreType.DMA] * nb,
            [pltpu.SemaphoreType.DMA] * nb,
        ],
        compiler_params=pltpu.CompilerParams(use_tc_tiling_on_sc=False),
    )
    def scat_kernel(xs_hbm, src_hbm, dst_hbm, zero_hbm, out_hbm,
                    src_v, dst_v, bufs, acc, gsem, ssem):
        cid = lax.axis_index("c")
        sid = lax.axis_index("s")
        r0 = sid * rpt
        tab = xs_hbm.at[cid]
        pltpu.sync_copy(src_hbm.at[sid], src_v)
        pltpu.sync_copy(dst_hbm.at[sid], dst_v)
        pltpu.sync_copy(zero_hbm.at[pl.ds(r0, rpt)], acc.at[pl.ds(r0, rpt)])
        plsc.subcore_barrier()

        def gather(c, b):
            return pltpu.make_async_copy(tab.at[src_v.at[c]], bufs[b], gsem[b])

        def scat_start(c, b):
            pltpu.async_copy(bufs[b], acc.at[dst_v.at[c]], ssem[b], add=True)

        def scat_wait(c, b):
            pltpu.make_async_copy(bufs[b], acc.at[dst_v.at[c]], ssem[b]).wait()

        for b in range(nb):
            gather(b, b).start()

        def body(j, k):
            c = nb * j
            for b in range(nb):
                gather(c + b, b).wait()
                scat_start(c + b, b)
            for b in range(nb):
                scat_wait(c + b, b)
                gather(jnp.minimum(c + nb + b, cpt - 1), b).start()
            return k

        lax.fori_loop(0, cpt // nb, body, 0)
        for b in range(nb):
            gather(0, b).wait()
        plsc.subcore_barrier()
        pltpu.sync_copy(acc.at[pl.ds(r0, rpt)],
                        out_hbm.at[cid, pl.ds(r0, rpt)])

    return scat_kernel(xs, src3, dst3, zeros)


def _dinv_of(deg_ref):
    deg = deg_ref[0, :] + deg_ref[1, :] + 1.0
    return lax.rsqrt(deg)[:, None]




def _eo_of(pair0, pair1):
    ev = jnp.concatenate([pair0[:, :HD], pair1[:, :HD]], axis=-1)
    od_ = jnp.concatenate([pair0[:, HD:], pair1[:, HD:]], axis=-1)
    return ev, od_


def _pair_store(o_ref, ev, od_):
    o_ref[0, :, :] = jnp.concatenate([ev[:, :HD], od_[:, :HD]], axis=-1)
    o_ref[1, :, :] = jnp.concatenate([ev[:, HD:], od_[:, HD:]], axis=-1)


def _tc_embed1(x2, W1, degE, degO, n_pad):
    def body(x_ref, w_ref, dE_ref, dO_ref, o_ref):
        dE = _dinv_of(dE_ref)
        dO = _dinv_of(dO_ref)
        xwE = jnp.dot(x_ref[:, :D], w_ref[...],
                      preferred_element_type=jnp.float32) * dE
        xwO = jnp.dot(x_ref[:, D:], w_ref[...],
                      preferred_element_type=jnp.float32) * dO
        _pair_store(o_ref, xwE, xwO)

    return pl.pallas_call(
        body,
        grid=(n_pad // RB,),
        in_specs=[
            pl.BlockSpec((RB // 2, 2 * D), lambda i: (i, 0)),
            pl.BlockSpec((D, D), lambda i: (0, 0)),
            pl.BlockSpec((NC, RB // 2), lambda i: (0, i)),
            pl.BlockSpec((NC, RB // 2), lambda i: (0, i)),
        ],
        out_specs=pl.BlockSpec((NC, RB // 2, D), lambda i: (0, i, 0)),
        out_shape=jax.ShapeDtypeStruct((NC, n_pad // 2, D), jnp.float32),
    )(x2, W1, degE, degO)


def _tc_layer2(part1, xs1, degE, degO, W2, b1, n_pad):
    def body(p_ref, xs_ref, dE_ref, dO_ref, w_ref, b_ref, o_ref):
        dE = _dinv_of(dE_ref)
        dO = _dinv_of(dO_ref)
        pE, pO = _eo_of(p_ref[0], p_ref[1])
        xE, xO = _eo_of(xs_ref[0], xs_ref[1])
        hE = jnp.maximum(dE * (pE + xE) + b_ref[...], 0.0)
        hO = jnp.maximum(dO * (pO + xO) + b_ref[...], 0.0)
        oE = jnp.dot(hE, w_ref[...], preferred_element_type=jnp.float32) * dE
        oO = jnp.dot(hO, w_ref[...], preferred_element_type=jnp.float32) * dO
        _pair_store(o_ref, oE, oO)

    return pl.pallas_call(
        body,
        grid=(n_pad // RB,),
        in_specs=[
            pl.BlockSpec((NC, RB // 2, D), lambda i: (0, i, 0)),
            pl.BlockSpec((NC, RB // 2, D), lambda i: (0, i, 0)),
            pl.BlockSpec((NC, RB // 2), lambda i: (0, i)),
            pl.BlockSpec((NC, RB // 2), lambda i: (0, i)),
            pl.BlockSpec((D, D), lambda i: (0, 0)),
            pl.BlockSpec((1, D), lambda i: (0, 0)),
        ],
        out_specs=pl.BlockSpec((NC, RB // 2, D), lambda i: (0, i, 0)),
        out_shape=jax.ShapeDtypeStruct((NC, n_pad // 2, D), jnp.float32),
    )(part1, xs1, degE, degO, W2, b1)


def _tc_head(part2, xs2, degE, degO, b2, P1, pb1, P2, pb2, y2, m2, n_pad):
    od = P2.shape[1]

    def bce_of(logits, y, m):
        b = (jnp.maximum(logits, 0.0) - logits * y
             + jnp.log1p(jnp.exp(-jnp.abs(logits))))
        return jnp.sum(b * m)

    def body(p_ref, xs_ref, dE_ref, dO_ref, b2_ref, P1_ref, pb1_ref,
             P2_ref, pb2_ref, y_ref, m_ref, lo_ref, s_ref, c_ref):
        dE = _dinv_of(dE_ref)
        dO = _dinv_of(dO_ref)
        pE, pO = _eo_of(p_ref[0], p_ref[1])
        xE, xO = _eo_of(xs_ref[0], xs_ref[1])
        neE = dE * (pE + xE) + b2_ref[...]
        neO = dO * (pO + xO) + b2_ref[...]
        zE = jnp.maximum(
            jnp.dot(neE, P1_ref[...], preferred_element_type=jnp.float32)
            + pb1_ref[...], 0.0)
        zO = jnp.maximum(
            jnp.dot(neO, P1_ref[...], preferred_element_type=jnp.float32)
            + pb1_ref[...], 0.0)
        lE = jnp.dot(
            zE, P2_ref[...], preferred_element_type=jnp.float32) + pb2_ref[...]
        lO = jnp.dot(
            zO, P2_ref[...], preferred_element_type=jnp.float32) + pb2_ref[...]
        lo_ref[...] = jnp.concatenate([lE, lO], axis=-1)

        @pl.when(pl.program_id(0) == 0)
        def _():
            s_ref[...] = jnp.zeros_like(s_ref)
            c_ref[...] = jnp.zeros_like(c_ref)

        s_ref[...] += (bce_of(lE, y_ref[:, :od], m_ref[:, 0:1])
                       + bce_of(lO, y_ref[:, od:], m_ref[:, 1:2]))
        c_ref[...] += jnp.sum(m_ref[...])

    return pl.pallas_call(
        body,
        grid=(n_pad // RB,),
        in_specs=[
            pl.BlockSpec((NC, RB // 2, D), lambda i: (0, i, 0)),
            pl.BlockSpec((NC, RB // 2, D), lambda i: (0, i, 0)),
            pl.BlockSpec((NC, RB // 2), lambda i: (0, i)),
            pl.BlockSpec((NC, RB // 2), lambda i: (0, i)),
            pl.BlockSpec((1, D), lambda i: (0, 0)),
            pl.BlockSpec((D, D), lambda i: (0, 0)),
            pl.BlockSpec((1, D), lambda i: (0, 0)),
            pl.BlockSpec((D, od), lambda i: (0, 0)),
            pl.BlockSpec((1, od), lambda i: (0, 0)),
            pl.BlockSpec((RB // 2, 2 * od), lambda i: (i, 0)),
            pl.BlockSpec((RB // 2, 2), lambda i: (i, 0)),
        ],
        out_specs=[
            pl.BlockSpec((RB // 2, 2 * od), lambda i: (i, 0)),
            pl.BlockSpec((1, 1), lambda i: (0, 0)),
            pl.BlockSpec((1, 1), lambda i: (0, 0)),
        ],
        out_shape=[
            jax.ShapeDtypeStruct((n_pad // 2, 2 * od), jnp.float32),
            jax.ShapeDtypeStruct((1, 1), jnp.float32),
            jax.ShapeDtypeStruct((1, 1), jnp.float32),
        ],
    )(part2, xs2, degE, degO, b2, P1, pb1, P2, pb2, y2, m2)


def kernel(x, edge_index, train_mask, target_labels,
           W1, b1, W2, b2, P1, pb1, P2, pb2):
    n = x.shape[0]
    n_pad = -(-n // RB) * RB
    if n_pad == n:
        n_pad += RB
    e = edge_index.shape[1]
    cpt = -(-e // (NS * CH))
    cpt = -(-cpt // 10) * 10
    e_pad = NS * CH * cpt
    pad = e_pad - e

    pad_src = np.arange(pad, dtype=np.int32) % n
    pad_dst = n + np.arange(pad, dtype=np.int32) % (n_pad - n)
    src3 = jnp.concatenate(
        [edge_index[0], jnp.asarray(pad_src)]).reshape(NS, cpt, CH)
    dst3 = jnp.concatenate(
        [edge_index[1], jnp.asarray(pad_dst)]).reshape(NS, cpt, CH)

    x_pad = jnp.pad(x, ((0, n_pad - n), (0, 0)))
    zeros = jnp.zeros((n_pad, HD), jnp.float32)

    def to_sc(a):
        return a.reshape(NC, n_pad, HD)

    def to_tc(a):
        return a.reshape(NC, n_pad // 2, D)

    deg_part = _sc_degree(dst3, n_pad)
    degE = deg_part[:, 0::2]
    degO = deg_part[:, 1::2]
    x2 = x_pad.reshape(n_pad // 2, 2 * D)
    xs1 = _tc_embed1(x2, W1, degE, degO, n_pad)
    part1 = _sc_scatter(to_sc(xs1), src3, dst3, zeros, n_pad)
    xs2 = _tc_layer2(to_tc(part1), xs1, degE, degO,
                     W2, b1.reshape(1, D), n_pad)
    part2 = _sc_scatter(to_sc(xs2), src3, dst3, zeros, n_pad)

    od = target_labels.shape[1]
    y2 = jnp.pad(target_labels,
                 ((0, n_pad - n), (0, 0))).reshape(n_pad // 2, 2 * od)
    m2 = jnp.pad(train_mask.astype(jnp.float32),
                 (0, n_pad - n)).reshape(n_pad // 2, 2)
    lo2, s, c = _tc_head(to_tc(part2), xs2, degE, degO,
                         b2.reshape(1, D), P1, pb1.reshape(1, -1),
                         P2, pb2.reshape(1, -1), y2, m2, n_pad)
    logits = lo2.reshape(n_pad, od)[:n]
    loss = s[0, 0] / (c[0, 0] * od)
    return (logits, loss)

# --- scband reference (transcript-rebuilt; emitter-appended) ---
"""Pipeline reference for scband-gcnclient-83107617178427 (READ-ONLY COPY).

The authoritative reference and input builder live on the scoring server;
editing this copy changes nothing except your own understanding.
"""

import jax, jax.numpy as jnp
import numpy as np

N = 10000
E = 320000
IN_DIM = 128
GNN_HID = 128
GNN_OUT = 128
PRED_HID = 128
OUT_DIM = 16


def _glorot(key, shape):
    fan_in, fan_out = shape[0], shape[1]
    lim = (6.0 / (fan_in + fan_out)) ** 0.5
    return jax.random.uniform(key, shape, jnp.float32, -lim, lim)


def setup_inputs(seed: int = 0) -> dict:
    key = jax.random.key(seed)
    ks = jax.random.split(key, 12)
    x = jax.random.normal(ks[0], (N, IN_DIM), jnp.float32)
    edge_index = jax.random.randint(ks[1], (2, E), 0, N, dtype=jnp.int32)
    train_mask = jnp.ones((N,), dtype=bool)
    target_labels = jax.random.uniform(ks[2], (N, OUT_DIM), jnp.float32)
    W1 = _glorot(ks[3], (IN_DIM, GNN_HID)); b1 = jnp.zeros((GNN_HID,), jnp.float32)
    W2 = _glorot(ks[4], (GNN_HID, GNN_OUT)); b2 = jnp.zeros((GNN_OUT,), jnp.float32)
    P1 = _glorot(ks[5], (GNN_OUT, PRED_HID)); pb1 = jnp.zeros((PRED_HID,), jnp.float32)
    P2 = _glorot(ks[6], (PRED_HID, OUT_DIM)); pb2 = jnp.zeros((OUT_DIM,), jnp.float32)
    return {"x": x, "edge_index": edge_index, "train_mask": train_mask,
            "target_labels": target_labels, "W1": W1, "b1": b1, "W2": W2, "b2": b2,
            "P1": P1, "pb1": pb1, "P2": P2, "pb2": pb2}


def _gcn_conv(x, W, b, src, dst, num_nodes):
    # GCN: add self-loops, symmetric normalization, scatter-add aggregation
    xw = x @ W
    deg = jnp.zeros((num_nodes,), xw.dtype).at[dst].add(1.0)
    dinv = jnp.where(deg > 0, deg ** -0.5, 0.0)
    norm = dinv[src] * dinv[dst]
    msg = xw[src] * norm[:, None]
    out = jnp.zeros((num_nodes, xw.shape[1]), xw.dtype).at[dst].add(msg)
    return out + b


def reference(x, edge_index, train_mask, target_labels, W1, b1, W2, b2, P1, pb1, P2, pb2):
    num_nodes = x.shape[0]
    loop = jnp.arange(num_nodes, dtype=edge_index.dtype)
    src = jnp.concatenate([edge_index[0], loop])
    dst = jnp.concatenate([edge_index[1], loop])
    # GCNEmbedding: conv -> relu -> (dropout eval no-op) -> conv
    h = _gcn_conv(x, W1, b1, src, dst, num_nodes)
    h = jax.nn.relu(h)
    node_embed = _gcn_conv(h, W2, b2, src, dst, num_nodes)
    # Predictor: linear -> relu -> (dropout eval no-op) -> linear
    z = jax.nn.relu(node_embed @ P1 + pb1)
    logits = z @ P2 + pb2
    # BCEWithLogitsLoss over masked nodes (mean reduction)
    y = target_labels
    bce = jnp.maximum(logits, 0.0) - logits * y + jnp.log1p(jnp.exp(-jnp.abs(logits)))
    m = train_mask.astype(jnp.float32)[:, None]
    loss = jnp.sum(bce * m) / (jnp.sum(m) * logits.shape[1])
    return (logits, loss)

if __name__ == "__main__":
    import jax
    _d = setup_inputs()
    print(jax.jit(kernel)(*tuple(_d.values())))

</pallas_src>

<mosaic_0001>
#map = affine_map<(d0, d1) -> (0, 0, 0)>
#map1 = affine_map<(d0, d1) -> (0, 0)>
module attributes {stable_mosaic.version = 14 : i64} {
  func.func @scat_kernel(%arg0: i32, %arg1: i32, %arg2: memref<2x10240x64xf32, #tpu.memory_space<hbm>>, %arg3: memref<16x160x128xi32, #tpu.memory_space<hbm>>, %arg4: memref<16x160x128xi32, #tpu.memory_space<hbm>>, %arg5: memref<10240x64xf32, #tpu.memory_space<hbm>>, %arg6: memref<2x10240x64xf32, #tpu.memory_space<hbm>>, %arg7: memref<160x128xi32, #tpu.memory_space<vmem>>, %arg8: memref<160x128xi32, #tpu.memory_space<vmem>>, %arg9: memref<128x64xf32, #tpu.memory_space<vmem>>, %arg10: memref<128x64xf32, #tpu.memory_space<vmem>>, %arg11: memref<128x64xf32, #tpu.memory_space<vmem>>, %arg12: memref<128x64xf32, #tpu.memory_space<vmem>>, %arg13: memref<128x64xf32, #tpu.memory_space<vmem>>, %arg14: memref<10240x64xf32, #tpu.memory_space<vmem_shared>>, %arg15: memref<!tpu.dma_semaphore, #tpu.memory_space<semaphore_mem>>, %arg16: memref<!tpu.dma_semaphore, #tpu.memory_space<semaphore_mem>>, %arg17: memref<!tpu.dma_semaphore, #tpu.memory_space<semaphore_mem>>, %arg18: memref<!tpu.dma_semaphore, #tpu.memory_space<semaphore_mem>>, %arg19: memref<!tpu.dma_semaphore, #tpu.memory_space<semaphore_mem>>, %arg20: memref<!tpu.dma_semaphore, #tpu.memory_space<semaphore_mem>>, %arg21: memref<!tpu.dma_semaphore, #tpu.memory_space<semaphore_mem>>, %arg22: memref<!tpu.dma_semaphore, #tpu.memory_space<semaphore_mem>>, %arg23: memref<!tpu.dma_semaphore, #tpu.memory_space<semaphore_mem>>, %arg24: memref<!tpu.dma_semaphore, #tpu.memory_space<semaphore_mem>>) attributes {dimension_semantics = [#tpu.dimension_semantics<core_parallel>, #tpu.dimension_semantics<subcore_parallel>], iteration_bounds = array<i64: 2, 16>, scalar_prefetch = 0 : i64, scratch_operands = 18 : i64, tpu.core_type = #tpu.core_type<sc_vector_subcore>, window_params = [{transform_indices = #map}, {transform_indices = #map}, {transform_indices = #map}, {transform_indices = #map1}, {transform_indices = #map}]} {
    %mul3A = arith.constant 640 : i32
    %mul3A_0 = arith.muli %arg1, %mul3A : i32
    "tpu.region"() ({
      %run_scoped3A = tpu.sem_alloc : memref<!tpu.dma_semaphore, #tpu.memory_space<semaphore_mem>>
      %dma_start3A_115 = arith.constant 0 : i32
      %dma_start3A_116 = arith.constant 0 : i32
      %dma_start3A_117 = tpu.memref_slice %arg3[%arg1, %dma_start3A_115, %dma_start3A_116] : memref<16x160x128xi32, #tpu.memory_space<hbm>> -> memref<1x160x128xi32, #tpu.memory_space<hbm>>
      %dma_start3A_118 = tpu.memref_squeeze %dma_start3A_117 : memref<1x160x128xi32, #tpu.memory_space<hbm>> -> memref<160x128xi32, #tpu.memory_space<hbm>>
      %dma_start3A_119 = arith.constant 0 : i32
      %dma_start3A_120 = arith.constant 0 : i32
      %dma_start3A_121 = tpu.memref_slice %arg3[%arg1, %dma_start3A_119, %dma_start3A_120] : memref<16x160x128xi32, #tpu.memory_space<hbm>> -> memref<1x160x128xi32, #tpu.memory_space<hbm>>
      %dma_start3A_122 = tpu.memref_squeeze %dma_start3A_121 : memref<1x160x128xi32, #tpu.memory_space<hbm>> -> memref<160x128xi32, #tpu.memory_space<hbm>>
      tpu.enqueue_dma source(%dma_start3A_122 : memref<160x128xi32, #tpu.memory_space<hbm>>) target(%arg7 : memref<160x128xi32, #tpu.memory_space<vmem>>) target_semaphore(%run_scoped3A : memref<!tpu.dma_semaphore, #tpu.memory_space<semaphore_mem>>)
      %dma_wait3A_123 = arith.constant 0 : i32
      %dma_wait3A_124 = arith.constant 0 : i32
      %dma_wait3A_125 = tpu.memref_slice %arg3[%arg1, %dma_wait3A_123, %dma_wait3A_124] : memref<16x160x128xi32, #tpu.memory_space<hbm>> -> memref<1x160x128xi32, #tpu.memory_space<hbm>>
      %dma_wait3A_126 = tpu.memref_squeeze %dma_wait3A_125 : memref<1x160x128xi32, #tpu.memory_space<hbm>> -> memref<160x128xi32, #tpu.memory_space<hbm>>
      %dma_wait3A_127 = arith.constant 0 : i32
      %dma_wait3A_128 = arith.constant 0 : i32
      %dma_wait3A_129 = tpu.memref_slice %arg3[%arg1, %dma_wait3A_127, %dma_wait3A_128] : memref<16x160x128xi32, #tpu.memory_space<hbm>> -> memref<1x160x128xi32, #tpu.memory_space<hbm>>
      %dma_wait3A_130 = tpu.memref_squeeze %dma_wait3A_129 : memref<1x160x128xi32, #tpu.memory_space<hbm>> -> memref<160x128xi32, #tpu.memory_space<hbm>>
      tpu.wait_dma2 semaphore(%run_scoped3A : memref<!tpu.dma_semaphore, #tpu.memory_space<semaphore_mem>>) src(%dma_wait3A_130 : memref<160x128xi32, #tpu.memory_space<hbm>>) dst(%arg7 : memref<160x128xi32, #tpu.memory_space<vmem>>)
      tpu.yield
    }) : () -> ()
    "tpu.region"() ({
      %run_scoped3A = tpu.sem_alloc : memref<!tpu.dma_semaphore, #tpu.memory_space<semaphore_mem>>
      %dma_start3A_115 = arith.constant 0 : i32
      %dma_start3A_116 = arith.constant 0 : i32
      %dma_start3A_117 = tpu.memref_slice %arg4[%arg1, %dma_start3A_115, %dma_start3A_116] : memref<16x160x128xi32, #tpu.memory_space<hbm>> -> memref<1x160x128xi32, #tpu.memory_space<hbm>>
      %dma_start3A_118 = tpu.memref_squeeze %dma_start3A_117 : memref<1x160x128xi32, #tpu.memory_space<hbm>> -> memref<160x128xi32, #tpu.memory_space<hbm>>
      %dma_start3A_119 = arith.constant 0 : i32
      %dma_start3A_120 = arith.constant 0 : i32
      %dma_start3A_121 = tpu.memref_slice %arg4[%arg1, %dma_start3A_119, %dma_start3A_120] : memref<16x160x128xi32, #tpu.memory_space<hbm>> -> memref<1x160x128xi32, #tpu.memory_space<hbm>>
      %dma_start3A_122 = tpu.memref_squeeze %dma_start3A_121 : memref<1x160x128xi32, #tpu.memory_space<hbm>> -> memref<160x128xi32, #tpu.memory_space<hbm>>
      tpu.enqueue_dma source(%dma_start3A_122 : memref<160x128xi32, #tpu.memory_space<hbm>>) target(%arg8 : memref<160x128xi32, #tpu.memory_space<vmem>>) target_semaphore(%run_scoped3A : memref<!tpu.dma_semaphore, #tpu.memory_space<semaphore_mem>>)
      %dma_wait3A_123 = arith.constant 0 : i32
      %dma_wait3A_124 = arith.constant 0 : i32
      %dma_wait3A_125 = tpu.memref_slice %arg4[%arg1, %dma_wait3A_123, %dma_wait3A_124] : memref<16x160x128xi32, #tpu.memory_space<hbm>> -> memref<1x160x128xi32, #tpu.memory_space<hbm>>
      %dma_wait3A_126 = tpu.memref_squeeze %dma_wait3A_125 : memref<1x160x128xi32, #tpu.memory_space<hbm>> -> memref<160x128xi32, #tpu.memory_space<hbm>>
      %dma_wait3A_127 = arith.constant 0 : i32
      %dma_wait3A_128 = arith.constant 0 : i32
      %dma_wait3A_129 = tpu.memref_slice %arg4[%arg1, %dma_wait3A_127, %dma_wait3A_128] : memref<16x160x128xi32, #tpu.memory_space<hbm>> -> memref<1x160x128xi32, #tpu.memory_space<hbm>>
      %dma_wait3A_130 = tpu.memref_squeeze %dma_wait3A_129 : memref<1x160x128xi32, #tpu.memory_space<hbm>> -> memref<160x128xi32, #tpu.memory_space<hbm>>
      tpu.wait_dma2 semaphore(%run_scoped3A : memref<!tpu.dma_semaphore, #tpu.memory_space<semaphore_mem>>) src(%dma_wait3A_130 : memref<160x128xi32, #tpu.memory_space<hbm>>) dst(%arg8 : memref<160x128xi32, #tpu.memory_space<vmem>>)
      tpu.yield
    }) : () -> ()
    "tpu.region"() ({
      %run_scoped3A = tpu.sem_alloc : memref<!tpu.dma_semaphore, #tpu.memory_space<semaphore_mem>>
      %dma_start3A_115 = arith.constant 0 : i32
      %dma_start3A_116 = tpu.memref_slice %arg14[%mul3A_0, %dma_start3A_115] : memref<10240x64xf32, #tpu.memory_space<vmem_shared>> -> memref<640x64xf32, #tpu.memory_space<vmem_shared>>
      %dma_start3A_117 = arith.constant 0 : i32
      %dma_start3A_118 = tpu.memref_slice %arg5[%mul3A_0, %dma_start3A_117] : memref<10240x64xf32, #tpu.memory_space<hbm>> -> memref<640x64xf32, #tpu.memory_space<hbm>>
      tpu.enqueue_dma source(%dma_start3A_118 : memref<640x64xf32, #tpu.memory_space<hbm>>) target(%dma_start3A_116 : memref<640x64xf32, #tpu.memory_space<vmem_shared>>) target_semaphore(%run_scoped3A : memref<!tpu.dma_semaphore, #tpu.memory_space<semaphore_mem>>)
      %dma_wait3A_119 = arith.constant 0 : i32
      %dma_wait3A_120 = tpu.memref_slice %arg14[%mul3A_0, %dma_wait3A_119] : memref<10240x64xf32, #tpu.memory_space<vmem_shared>> -> memref<640x64xf32, #tpu.memory_space<vmem_shared>>
      %dma_wait3A_121 = arith.constant 0 : i32
      %dma_wait3A_122 = tpu.memref_slice %arg5[%mul3A_0, %dma_wait3A_121] : memref<10240x64xf32, #tpu.memory_space<hbm>> -> memref<640x64xf32, #tpu.memory_space<hbm>>
      tpu.wait_dma2 semaphore(%run_scoped3A : memref<!tpu.dma_semaphore, #tpu.memory_space<semaphore_mem>>) src(%dma_wait3A_122 : memref<640x64xf32, #tpu.memory_space<hbm>>) dst(%dma_wait3A_120 : memref<640x64xf32, #tpu.memory_space<vmem_shared>>)
      tpu.yield
    }) : () -> ()
    %barrier3A = arith.constant 0 : index
    tpu.barrier barrier_id(%barrier3A)
    %dma_start3A = arith.constant 0 : i32
    %dma_start3A_1 = arith.constant 0 : i32
    %dma_start3A_2 = tpu.memref_slice %arg7[%dma_start3A, %dma_start3A_1] : memref<160x128xi32, #tpu.memory_space<vmem>> -> memref<1x128xi32, #tpu.memory_space<vmem>>
    %dma_start3A_3 = tpu.memref_squeeze %dma_start3A_2 : memref<1x128xi32, #tpu.memory_space<vmem>> -> memref<128xi32, #tpu.memory_space<vmem>>
    %dma_start3A_4 = arith.constant 0 : i32
    %dma_start3A_5 = arith.constant 0 : i32
    %dma_start3A_6 = tpu.memref_slice %arg2[%arg0, %dma_start3A_4, %dma_start3A_5] : memref<2x10240x64xf32, #tpu.memory_space<hbm>> -> memref<1x10240x64xf32, #tpu.memory_space<hbm>>
    %dma_start3A_7 = tpu.memref_squeeze %dma_start3A_6 : memref<1x10240x64xf32, #tpu.memory_space<hbm>> -> memref<10240x64xf32, #tpu.memory_space<hbm>>
    %dma_start3A_8 = arith.constant 0 : i32
    %dma_start3A_9 = arith.constant 0 : i32
    %dma_start3A_10 = tpu.memref_slice %dma_start3A_7[%dma_start3A_8, %dma_start3A_9] : memref<10240x64xf32, #tpu.memory_space<hbm>> -> memref<10240x64xf32, #tpu.memory_space<hbm>>
    tpu.enqueue_indirect_dma source(%dma_start3A_10 : memref<10240x64xf32, #tpu.memory_space<hbm>>) target(%arg9 : memref<128x64xf32, #tpu.memory_space<vmem>>) offsets(%dma_start3A_3 : memref<128xi32, #tpu.memory_space<vmem>>) semaphore(%arg15 : memref<!tpu.dma_semaphore, #tpu.memory_space<semaphore_mem>>)
    %dma_start3A_11 = arith.constant 1 : i32
    %dma_start3A_12 = arith.constant 0 : i32
    %dma_start3A_13 = tpu.memref_slice %arg7[%dma_start3A_11, %dma_start3A_12] : memref<160x128xi32, #tpu.memory_space<vmem>> -> memref<1x128xi32, #tpu.memory_space<vmem>>
    %dma_start3A_14 = tpu.memref_squeeze %dma_start3A_13 : memref<1x128xi32, #tpu.memory_space<vmem>> -> memref<128xi32, #tpu.memory_space<vmem>>
    %dma_start3A_15 = arith.constant 0 : i32
    %dma_start3A_16 = arith.constant 0 : i32
    %dma_start3A_17 = tpu.memref_slice %arg2[%arg0, %dma_start3A_15, %dma_start3A_16] : memref<2x10240x64xf32, #tpu.memory_space<hbm>> -> memref<1x10240x64xf32, #tpu.memory_space<hbm>>
    %dma_start3A_18 = tpu.memref_squeeze %dma_start3A_17 : memref<1x10240x64xf32, #tpu.memory_space<hbm>> -> memref<10240x64xf32, #tpu.memory_space<hbm>>
    %dma_start3A_19 = arith.constant 0 : i32
    %dma_start3A_20 = arith.constant 0 : i32
    %dma_start3A_21 = tpu.memref_slice %dma_start3A_18[%dma_start3A_19, %dma_start3A_20] : memref<10240x64xf32, #tpu.memory_space<hbm>> -> memref<10240x64xf32, #tpu.memory_space<hbm>>
    tpu.enqueue_indirect_dma source(%dma_start3A_21 : memref<10240x64xf32, #tpu.memory_space<hbm>>) target(%arg10 : memref<128x64xf32, #tpu.memory_space<vmem>>) offsets(%dma_start3A_14 : memref<128xi32, #tpu.memory_space<vmem>>) semaphore(%arg16 : memref<!tpu.dma_semaphore, #tpu.memory_space<semaphore_mem>>)
    %dma_start3A_22 = arith.constant 2 : i32
    %dma_start3A_23 = arith.constant 0 : i32
    %dma_start3A_24 = tpu.memref_slice %arg7[%dma_start3A_22, %dma_start3A_23] : memref<160x128xi32, #tpu.memory_space<vmem>> -> memref<1x128xi32, #tpu.memory_space<vmem>>
    %dma_start3A_25 = tpu.memref_squeeze %dma_start3A_24 : memref<1x128xi32, #tpu.memory_space<vmem>> -> memref<128xi32, #tpu.memory_space<vmem>>
    %dma_start3A_26 = arith.constant 0 : i32
    %dma_start3A_27 = arith.constant 0 : i32
    %dma_start3A_28 = tpu.memref_slice %arg2[%arg0, %dma_start3A_26, %dma_start3A_27] : memref<2x10240x64xf32, #tpu.memory_space<hbm>> -> memref<1x10240x64xf32, #tpu.memory_space<hbm>>
    %dma_start3A_29 = tpu.memref_squeeze %dma_start3A_28 : memref<1x10240x64xf32, #tpu.memory_space<hbm>> -> memref<10240x64xf32, #tpu.memory_space<hbm>>
    %dma_start3A_30 = arith.constant 0 : i32
    %dma_start3A_31 = arith.constant 0 : i32
    %dma_start3A_32 = tpu.memref_slice %dma_start3A_29[%dma_start3A_30, %dma_start3A_31] : memref<10240x64xf32, #tpu.memory_space<hbm>> -> memref<10240x64xf32, #tpu.memory_space<hbm>>
    tpu.enqueue_indirect_dma source(%dma_start3A_32 : memref<10240x64xf32, #tpu.memory_space<hbm>>) target(%arg11 : memref<128x64xf32, #tpu.memory_space<vmem>>) offsets(%dma_start3A_25 : memref<128xi32, #tpu.memory_space<vmem>>) semaphore(%arg17 : memref<!tpu.dma_semaphore, #tpu.memory_space<semaphore_mem>>)
    %dma_start3A_33 = arith.constant 3 : i32
    %dma_start3A_34 = arith.constant 0 : i32
    %dma_start3A_35 = tpu.memref_slice %arg7[%dma_start3A_33, %dma_start3A_34] : memref<160x128xi32, #tpu.memory_space<vmem>> -> memref<1x128xi32, #tpu.memory_space<vmem>>
    %dma_start3A_36 = tpu.memref_squeeze %dma_start3A_35 : memref<1x128xi32, #tpu.memory_space<vmem>> -> memref<128xi32, #tpu.memory_space<vmem>>
    %dma_start3A_37 = arith.constant 0 : i32
    %dma_start3A_38 = arith.constant 0 : i32
    %dma_start3A_39 = tpu.memref_slice %arg2[%arg0, %dma_start3A_37, %dma_start3A_38] : memref<2x10240x64xf32, #tpu.memory_space<hbm>> -> memref<1x10240x64xf32, #tpu.memory_space<hbm>>
    %dma_start3A_40 = tpu.memref_squeeze %dma_start3A_39 : memref<1x10240x64xf32, #tpu.memory_space<hbm>> -> memref<10240x64xf32, #tpu.memory_space<hbm>>
    %dma_start3A_41 = arith.constant 0 : i32
    %dma_start3A_42 = arith.constant 0 : i32
    %dma_start3A_43 = tpu.memref_slice %dma_start3A_40[%dma_start3A_41, %dma_start3A_42] : memref<10240x64xf32, #tpu.memory_space<hbm>> -> memref<10240x64xf32, #tpu.memory_space<hbm>>
    tpu.enqueue_indirect_dma source(%dma_start3A_43 : memref<10240x64xf32, #tpu.memory_space<hbm>>) target(%arg12 : memref<128x64xf32, #tpu.memory_space<vmem>>) offsets(%dma_start3A_36 : memref<128xi32, #tpu.memory_space<vmem>>) semaphore(%arg18 : memref<!tpu.dma_semaphore, #tpu.memory_space<semaphore_mem>>)
    %dma_start3A_44 = arith.constant 4 : i32
    %dma_start3A_45 = arith.constant 0 : i32
    %dma_start3A_46 = tpu.memref_slice %arg7[%dma_start3A_44, %dma_start3A_45] : memref<160x128xi32, #tpu.memory_space<vmem>> -> memref<1x128xi32, #tpu.memory_space<vmem>>
    %dma_start3A_47 = tpu.memref_squeeze %dma_start3A_46 : memref<1x128xi32, #tpu.memory_space<vmem>> -> memref<128xi32, #tpu.memory_space<vmem>>
    %dma_start3A_48 = arith.constant 0 : i32
    %dma_start3A_49 = arith.constant 0 : i32
    %dma_start3A_50 = tpu.memref_slice %arg2[%arg0, %dma_start3A_48, %dma_start3A_49] : memref<2x10240x64xf32, #tpu.memory_space<hbm>> -> memref<1x10240x64xf32, #tpu.memory_space<hbm>>
    %dma_start3A_51 = tpu.memref_squeeze %dma_start3A_50 : memref<1x10240x64xf32, #tpu.memory_space<hbm>> -> memref<10240x64xf32, #tpu.memory_space<hbm>>
    %dma_start3A_52 = arith.constant 0 : i32
    %dma_start3A_53 = arith.constant 0 : i32
    %dma_start3A_54 = tpu.memref_slice %dma_start3A_51[%dma_start3A_52, %dma_start3A_53] : memref<10240x64xf32, #tpu.memory_space<hbm>> -> memref<10240x64xf32, #tpu.memory_space<hbm>>
    tpu.enqueue_indirect_dma source(%dma_start3A_54 : memref<10240x64xf32, #tpu.memory_space<hbm>>) target(%arg13 : memref<128x64xf32, #tpu.memory_space<vmem>>) offsets(%dma_start3A_47 : memref<128xi32, #tpu.memory_space<vmem>>) semaphore(%arg19 : memref<!tpu.dma_semaphore, #tpu.memory_space<semaphore_mem>>)
    %scan3A = arith.constant 0 : i32
    %scan3A_55 = arith.constant 0 : i32
    %scan3A_56 = arith.constant 32 : i32
    %scan3A_57 = arith.addi %scan3A_55, %scan3A_56 : i32
    %scan3A_58 = arith.constant 1 : i32
    scf.for %scan3A_115 = %scan3A_55 to %scan3A_57 step %scan3A_58  : i32 {
      %mul3A_116 = arith.constant 5 : i32
      %mul3A_117 = arith.muli %mul3A_116, %scan3A_115 : i32
      %add3A = arith.constant 0 : i32
      %add3A_118 = arith.addi %mul3A_117, %add3A : i32
      %dma_wait3A_119 = arith.constant 0 : i32
      %dma_wait3A_120 = tpu.memref_slice %arg7[%add3A_118, %dma_wait3A_119] : memref<160x128xi32, #tpu.memory_space<vmem>> -> memref<1x128xi32, #tpu.memory_space<vmem>>
      %dma_wait3A_121 = tpu.memref_squeeze %dma_wait3A_120 : memref<1x128xi32, #tpu.memory_space<vmem>> -> memref<128xi32, #tpu.memory_space<vmem>>
      %dma_wait3A_122 = arith.constant 0 : i32
      %dma_wait3A_123 = arith.constant 0 : i32
      %dma_wait3A_124 = tpu.memref_slice %arg2[%arg0, %dma_wait3A_122, %dma_wait3A_123] : memref<2x10240x64xf32, #tpu.memory_space<hbm>> -> memref<1x10240x64xf32, #tpu.memory_space<hbm>>
      %dma_wait3A_125 = tpu.memref_squeeze %dma_wait3A_124 : memref<1x10240x64xf32, #tpu.memory_space<hbm>> -> memref<10240x64xf32, #tpu.memory_space<hbm>>
      %dma_wait3A_126 = arith.constant 0 : i32
      %dma_wait3A_127 = arith.constant 0 : i32
      %dma_wait3A_128 = tpu.memref_slice %dma_wait3A_125[%dma_wait3A_126, %dma_wait3A_127] : memref<10240x64xf32, #tpu.memory_space<hbm>> -> memref<10240x64xf32, #tpu.memory_space<hbm>>
      tpu.wait_indirect_dma semaphore(%arg15 : memref<!tpu.dma_semaphore, #tpu.memory_space<semaphore_mem>>) src(%dma_wait3A_128 : memref<10240x64xf32, #tpu.memory_space<hbm>>) dst(%arg9 : memref<128x64xf32, #tpu.memory_space<vmem>>)
      %add3A_129 = arith.constant 0 : i32
      %add3A_130 = arith.addi %mul3A_117, %add3A_129 : i32
      %dma_start3A_131 = arith.constant 0 : i32
      %dma_start3A_132 = tpu.memref_slice %arg8[%add3A_130, %dma_start3A_131] : memref<160x128xi32, #tpu.memory_space<vmem>> -> memref<1x128xi32, #tpu.memory_space<vmem>>
      %dma_start3A_133 = tpu.memref_squeeze %dma_start3A_132 : memref<1x128xi32, #tpu.memory_space<vmem>> -> memref<128xi32, #tpu.memory_space<vmem>>
      %dma_start3A_134 = arith.constant 0 : i32
      %dma_start3A_135 = arith.constant 0 : i32
      %dma_start3A_136 = tpu.memref_slice %arg14[%dma_start3A_134, %dma_start3A_135] : memref<10240x64xf32, #tpu.memory_space<vmem_shared>> -> memref<10240x64xf32, #tpu.memory_space<vmem_shared>>
      tpu.enqueue_indirect_dma source(%arg9 : memref<128x64xf32, #tpu.memory_space<vmem>>) target(%dma_start3A_136 : memref<10240x64xf32, #tpu.memory_space<vmem_shared>>) offsets(%dma_start3A_133 : memref<128xi32, #tpu.memory_space<vmem>>) semaphore(%arg20 : memref<!tpu.dma_semaphore, #tpu.memory_space<semaphore_mem>>) {add = true}
      %add3A_137 = arith.constant 1 : i32
      %add3A_138 = arith.addi %mul3A_117, %add3A_137 : i32
      %dma_wait3A_139 = arith.constant 0 : i32
      %dma_wait3A_140 = tpu.memref_slice %arg7[%add3A_138, %dma_wait3A_139] : memref<160x128xi32, #tpu.memory_space<vmem>> -> memref<1x128xi32, #tpu.memory_space<vmem>>
      %dma_wait3A_141 = tpu.memref_squeeze %dma_wait3A_140 : memref<1x128xi32, #tpu.memory_space<vmem>> -> memref<128xi32, #tpu.memory_space<vmem>>
      %dma_wait3A_142 = arith.constant 0 : i32
      %dma_wait3A_143 = arith.constant 0 : i32
      %dma_wait3A_144 = tpu.memref_slice %arg2[%arg0, %dma_wait3A_142, %dma_wait3A_143] : memref<2x10240x64xf32, #tpu.memory_space<hbm>> -> memref<1x10240x64xf32, #tpu.memory_space<hbm>>
      %dma_wait3A_145 = tpu.memref_squeeze %dma_wait3A_144 : memref<1x10240x64xf32, #tpu.memory_space<hbm>> -> memref<10240x64xf32, #tpu.memory_space<hbm>>
      %dma_wait3A_146 = arith.constant 0 : i32
      %dma_wait3A_147 = arith.constant 0 : i32
      %dma_wait3A_148 = tpu.memref_slice %dma_wait3A_145[%dma_wait3A_146, %dma_wait3A_147] : memref<10240x64xf32, #tpu.memory_space<hbm>> -> memref<10240x64xf32, #tpu.memory_space<hbm>>
      tpu.wait_indirect_dma semaphore(%arg16 : memref<!tpu.dma_semaphore, #tpu.memory_space<semaphore_mem>>) src(%dma_wait3A_148 : memref<10240x64xf32, #tpu.memory_space<hbm>>) dst(%arg10 : memref<128x64xf32, #tpu.memory_space<vmem>>)
      %add3A_149 = arith.constant 1 : i32
      %add3A_150 = arith.addi %mul3A_117, %add3A_149 : i32
      %dma_start3A_151 = arith.constant 0 : i32
      %dma_start3A_152 = tpu.memref_slice %arg8[%add3A_150, %dma_start3A_151] : memref<160x128xi32, #tpu.memory_space<vmem>> -> memref<1x128xi32, #tpu.memory_space<vmem>>
      %dma_start3A_153 = tpu.memref_squeeze %dma_start3A_152 : memref<1x128xi32, #tpu.memory_space<vmem>> -> memref<128xi32, #tpu.memory_space<vmem>>
      %dma_start3A_154 = arith.constant 0 : i32
      %dma_start3A_155 = arith.constant 0 : i32
      %dma_start3A_156 = tpu.memref_slice %arg14[%dma_start3A_154, %dma_start3A_155] : memref<10240x64xf32, #tpu.memory_space<vmem_shared>> -> memref<10240x64xf32, #tpu.memory_space<vmem_shared>>
      tpu.enqueue_indirect_dma source(%arg10 : memref<128x64xf32, #tpu.memory_space<vmem>>) target(%dma_start3A_156 : memref<10240x64xf32, #tpu.memory_space<vmem_shared>>) offsets(%dma_start3A_153 : memref<128xi32, #tpu.memory_space<vmem>>) semaphore(%arg21 : memref<!tpu.dma_semaphore, #tpu.memory_space<semaphore_mem>>) {add = true}
      %add3A_157 = arith.constant 2 : i32
      %add3A_158 = arith.addi %mul3A_117, %add3A_157 : i32
      %dma_wait3A_159 = arith.constant 0 : i32
      %dma_wait3A_160 = tpu.memref_slice %arg7[%add3A_158, %dma_wait3A_159] : memref<160x128xi32, #tpu.memory_space<vmem>> -> memref<1x128xi32, #tpu.memory_space<vmem>>
      %dma_wait3A_161 = tpu.memref_squeeze %dma_wait3A_160 : memref<1x128xi32, #tpu.memory_space<vmem>> -> memref<128xi32, #tpu.memory_space<vmem>>
      %dma_wait3A_162 = arith.constant 0 : i32
      %dma_wait3A_163 = arith.constant 0 : i32
      %dma_wait3A_164 = tpu.memref_slice %arg2[%arg0, %dma_wait3A_162, %dma_wait3A_163] : memref<2x10240x64xf32, #tpu.memory_space<hbm>> -> memref<1x10240x64xf32, #tpu.memory_space<hbm>>
      %dma_wait3A_165 = tpu.memref_squeeze %dma_wait3A_164 : memref<1x10240x64xf32, #tpu.memory_space<hbm>> -> memref<10240x64xf32, #tpu.memory_space<hbm>>
      %dma_wait3A_166 = arith.constant 0 : i32
      %dma_wait3A_167 = arith.constant 0 : i32
      %dma_wait3A_168 = tpu.memref_slice %dma_wait3A_165[%dma_wait3A_166, %dma_wait3A_167] : memref<10240x64xf32, #tpu.memory_space<hbm>> -> memref<10240x64xf32, #tpu.memory_space<hbm>>
      tpu.wait_indirect_dma semaphore(%arg17 : memref<!tpu.dma_semaphore, #tpu.memory_space<semaphore_mem>>) src(%dma_wait3A_168 : memref<10240x64xf32, #tpu.memory_space<hbm>>) dst(%arg11 : memref<128x64xf32, #tpu.memory_space<vmem>>)
      %add3A_169 = arith.constant 2 : i32
      %add3A_170 = arith.addi %mul3A_117, %add3A_169 : i32
      %dma_start3A_171 = arith.constant 0 : i32
      %dma_start3A_172 = tpu.memref_slice %arg8[%add3A_170, %dma_start3A_171] : memref<160x128xi32, #tpu.memory_space<vmem>> -> memref<1x128xi32, #tpu.memory_space<vmem>>
      %dma_start3A_173 = tpu.memref_squeeze %dma_start3A_172 : memref<1x128xi32, #tpu.memory_space<vmem>> -> memref<128xi32, #tpu.memory_space<vmem>>
      %dma_start3A_174 = arith.constant 0 : i32
      %dma_start3A_175 = arith.constant 0 : i32
      %dma_start3A_176 = tpu.memref_slice %arg14[%dma_start3A_174, %dma_start3A_175] : memref<10240x64xf32, #tpu.memory_space<vmem_shared>> -> memref<10240x64xf32, #tpu.memory_space<vmem_shared>>
      tpu.enqueue_indirect_dma source(%arg11 : memref<128x64xf32, #tpu.memory_space<vmem>>) target(%dma_start3A_176 : memref<10240x64xf32, #tpu.memory_space<vmem_shared>>) offsets(%dma_start3A_173 : memref<128xi32, #tpu.memory_space<vmem>>) semaphore(%arg22 : memref<!tpu.dma_semaphore, #tpu.memory_space<semaphore_mem>>) {add = true}
      %add3A_177 = arith.constant 3 : i32
      %add3A_178 = arith.addi %mul3A_117, %add3A_177 : i32
      %dma_wait3A_179 = arith.constant 0 : i32
      %dma_wait3A_180 = tpu.memref_slice %arg7[%add3A_178, %dma_wait3A_179] : memref<160x128xi32, #tpu.memory_space<vmem>> -> memref<1x128xi32, #tpu.memory_space<vmem>>
      %dma_wait3A_181 = tpu.memref_squeeze %dma_wait3A_180 : memref<1x128xi32, #tpu.memory_space<vmem>> -> memref<128xi32, #tpu.memory_space<vmem>>
      %dma_wait3A_182 = arith.constant 0 : i32
      %dma_wait3A_183 = arith.constant 0 : i32
      %dma_wait3A_184 = tpu.memref_slice %arg2[%arg0, %dma_wait3A_182, %dma_wait3A_183] : memref<2x10240x64xf32, #tpu.memory_space<hbm>> -> memref<1x10240x64xf32, #tpu.memory_space<hbm>>
      %dma_wait3A_185 = tpu.memref_squeeze %dma_wait3A_184 : memref<1x10240x64xf32, #tpu.memory_space<hbm>> -> memref<10240x64xf32, #tpu.memory_space<hbm>>
      %dma_wait3A_186 = arith.constant 0 : i32
      %dma_wait3A_187 = arith.constant 0 : i32
      %dma_wait3A_188 = tpu.memref_slice %dma_wait3A_185[%dma_wait3A_186, %dma_wait3A_187] : memref<10240x64xf32, #tpu.memory_space<hbm>> -> memref<10240x64xf32, #tpu.memory_space<hbm>>
      tpu.wait_indirect_dma semaphore(%arg18 : memref<!tpu.dma_semaphore, #tpu.memory_space<semaphore_mem>>) src(%dma_wait3A_188 : memref<10240x64xf32, #tpu.memory_space<hbm>>) dst(%arg12 : memref<128x64xf32, #tpu.memory_space<vmem>>)
      %add3A_189 = arith.constant 3 : i32
      %add3A_190 = arith.addi %mul3A_117, %add3A_189 : i32
      %dma_start3A_191 = arith.constant 0 : i32
      %dma_start3A_192 = tpu.memref_slice %arg8[%add3A_190, %dma_start3A_191] : memref<160x128xi32, #tpu.memory_space<vmem>> -> memref<1x128xi32, #tpu.memory_space<vmem>>
      %dma_start3A_193 = tpu.memref_squeeze %dma_start3A_192 : memref<1x128xi32, #tpu.memory_space<vmem>> -> memref<128xi32, #tpu.memory_space<vmem>>
      %dma_start3A_194 = arith.constant 0 : i32
      %dma_start3A_195 = arith.constant 0 : i32
      %dma_start3A_196 = tpu.memref_slice %arg14[%dma_start3A_194, %dma_start3A_195] : memref<10240x64xf32, #tpu.memory_space<vmem_shared>> -> memref<10240x64xf32, #tpu.memory_space<vmem_shared>>
      tpu.enqueue_indirect_dma source(%arg12 : memref<128x64xf32, #tpu.memory_space<vmem>>) target(%dma_start3A_196 : memref<10240x64xf32, #tpu.memory_space<vmem_shared>>) offsets(%dma_start3A_193 : memref<128xi32, #tpu.memory_space<vmem>>) semaphore(%arg23 : memref<!tpu.dma_semaphore, #tpu.memory_space<semaphore_mem>>) {add = true}
      %add3A_197 = arith.constant 4 : i32
      %add3A_198 = arith.addi %mul3A_117, %add3A_197 : i32
      %dma_wait3A_199 = arith.constant 0 : i32
      %dma_wait3A_200 = tpu.memref_slice %arg7[%add3A_198, %dma_wait3A_199] : memref<160x128xi32, #tpu.memory_space<vmem>> -> memref<1x128xi32, #tpu.memory_space<vmem>>
      %dma_wait3A_201 = tpu.memref_squeeze %dma_wait3A_200 : memref<1x128xi32, #tpu.memory_space<vmem>> -> memref<128xi32, #tpu.memory_space<vmem>>
      %dma_wait3A_202 = arith.constant 0 : i32
      %dma_wait3A_203 = arith.constant 0 : i32
      %dma_wait3A_204 = tpu.memref_slice %arg2[%arg0, %dma_wait3A_202, %dma_wait3A_203] : memref<2x10240x64xf32, #tpu.memory_space<hbm>> -> memref<1x10240x64xf32, #tpu.memory_space<hbm>>
      %dma_wait3A_205 = tpu.memref_squeeze %dma_wait3A_204 : memref<1x10240x64xf32, #tpu.memory_space<hbm>> -> memref<10240x64xf32, #tpu.memory_space<hbm>>
      %dma_wait3A_206 = arith.constant 0 : i32
      %dma_wait3A_207 = arith.constant 0 : i32
      %dma_wait3A_208 = tpu.memref_slice %dma_wait3A_205[%dma_wait3A_206, %dma_wait3A_207] : memref<10240x64xf32, #tpu.memory_space<hbm>> -> memref<10240x64xf32, #tpu.memory_space<hbm>>
      tpu.wait_indirect_dma semaphore(%arg19 : memref<!tpu.dma_semaphore, #tpu.memory_space<semaphore_mem>>) src(%dma_wait3A_208 : memref<10240x64xf32, #tpu.memory_space<hbm>>) dst(%arg13 : memref<128x64xf32, #tpu.memory_space<vmem>>)
      %add3A_209 = arith.constant 4 : i32
      %add3A_210 = arith.addi %mul3A_117, %add3A_209 : i32
      %dma_start3A_211 = arith.constant 0 : i32
      %dma_start3A_212 = tpu.memref_slice %arg8[%add3A_210, %dma_start3A_211] : memref<160x128xi32, #tpu.memory_space<vmem>> -> memref<1x128xi32, #tpu.memory_space<vmem>>
      %dma_start3A_213 = tpu.memref_squeeze %dma_start3A_212 : memref<1x128xi32, #tpu.memory_space<vmem>> -> memref<128xi32, #tpu.memory_space<vmem>>
      %dma_start3A_214 = arith.constant 0 : i32
      %dma_start3A_215 = arith.constant 0 : i32
      %dma_start3A_216 = tpu.memref_slice %arg14[%dma_start3A_214, %dma_start3A_215] : memref<10240x64xf32, #tpu.memory_space<vmem_shared>> -> memref<10240x64xf32, #tpu.memory_space<vmem_shared>>
      tpu.enqueue_indirect_dma source(%arg13 : memref<128x64xf32, #tpu.memory_space<vmem>>) target(%dma_start3A_216 : memref<10240x64xf32, #tpu.memory_space<vmem_shared>>) offsets(%dma_start3A_213 : memref<128xi32, #tpu.memory_space<vmem>>) semaphore(%arg24 : memref<!tpu.dma_semaphore, #tpu.memory_space<semaphore_mem>>) {add = true}
      %add3A_217 = arith.constant 0 : i32
      %add3A_218 = arith.addi %mul3A_117, %add3A_217 : i32
      %dma_wait3A_219 = arith.constant 0 : i32
      %dma_wait3A_220 = tpu.memref_slice %arg8[%add3A_218, %dma_wait3A_219] : memref<160x128xi32, #tpu.memory_space<vmem>> -> memref<1x128xi32, #tpu.memory_space<vmem>>
      %dma_wait3A_221 = tpu.memref_squeeze %dma_wait3A_220 : memref<1x128xi32, #tpu.memory_space<vmem>> -> memref<128xi32, #tpu.memory_space<vmem>>
      %dma_wait3A_222 = arith.constant 0 : i32
      %dma_wait3A_223 = arith.constant 0 : i32
      %dma_wait3A_224 = tpu.memref_slice %arg14[%dma_wait3A_222, %dma_wait3A_223] : memref<10240x64xf32, #tpu.memory_space<vmem_shared>> -> memref<10240x64xf32, #tpu.memory_space<vmem_shared>>
      tpu.wait_indirect_dma semaphore(%arg20 : memref<!tpu.dma_semaphore, #tpu.memory_space<semaphore_mem>>) src(%arg9 : memref<128x64xf32, #tpu.memory_space<vmem>>) dst(%dma_wait3A_224 : memref<10240x64xf32, #tpu.memory_space<vmem_shared>>)
      %add3A_225 = arith.constant 5 : i32
      %add3A_226 = arith.addi %mul3A_117, %add3A_225 : i32
      %add3A_227 = arith.constant 0 : i32
      %add3A_228 = arith.addi %add3A_226, %add3A_227 : i32
      %min3A = arith.constant 159 : i32
      %min3A_229 = arith.minsi %add3A_228, %min3A : i32
      %dma_start3A_230 = arith.constant 0 : i32
      %dma_start3A_231 = tpu.memref_slice %arg7[%min3A_229, %dma_start3A_230] : memref<160x128xi32, #tpu.memory_space<vmem>> -> memref<1x128xi32, #tpu.memory_space<vmem>>
      %dma_start3A_232 = tpu.memref_squeeze %dma_start3A_231 : memref<1x128xi32, #tpu.memory_space<vmem>> -> memref<128xi32, #tpu.memory_space<vmem>>
      %dma_start3A_233 = arith.constant 0 : i32
      %dma_start3A_234 = arith.constant 0 : i32
      %dma_start3A_235 = tpu.memref_slice %arg2[%arg0, %dma_start3A_233, %dma_start3A_234] : memref<2x10240x64xf32, #tpu.memory_space<hbm>> -> memref<1x10240x64xf32, #tpu.memory_space<hbm>>
      %dma_start3A_236 = tpu.memref_squeeze %dma_start3A_235 : memref<1x10240x64xf32, #tpu.memory_space<hbm>> -> memref<10240x64xf32, #tpu.memory_space<hbm>>
      %dma_start3A_237 = arith.constant 0 : i32
      %dma_start3A_238 = arith.constant 0 : i32
      %dma_start3A_239 = tpu.memref_slice %dma_start3A_236[%dma_start3A_237, %dma_start3A_238] : memref<10240x64xf32, #tpu.memory_space<hbm>> -> memref<10240x64xf32, #tpu.memory_space<hbm>>
      tpu.enqueue_indirect_dma source(%dma_start3A_239 : memref<10240x64xf32, #tpu.memory_space<hbm>>) target(%arg9 : memref<128x64xf32, #tpu.memory_space<vmem>>) offsets(%dma_start3A_232 : memref<128xi32, #tpu.memory_space<vmem>>) semaphore(%arg15 : memref<!tpu.dma_semaphore, #tpu.memory_space<semaphore_mem>>)
      %add3A_240 = arith.constant 1 : i32
      %add3A_241 = arith.addi %mul3A_117, %add3A_240 : i32
      %dma_wait3A_242 = arith.constant 0 : i32
      %dma_wait3A_243 = tpu.memref_slice %arg8[%add3A_241, %dma_wait3A_242] : memref<160x128xi32, #tpu.memory_space<vmem>> -> memref<1x128xi32, #tpu.memory_space<vmem>>
      %dma_wait3A_244 = tpu.memref_squeeze %dma_wait3A_243 : memref<1x128xi32, #tpu.memory_space<vmem>> -> memref<128xi32, #tpu.memory_space<vmem>>
      %dma_wait3A_245 = arith.constant 0 : i32
      %dma_wait3A_246 = arith.constant 0 : i32
      %dma_wait3A_247 = tpu.memref_slice %arg14[%dma_wait3A_245, %dma_wait3A_246] : memref<10240x64xf32, #tpu.memory_space<vmem_shared>> -> memref<10240x64xf32, #tpu.memory_space<vmem_shared>>
      tpu.wait_indirect_dma semaphore(%arg21 : memref<!tpu.dma_semaphore, #tpu.memory_space<semaphore_mem>>) src(%arg10 : memref<128x64xf32, #tpu.memory_space<vmem>>) dst(%dma_wait3A_247 : memref<10240x64xf32, #tpu.memory_space<vmem_shared>>)
      %add3A_248 = arith.constant 5 : i32
      %add3A_249 = arith.addi %mul3A_117, %add3A_248 : i32
      %add3A_250 = arith.constant 1 : i32
      %add3A_251 = arith.addi %add3A_249, %add3A_250 : i32
      %min3A_252 = arith.constant 159 : i32
      %min3A_253 = arith.minsi %add3A_251, %min3A_252 : i32
      %dma_start3A_254 = arith.constant 0 : i32
      %dma_start3A_255 = tpu.memref_slice %arg7[%min3A_253, %dma_start3A_254] : memref<160x128xi32, #tpu.memory_space<vmem>> -> memref<1x128xi32, #tpu.memory_space<vmem>>
      %dma_start3A_256 = tpu.memref_squeeze %dma_start3A_255 : memref<1x128xi32, #tpu.memory_space<vmem>> -> memref<128xi32, #tpu.memory_space<vmem>>
      %dma_start3A_257 = arith.constant 0 : i32
      %dma_start3A_258 = arith.constant 0 : i32
      %dma_start3A_259 = tpu.memref_slice %arg2[%arg0, %dma_start3A_257, %dma_start3A_258] : memref<2x10240x64xf32, #tpu.memory_space<hbm>> -> memref<1x10240x64xf32, #tpu.memory_space<hbm>>
      %dma_start3A_260 = tpu.memref_squeeze %dma_start3A_259 : memref<1x10240x64xf32, #tpu.memory_space<hbm>> -> memref<10240x64xf32, #tpu.memory_space<hbm>>
      %dma_start3A_261 = arith.constant 0 : i32
      %dma_start3A_262 = arith.constant 0 : i32
      %dma_start3A_263 = tpu.memref_slice %dma_start3A_260[%dma_start3A_261, %dma_start3A_262] : memref<10240x64xf32, #tpu.memory_space<hbm>> -> memref<10240x64xf32, #tpu.memory_space<hbm>>
      tpu.enqueue_indirect_dma source(%dma_start3A_263 : memref<10240x64xf32, #tpu.memory_space<hbm>>) target(%arg10 : memref<128x64xf32, #tpu.memory_space<vmem>>) offsets(%dma_start3A_256 : memref<128xi32, #tpu.memory_space<vmem>>) semaphore(%arg16 : memref<!tpu.dma_semaphore, #tpu.memory_space<semaphore_mem>>)
      %add3A_264 = arith.constant 2 : i32
      %add3A_265 = arith.addi %mul3A_117, %add3A_264 : i32
      %dma_wait3A_266 = arith.constant 0 : i32
      %dma_wait3A_267 = tpu.memref_slice %arg8[%add3A_265, %dma_wait3A_266] : memref<160x128xi32, #tpu.memory_space<vmem>> -> memref<1x128xi32, #tpu.memory_space<vmem>>
      %dma_wait3A_268 = tpu.memref_squeeze %dma_wait3A_267 : memref<1x128xi32, #tpu.memory_space<vmem>> -> memref<128xi32, #tpu.memory_space<vmem>>
      %dma_wait3A_269 = arith.constant 0 : i32
      %dma_wait3A_270 = arith.constant 0 : i32
      %dma_wait3A_271 = tpu.memref_slice %arg14[%dma_wait3A_269, %dma_wait3A_270] : memref<10240x64xf32, #tpu.memory_space<vmem_shared>> -> memref<10240x64xf32, #tpu.memory_space<vmem_shared>>
      tpu.wait_indirect_dma semaphore(%arg22 : memref<!tpu.dma_semaphore, #tpu.memory_space<semaphore_mem>>) src(%arg11 : memref<128x64xf32, #tpu.memory_space<vmem>>) dst(%dma_wait3A_271 : memref<10240x64xf32, #tpu.memory_space<vmem_shared>>)
      %add3A_272 = arith.constant 5 : i32
      %add3A_273 = arith.addi %mul3A_117, %add3A_272 : i32
      %add3A_274 = arith.constant 2 : i32
      %add3A_275 = arith.addi %add3A_273, %add3A_274 : i32
      %min3A_276 = arith.constant 159 : i32
      %min3A_277 = arith.minsi %add3A_275, %min3A_276 : i32
      %dma_start3A_278 = arith.constant 0 : i32
      %dma_start3A_279 = tpu.memref_slice %arg7[%min3A_277, %dma_start3A_278] : memref<160x128xi32, #tpu.memory_space<vmem>> -> memref<1x128xi32, #tpu.memory_space<vmem>>
      %dma_start3A_280 = tpu.memref_squeeze %dma_start3A_279 : memref<1x128xi32, #tpu.memory_space<vmem>> -> memref<128xi32, #tpu.memory_space<vmem>>
      %dma_start3A_281 = arith.constant 0 : i32
      %dma_start3A_282 = arith.constant 0 : i32
      %dma_start3A_283 = tpu.memref_slice %arg2[%arg0, %dma_start3A_281, %dma_start3A_282] : memref<2x10240x64xf32, #tpu.memory_space<hbm>> -> memref<1x10240x64xf32, #tpu.memory_space<hbm>>
      %dma_start3A_284 = tpu.memref_squeeze %dma_start3A_283 : memref<1x10240x64xf32, #tpu.memory_space<hbm>> -> memref<10240x64xf32, #tpu.memory_space<hbm>>
      %dma_start3A_285 = arith.constant 0 : i32
      %dma_start3A_286 = arith.constant 0 : i32
      %dma_start3A_287 = tpu.memref_slice %dma_start3A_284[%dma_start3A_285, %dma_start3A_286] : memref<10240x64xf32, #tpu.memory_space<hbm>> -> memref<10240x64xf32, #tpu.memory_space<hbm>>
      tpu.enqueue_indirect_dma source(%dma_start3A_287 : memref<10240x64xf32, #tpu.memory_space<hbm>>) target(%arg11 : memref<128x64xf32, #tpu.memory_space<vmem>>) offsets(%dma_start3A_280 : memref<128xi32, #tpu.memory_space<vmem>>) semaphore(%arg17 : memref<!tpu.dma_semaphore, #tpu.memory_space<semaphore_mem>>)
      %add3A_288 = arith.constant 3 : i32
      %add3A_289 = arith.addi %mul3A_117, %add3A_288 : i32
      %dma_wait3A_290 = arith.constant 0 : i32
      %dma_wait3A_291 = tpu.memref_slice %arg8[%add3A_289, %dma_wait3A_290] : memref<160x128xi32, #tpu.memory_space<vmem>> -> memref<1x128xi32, #tpu.memory_space<vmem>>
      %dma_wait3A_292 = tpu.memref_squeeze %dma_wait3A_291 : memref<1x128xi32, #tpu.memory_space<vmem>> -> memref<128xi32, #tpu.memory_space<vmem>>
      %dma_wait3A_293 = arith.constant 0 : i32
      %dma_wait3A_294 = arith.constant 0 : i32
      %dma_wait3A_295 = tpu.memref_slice %arg14[%dma_wait3A_293, %dma_wait3A_294] : memref<10240x64xf32, #tpu.memory_space<vmem_shared>> -> memref<10240x64xf32, #tpu.memory_space<vmem_shared>>
      tpu.wait_indirect_dma semaphore(%arg23 : memref<!tpu.dma_semaphore, #tpu.memory_space<semaphore_mem>>) src(%arg12 : memref<128x64xf32, #tpu.memory_space<vmem>>) dst(%dma_wait3A_295 : memref<10240x64xf32, #tpu.memory_space<vmem_shared>>)
      %add3A_296 = arith.constant 5 : i32
      %add3A_297 = arith.addi %mul3A_117, %add3A_296 : i32
      %add3A_298 = arith.constant 3 : i32
      %add3A_299 = arith.addi %add3A_297, %add3A_298 : i32
      %min3A_300 = arith.constant 159 : i32
      %min3A_301 = arith.minsi %add3A_299, %min3A_300 : i32
      %dma_start3A_302 = arith.constant 0 : i32
      %dma_start3A_303 = tpu.memref_slice %arg7[%min3A_301, %dma_start3A_302] : memref<160x128xi32, #tpu.memory_space<vmem>> -> memref<1x128xi32, #tpu.memory_space<vmem>>
      %dma_start3A_304 = tpu.memref_squeeze %dma_start3A_303 : memref<1x128xi32, #tpu.memory_space<vmem>> -> memref<128xi32, #tpu.memory_space<vmem>>
      %dma_start3A_305 = arith.constant 0 : i32
      %dma_start3A_306 = arith.constant 0 : i32
      %dma_start3A_307 = tpu.memref_slice %arg2[%arg0, %dma_start3A_305, %dma_start3A_306] : memref<2x10240x64xf32, #tpu.memory_space<hbm>> -> memref<1x10240x64xf32, #tpu.memory_space<hbm>>
      %dma_start3A_308 = tpu.memref_squeeze %dma_start3A_307 : memref<1x10240x64xf32, #tpu.memory_space<hbm>> -> memref<10240x64xf32, #tpu.memory_space<hbm>>
      %dma_start3A_309 = arith.constant 0 : i32
      %dma_start3A_310 = arith.constant 0 : i32
      %dma_start3A_311 = tpu.memref_slice %dma_start3A_308[%dma_start3A_309, %dma_start3A_310] : memref<10240x64xf32, #tpu.memory_space<hbm>> -> memref<10240x64xf32, #tpu.memory_space<hbm>>
      tpu.enqueue_indirect_dma source(%dma_start3A_311 : memref<10240x64xf32, #tpu.memory_space<hbm>>) target(%arg12 : memref<128x64xf32, #tpu.memory_space<vmem>>) offsets(%dma_start3A_304 : memref<128xi32, #tpu.memory_space<vmem>>) semaphore(%arg18 : memref<!tpu.dma_semaphore, #tpu.memory_space<semaphore_mem>>)
      %add3A_312 = arith.constant 4 : i32
      %add3A_313 = arith.addi %mul3A_117, %add3A_312 : i32
      %dma_wait3A_314 = arith.constant 0 : i32
      %dma_wait3A_315 = tpu.memref_slice %arg8[%add3A_313, %dma_wait3A_314] : memref<160x128xi32, #tpu.memory_space<vmem>> -> memref<1x128xi32, #tpu.memory_space<vmem>>
      %dma_wait3A_316 = tpu.memref_squeeze %dma_wait3A_315 : memref<1x128xi32, #tpu.memory_space<vmem>> -> memref<128xi32, #tpu.memory_space<vmem>>
      %dma_wait3A_317 = arith.constant 0 : i32
      %dma_wait3A_318 = arith.constant 0 : i32
      %dma_wait3A_319 = tpu.memref_slice %arg14[%dma_wait3A_317, %dma_wait3A_318] : memref<10240x64xf32, #tpu.memory_space<vmem_shared>> -> memref<10240x64xf32, #tpu.memory_space<vmem_shared>>
      tpu.wait_indirect_dma semaphore(%arg24 : memref<!tpu.dma_semaphore, #tpu.memory_space<semaphore_mem>>) src(%arg13 : memref<128x64xf32, #tpu.memory_space<vmem>>) dst(%dma_wait3A_319 : memref<10240x64xf32, #tpu.memory_space<vmem_shared>>)
      %add3A_320 = arith.constant 5 : i32
      %add3A_321 = arith.addi %mul3A_117, %add3A_320 : i32
      %add3A_322 = arith.constant 4 : i32
      %add3A_323 = arith.addi %add3A_321, %add3A_322 : i32
      %min3A_324 = arith.constant 159 : i32
      %min3A_325 = arith.minsi %add3A_323, %min3A_324 : i32
      %dma_start3A_326 = arith.constant 0 : i32
      %dma_start3A_327 = tpu.memref_slice %arg7[%min3A_325, %dma_start3A_326] : memref<160x128xi32, #tpu.memory_space<vmem>> -> memref<1x128xi32, #tpu.memory_space<vmem>>
      %dma_start3A_328 = tpu.memref_squeeze %dma_start3A_327 : memref<1x128xi32, #tpu.memory_space<vmem>> -> memref<128xi32, #tpu.memory_space<vmem>>
      %dma_start3A_329 = arith.constant 0 : i32
      %dma_start3A_330 = arith.constant 0 : i32
      %dma_start3A_331 = tpu.memref_slice %arg2[%arg0, %dma_start3A_329, %dma_start3A_330] : memref<2x10240x64xf32, #tpu.memory_space<hbm>> -> memref<1x10240x64xf32, #tpu.memory_space<hbm>>
      %dma_start3A_332 = tpu.memref_squeeze %dma_start3A_331 : memref<1x10240x64xf32, #tpu.memory_space<hbm>> -> memref<10240x64xf32, #tpu.memory_space<hbm>>
      %dma_start3A_333 = arith.constant 0 : i32
      %dma_start3A_334 = arith.constant 0 : i32
      %dma_start3A_335 = tpu.memref_slice %dma_start3A_332[%dma_start3A_333, %dma_start3A_334] : memref<10240x64xf32, #tpu.memory_space<hbm>> -> memref<10240x64xf32, #tpu.memory_space<hbm>>
      tpu.enqueue_indirect_dma source(%dma_start3A_335 : memref<10240x64xf32, #tpu.memory_space<hbm>>) target(%arg13 : memref<128x64xf32, #tpu.memory_space<vmem>>) offsets(%dma_start3A_328 : memref<128xi32, #tpu.memory_space<vmem>>) semaphore(%arg19 : memref<!tpu.dma_semaphore, #tpu.memory_space<semaphore_mem>>)
    }
    %scan3A_59 = arith.constant 32 : i32
    %dma_wait3A = arith.constant 0 : i32
    %dma_wait3A_60 = arith.constant 0 : i32
    %dma_wait3A_61 = tpu.memref_slice %arg7[%dma_wait3A, %dma_wait3A_60] : memref<160x128xi32, #tpu.memory_space<vmem>> -> memref<1x128xi32, #tpu.memory_space<vmem>>
    %dma_wait3A_62 = tpu.memref_squeeze %dma_wait3A_61 : memref<1x128xi32, #tpu.memory_space<vmem>> -> memref<128xi32, #tpu.memory_space<vmem>>
    %dma_wait3A_63 = arith.constant 0 : i32
    %dma_wait3A_64 = arith.constant 0 : i32
    %dma_wait3A_65 = tpu.memref_slice %arg2[%arg0, %dma_wait3A_63, %dma_wait3A_64] : memref<2x10240x64xf32, #tpu.memory_space<hbm>> -> memref<1x10240x64xf32, #tpu.memory_space<hbm>>
    %dma_wait3A_66 = tpu.memref_squeeze %dma_wait3A_65 : memref<1x10240x64xf32, #tpu.memory_space<hbm>> -> memref<10240x64xf32, #tpu.memory_space<hbm>>
    %dma_wait3A_67 = arith.constant 0 : i32
    %dma_wait3A_68 = arith.constant 0 : i32
    %dma_wait3A_69 = tpu.memref_slice %dma_wait3A_66[%dma_wait3A_67, %dma_wait3A_68] : memref<10240x64xf32, #tpu.memory_space<hbm>> -> memref<10240x64xf32, #tpu.memory_space<hbm>>
    tpu.wait_indirect_dma semaphore(%arg15 : memref<!tpu.dma_semaphore, #tpu.memory_space<semaphore_mem>>) src(%dma_wait3A_69 : memref<10240x64xf32, #tpu.memory_space<hbm>>) dst(%arg9 : memref<128x64xf32, #tpu.memory_space<vmem>>)
    %dma_wait3A_70 = arith.constant 0 : i32
    %dma_wait3A_71 = arith.constant 0 : i32
    %dma_wait3A_72 = tpu.memref_slice %arg7[%dma_wait3A_70, %dma_wait3A_71] : memref<160x128xi32, #tpu.memory_space<vmem>> -> memref<1x128xi32, #tpu.memory_space<vmem>>
    %dma_wait3A_73 = tpu.memref_squeeze %dma_wait3A_72 : memref<1x128xi32, #tpu.memory_space<vmem>> -> memref<128xi32, #tpu.memory_space<vmem>>
    %dma_wait3A_74 = arith.constant 0 : i32
    %dma_wait3A_75 = arith.constant 0 : i32
    %dma_wait3A_76 = tpu.memref_slice %arg2[%arg0, %dma_wait3A_74, %dma_wait3A_75] : memref<2x10240x64xf32, #tpu.memory_space<hbm>> -> memref<1x10240x64xf32, #tpu.memory_space<hbm>>
    %dma_wait3A_77 = tpu.memref_squeeze %dma_wait3A_76 : memref<1x10240x64xf32, #tpu.memory_space<hbm>> -> memref<10240x64xf32, #tpu.memory_space<hbm>>
    %dma_wait3A_78 = arith.constant 0 : i32
    %dma_wait3A_79 = arith.constant 0 : i32
    %dma_wait3A_80 = tpu.memref_slice %dma_wait3A_77[%dma_wait3A_78, %dma_wait3A_79] : memref<10240x64xf32, #tpu.memory_space<hbm>> -> memref<10240x64xf32, #tpu.memory_space<hbm>>
    tpu.wait_indirect_dma semaphore(%arg16 : memref<!tpu.dma_semaphore, #tpu.memory_space<semaphore_mem>>) src(%dma_wait3A_80 : memref<10240x64xf32, #tpu.memory_space<hbm>>) dst(%arg10 : memref<128x64xf32, #tpu.memory_space<vmem>>)
    %dma_wait3A_81 = arith.constant 0 : i32
    %dma_wait3A_82 = arith.constant 0 : i32
    %dma_wait3A_83 = tpu.memref_slice %arg7[%dma_wait3A_81, %dma_wait3A_82] : memref<160x128xi32, #tpu.memory_space<vmem>> -> memref<1x128xi32, #tpu.memory_space<vmem>>
    %dma_wait3A_84 = tpu.memref_squeeze %dma_wait3A_83 : memref<1x128xi32, #tpu.memory_space<vmem>> -> memref<128xi32, #tpu.memory_space<vmem>>
    %dma_wait3A_85 = arith.constant 0 : i32
    %dma_wait3A_86 = arith.constant 0 : i32
    %dma_wait3A_87 = tpu.memref_slice %arg2[%arg0, %dma_wait3A_85, %dma_wait3A_86] : memref<2x10240x64xf32, #tpu.memory_space<hbm>> -> memref<1x10240x64xf32, #tpu.memory_space<hbm>>
    %dma_wait3A_88 = tpu.memref_squeeze %dma_wait3A_87 : memref<1x10240x64xf32, #tpu.memory_space<hbm>> -> memref<10240x64xf32, #tpu.memory_space<hbm>>
    %dma_wait3A_89 = arith.constant 0 : i32
    %dma_wait3A_90 = arith.constant 0 : i32
    %dma_wait3A_91 = tpu.memref_slice %dma_wait3A_88[%dma_wait3A_89, %dma_wait3A_90] : memref<10240x64xf32, #tpu.memory_space<hbm>> -> memref<10240x64xf32, #tpu.memory_space<hbm>>
    tpu.wait_indirect_dma semaphore(%arg17 : memref<!tpu.dma_semaphore, #tpu.memory_space<semaphore_mem>>) src(%dma_wait3A_91 : memref<10240x64xf32, #tpu.memory_space<hbm>>) dst(%arg11 : memref<128x64xf32, #tpu.memory_space<vmem>>)
    %dma_wait3A_92 = arith.constant 0 : i32
    %dma_wait3A_93 = arith.constant 0 : i32
    %dma_wait3A_94 = tpu.memref_slice %arg7[%dma_wait3A_92, %dma_wait3A_93] : memref<160x128xi32, #tpu.memory_space<vmem>> -> memref<1x128xi32, #tpu.memory_space<vmem>>
    %dma_wait3A_95 = tpu.memref_squeeze %dma_wait3A_94 : memref<1x128xi32, #tpu.memory_space<vmem>> -> memref<128xi32, #tpu.memory_space<vmem>>
    %dma_wait3A_96 = arith.constant 0 : i32
    %dma_wait3A_97 = arith.constant 0 : i32
    %dma_wait3A_98 = tpu.memref_slice %arg2[%arg0, %dma_wait3A_96, %dma_wait3A_97] : memref<2x10240x64xf32, #tpu.memory_space<hbm>> -> memref<1x10240x64xf32, #tpu.memory_space<hbm>>
    %dma_wait3A_99 = tpu.memref_squeeze %dma_wait3A_98 : memref<1x10240x64xf32, #tpu.memory_space<hbm>> -> memref<10240x64xf32, #tpu.memory_space<hbm>>
    %dma_wait3A_100 = arith.constant 0 : i32
    %dma_wait3A_101 = arith.constant 0 : i32
    %dma_wait3A_102 = tpu.memref_slice %dma_wait3A_99[%dma_wait3A_100, %dma_wait3A_101] : memref<10240x64xf32, #tpu.memory_space<hbm>> -> memref<10240x64xf32, #tpu.memory_space<hbm>>
    tpu.wait_indirect_dma semaphore(%arg18 : memref<!tpu.dma_semaphore, #tpu.memory_space<semaphore_mem>>) src(%dma_wait3A_102 : memref<10240x64xf32, #tpu.memory_space<hbm>>) dst(%arg12 : memref<128x64xf32, #tpu.memory_space<vmem>>)
    %dma_wait3A_103 = arith.constant 0 : i32
    %dma_wait3A_104 = arith.constant 0 : i32
    %dma_wait3A_105 = tpu.memref_slice %arg7[%dma_wait3A_103, %dma_wait3A_104] : memref<160x128xi32, #tpu.memory_space<vmem>> -> memref<1x128xi32, #tpu.memory_space<vmem>>
    %dma_wait3A_106 = tpu.memref_squeeze %dma_wait3A_105 : memref<1x128xi32, #tpu.memory_space<vmem>> -> memref<128xi32, #tpu.memory_space<vmem>>
    %dma_wait3A_107 = arith.constant 0 : i32
    %dma_wait3A_108 = arith.constant 0 : i32
    %dma_wait3A_109 = tpu.memref_slice %arg2[%arg0, %dma_wait3A_107, %dma_wait3A_108] : memref<2x10240x64xf32, #tpu.memory_space<hbm>> -> memref<1x10240x64xf32, #tpu.memory_space<hbm>>
    %dma_wait3A_110 = tpu.memref_squeeze %dma_wait3A_109 : memref<1x10240x64xf32, #tpu.memory_space<hbm>> -> memref<10240x64xf32, #tpu.memory_space<hbm>>
    %dma_wait3A_111 = arith.constant 0 : i32
    %dma_wait3A_112 = arith.constant 0 : i32
    %dma_wait3A_113 = tpu.memref_slice %dma_wait3A_110[%dma_wait3A_111, %dma_wait3A_112] : memref<10240x64xf32, #tpu.memory_space<hbm>> -> memref<10240x64xf32, #tpu.memory_space<hbm>>
    tpu.wait_indirect_dma semaphore(%arg19 : memref<!tpu.dma_semaphore, #tpu.memory_space<semaphore_mem>>) src(%dma_wait3A_113 : memref<10240x64xf32, #tpu.memory_space<hbm>>) dst(%arg13 : memref<128x64xf32, #tpu.memory_space<vmem>>)
    %barrier3A_114 = arith.constant 0 : index
    tpu.barrier barrier_id(%barrier3A_114)
    "tpu.region"() ({
      %run_scoped3A = tpu.sem_alloc : memref<!tpu.dma_semaphore, #tpu.memory_space<semaphore_mem>>
      %dma_start3A_115 = arith.constant 0 : i32
      %dma_start3A_116 = tpu.memref_slice %arg6[%arg0, %mul3A_0, %dma_start3A_115] : memref<2x10240x64xf32, #tpu.memory_space<hbm>> -> memref<1x640x64xf32, #tpu.memory_space<hbm>>
      %dma_start3A_117 = tpu.memref_squeeze %dma_start3A_116 : memref<1x640x64xf32, #tpu.memory_space<hbm>> -> memref<640x64xf32, #tpu.memory_space<hbm>>
      %dma_start3A_118 = arith.constant 0 : i32
      %dma_start3A_119 = tpu.memref_slice %arg14[%mul3A_0, %dma_start3A_118] : memref<10240x64xf32, #tpu.memory_space<vmem_shared>> -> memref<640x64xf32, #tpu.memory_space<vmem_shared>>
      tpu.enqueue_dma source(%dma_start3A_119 : memref<640x64xf32, #tpu.memory_space<vmem_shared>>) target(%dma_start3A_117 : memref<640x64xf32, #tpu.memory_space<hbm>>) target_semaphore(%run_scoped3A : memref<!tpu.dma_semaphore, #tpu.memory_space<semaphore_mem>>)
      %dma_wait3A_120 = arith.constant 0 : i32
      %dma_wait3A_121 = tpu.memref_slice %arg6[%arg0, %mul3A_0, %dma_wait3A_120] : memref<2x10240x64xf32, #tpu.memory_space<hbm>> -> memref<1x640x64xf32, #tpu.memory_space<hbm>>
      %dma_wait3A_122 = tpu.memref_squeeze %dma_wait3A_121 : memref<1x640x64xf32, #tpu.memory_space<hbm>> -> memref<640x64xf32, #tpu.memory_space<hbm>>
      %dma_wait3A_123 = arith.constant 0 : i32
      %dma_wait3A_124 = tpu.memref_slice %arg14[%mul3A_0, %dma_wait3A_123] : memref<10240x64xf32, #tpu.memory_space<vmem_shared>> -> memref<640x64xf32, #tpu.memory_space<vmem_shared>>
      tpu.wait_dma2 semaphore(%run_scoped3A : memref<!tpu.dma_semaphore, #tpu.memory_space<semaphore_mem>>) src(%dma_wait3A_124 : memref<640x64xf32, #tpu.memory_space<vmem_shared>>) dst(%dma_wait3A_122 : memref<640x64xf32, #tpu.memory_space<hbm>>)
      tpu.yield
    }) : () -> ()
    return
  }
}

#map = affine_map<(d0, d1) -> (0, 0, 0)>
#map1 = affine_map<(d0, d1) -> (0, 0)>
module attributes {stable_mosaic.version = 14 : i64} {
  func.func @deg_kernel(%arg0: i32, %arg1: i32, %arg2: memref<16x160x128xi32, #tpu.memory_space<hbm>>, %arg3: memref<2x10240xf32, #tpu.memory_space<hbm>>, %arg4: memref<160x128xi32, #tpu.memory_space<vmem>>, %arg5: memref<128xf32, #tpu.memory_space<vmem>>, %arg6: memref<640xf32, #tpu.memory_space<vmem>>, %arg7: memref<10240xf32, #tpu.memory_space<vmem_shared>>) attributes {dimension_semantics = [#tpu.dimension_semantics<core_parallel>, #tpu.dimension_semantics<subcore_parallel>], iteration_bounds = array<i64: 2, 16>, scalar_prefetch = 0 : i64, scratch_operands = 4 : i64, tpu.core_type = #tpu.core_type<sc_vector_subcore>, window_params = [{transform_indices = #map}, {transform_indices = #map1}]} {
    "tpu.region"() ({
      %run_scoped3A = tpu.sem_alloc : memref<!tpu.dma_semaphore, #tpu.memory_space<semaphore_mem>>
      %dma_start3A = arith.constant 0 : i32
      %dma_start3A_23 = arith.constant 0 : i32
      %dma_start3A_24 = tpu.memref_slice %arg2[%arg1, %dma_start3A, %dma_start3A_23] : memref<16x160x128xi32, #tpu.memory_space<hbm>> -> memref<1x160x128xi32, #tpu.memory_space<hbm>>
      %dma_start3A_25 = tpu.memref_squeeze %dma_start3A_24 : memref<1x160x128xi32, #tpu.memory_space<hbm>> -> memref<160x128xi32, #tpu.memory_space<hbm>>
      %dma_start3A_26 = arith.constant 0 : i32
      %dma_start3A_27 = arith.constant 0 : i32
      %dma_start3A_28 = tpu.memref_slice %arg2[%arg1, %dma_start3A_26, %dma_start3A_27] : memref<16x160x128xi32, #tpu.memory_space<hbm>> -> memref<1x160x128xi32, #tpu.memory_space<hbm>>
      %dma_start3A_29 = tpu.memref_squeeze %dma_start3A_28 : memref<1x160x128xi32, #tpu.memory_space<hbm>> -> memref<160x128xi32, #tpu.memory_space<hbm>>
      tpu.enqueue_dma source(%dma_start3A_29 : memref<160x128xi32, #tpu.memory_space<hbm>>) target(%arg4 : memref<160x128xi32, #tpu.memory_space<vmem>>) target_semaphore(%run_scoped3A : memref<!tpu.dma_semaphore, #tpu.memory_space<semaphore_mem>>)
      %dma_wait3A = arith.constant 0 : i32
      %dma_wait3A_30 = arith.constant 0 : i32
      %dma_wait3A_31 = tpu.memref_slice %arg2[%arg1, %dma_wait3A, %dma_wait3A_30] : memref<16x160x128xi32, #tpu.memory_space<hbm>> -> memref<1x160x128xi32, #tpu.memory_space<hbm>>
      %dma_wait3A_32 = tpu.memref_squeeze %dma_wait3A_31 : memref<1x160x128xi32, #tpu.memory_space<hbm>> -> memref<160x128xi32, #tpu.memory_space<hbm>>
      %dma_wait3A_33 = arith.constant 0 : i32
      %dma_wait3A_34 = arith.constant 0 : i32
      %dma_wait3A_35 = tpu.memref_slice %arg2[%arg1, %dma_wait3A_33, %dma_wait3A_34] : memref<16x160x128xi32, #tpu.memory_space<hbm>> -> memref<1x160x128xi32, #tpu.memory_space<hbm>>
      %dma_wait3A_36 = tpu.memref_squeeze %dma_wait3A_35 : memref<1x160x128xi32, #tpu.memory_space<hbm>> -> memref<160x128xi32, #tpu.memory_space<hbm>>
      tpu.wait_dma2 semaphore(%run_scoped3A : memref<!tpu.dma_semaphore, #tpu.memory_space<semaphore_mem>>) src(%dma_wait3A_36 : memref<160x128xi32, #tpu.memory_space<hbm>>) dst(%arg4 : memref<160x128xi32, #tpu.memory_space<vmem>>)
      tpu.yield
    }) : () -> ()
    %scan3A = arith.constant 0 : i32
    %scan3A_0 = arith.constant 0 : i32
    %scan3A_1 = arith.constant 40 : i32
    %scan3A_2 = arith.addi %scan3A_0, %scan3A_1 : i32
    %scan3A_3 = arith.constant 1 : i32
    scf.for %scan3A_23 = %scan3A_0 to %scan3A_2 step %scan3A_3  : i32 {
      %broadcast_in_dim3A = arith.constant 0.000000e+00 : f32
      %broadcast_in_dim3A_24 = vector.broadcast %broadcast_in_dim3A : f32 to vector<16xf32>
      %mul3A_25 = arith.constant 16 : i32
      %mul3A_26 = arith.muli %scan3A_23, %mul3A_25 : i32
      %swap3A = arith.index_cast %mul3A_26 : i32 to index
      %swap3A_27 = tpu.vector_load %arg6[%swap3A] {strides = array<i32>} : memref<640xf32, #tpu.memory_space<vmem>>, vector<16xf32>,
      %swap3A_28 = vector.shape_cast %swap3A_27 : vector<16xf32> to vector<16xf32>
      %swap3A_29 = vector.shape_cast %broadcast_in_dim3A_24 : vector<16xf32> to vector<16xf32>
      tpu.vector_store %arg6[%swap3A], %swap3A_29 {strides = array<i32>} : memref<640xf32, #tpu.memory_space<vmem>>, vector<16xf32>,
    }
    %scan3A_4 = arith.constant 40 : i32
    %scan3A_5 = arith.constant 0 : i32
    %scan3A_6 = arith.constant 0 : i32
    %scan3A_7 = arith.constant 8 : i32
    %scan3A_8 = arith.addi %scan3A_6, %scan3A_7 : i32
    %scan3A_9 = arith.constant 1 : i32
    scf.for %scan3A_23 = %scan3A_6 to %scan3A_8 step %scan3A_9  : i32 {
      %broadcast_in_dim3A = arith.constant 1.000000e+00 : f32
      %broadcast_in_dim3A_24 = vector.broadcast %broadcast_in_dim3A : f32 to vector<16xf32>
      %mul3A_25 = arith.constant 16 : i32
      %mul3A_26 = arith.muli %scan3A_23, %mul3A_25 : i32
      %swap3A = arith.index_cast %mul3A_26 : i32 to index
      %swap3A_27 = tpu.vector_load %arg5[%swap3A] {strides = array<i32>} : memref<128xf32, #tpu.memory_space<vmem>>, vector<16xf32>,
      %swap3A_28 = vector.shape_cast %swap3A_27 : vector<16xf32> to vector<16xf32>
      %swap3A_29 = vector.shape_cast %broadcast_in_dim3A_24 : vector<16xf32> to vector<16xf32>
      tpu.vector_store %arg5[%swap3A], %swap3A_29 {strides = array<i32>} : memref<128xf32, #tpu.memory_space<vmem>>, vector<16xf32>,
    }
    %scan3A_10 = arith.constant 8 : i32
    %mul3A = arith.constant 640 : i32
    %mul3A_11 = arith.muli %arg1, %mul3A : i32
    "tpu.region"() ({
      %run_scoped3A = tpu.sem_alloc : memref<!tpu.dma_semaphore, #tpu.memory_space<semaphore_mem>>
      %dma_start3A = tpu.memref_slice %arg7[%mul3A_11] : memref<10240xf32, #tpu.memory_space<vmem_shared>> -> memref<640xf32, #tpu.memory_space<vmem_shared>>
      %dma_start3A_23 = tpu.memref_slice %arg7[%mul3A_11] : memref<10240xf32, #tpu.memory_space<vmem_shared>> -> memref<640xf32, #tpu.memory_space<vmem_shared>>
      tpu.enqueue_dma source(%arg6 : memref<640xf32, #tpu.memory_space<vmem>>) target(%dma_start3A_23 : memref<640xf32, #tpu.memory_space<vmem_shared>>) target_semaphore(%run_scoped3A : memref<!tpu.dma_semaphore, #tpu.memory_space<semaphore_mem>>)
      %dma_wait3A = tpu.memref_slice %arg7[%mul3A_11] : memref<10240xf32, #tpu.memory_space<vmem_shared>> -> memref<640xf32, #tpu.memory_space<vmem_shared>>
      %dma_wait3A_24 = tpu.memref_slice %arg7[%mul3A_11] : memref<10240xf32, #tpu.memory_space<vmem_shared>> -> memref<640xf32, #tpu.memory_space<vmem_shared>>
      tpu.wait_dma2 semaphore(%run_scoped3A : memref<!tpu.dma_semaphore, #tpu.memory_space<semaphore_mem>>) src(%arg6 : memref<640xf32, #tpu.memory_space<vmem>>) dst(%dma_wait3A_24 : memref<640xf32, #tpu.memory_space<vmem_shared>>)
      tpu.yield
    }) : () -> ()
    %barrier3A = arith.constant 0 : index
    tpu.barrier barrier_id(%barrier3A)
    %scan3A_12 = arith.constant 0 : i32
    %scan3A_13 = arith.constant 0 : i32
    %scan3A_14 = arith.constant 80 : i32
    %scan3A_15 = arith.addi %scan3A_13, %scan3A_14 : i32
    %scan3A_16 = arith.constant 1 : i32
    scf.for %scan3A_23 = %scan3A_13 to %scan3A_15 step %scan3A_16  : i32 {
      %mul3A_24 = arith.constant 2 : i32
      %mul3A_25 = arith.muli %mul3A_24, %scan3A_23 : i32
      %add3A = arith.addi %mul3A_25, %arg0 : i32
      "tpu.region"() ({
        %run_scoped3A = tpu.sem_alloc : memref<!tpu.dma_semaphore, #tpu.memory_space<semaphore_mem>>
        %dma_start3A = arith.constant 0 : i32
        %dma_start3A_26 = tpu.memref_slice %arg4[%add3A, %dma_start3A] : memref<160x128xi32, #tpu.memory_space<vmem>> -> memref<1x128xi32, #tpu.memory_space<vmem>>
        %dma_start3A_27 = tpu.memref_squeeze %dma_start3A_26 : memref<1x128xi32, #tpu.memory_space<vmem>> -> memref<128xi32, #tpu.memory_space<vmem>>
        %dma_start3A_28 = arith.constant 0 : i32
        %dma_start3A_29 = tpu.memref_slice %arg7[%dma_start3A_28] : memref<10240xf32, #tpu.memory_space<vmem_shared>> -> memref<10240xf32, #tpu.memory_space<vmem_shared>>
        tpu.enqueue_indirect_dma source(%arg5 : memref<128xf32, #tpu.memory_space<vmem>>) target(%dma_start3A_29 : memref<10240xf32, #tpu.memory_space<vmem_shared>>) offsets(%dma_start3A_27 : memref<128xi32, #tpu.memory_space<vmem>>) semaphore(%run_scoped3A : memref<!tpu.dma_semaphore, #tpu.memory_space<semaphore_mem>>) {add = true}
        %dma_wait3A = arith.constant 0 : i32
        %dma_wait3A_30 = tpu.memref_slice %arg4[%add3A, %dma_wait3A] : memref<160x128xi32, #tpu.memory_space<vmem>> -> memref<1x128xi32, #tpu.memory_space<vmem>>
        %dma_wait3A_31 = tpu.memref_squeeze %dma_wait3A_30 : memref<1x128xi32, #tpu.memory_space<vmem>> -> memref<128xi32, #tpu.memory_space<vmem>>
        %dma_wait3A_32 = arith.constant 0 : i32
        %dma_wait3A_33 = tpu.memref_slice %arg7[%dma_wait3A_32] : memref<10240xf32, #tpu.memory_space<vmem_shared>> -> memref<10240xf32, #tpu.memory_space<vmem_shared>>
        tpu.wait_indirect_dma semaphore(%run_scoped3A : memref<!tpu.dma_semaphore, #tpu.memory_space<semaphore_mem>>) src(%arg5 : memref<128xf32, #tpu.memory_space<vmem>>) dst(%dma_wait3A_33 : memref<10240xf32, #tpu.memory_space<vmem_shared>>)
        tpu.yield
      }) : () -> ()
    }
    %scan3A_17 = arith.constant 80 : i32
    %barrier3A_18 = arith.constant 0 : index
    tpu.barrier barrier_id(%barrier3A_18)
    %mul3A_19 = arith.constant 640 : i32
    %mul3A_20 = arith.muli %arg1, %mul3A_19 : i32
    %mul3A_21 = arith.constant 640 : i32
    %mul3A_22 = arith.muli %arg1, %mul3A_21 : i32
    "tpu.region"() ({
      %run_scoped3A = tpu.sem_alloc : memref<!tpu.dma_semaphore, #tpu.memory_space<semaphore_mem>>
      %dma_start3A = tpu.memref_slice %arg3[%arg0, %mul3A_22] : memref<2x10240xf32, #tpu.memory_space<hbm>> -> memref<1x640xf32, #tpu.memory_space<hbm>>
      %dma_start3A_23 = tpu.memref_squeeze %dma_start3A : memref<1x640xf32, #tpu.memory_space<hbm>> -> memref<640xf32, #tpu.memory_space<hbm>>
      %dma_start3A_24 = tpu.memref_slice %arg7[%mul3A_20] : memref<10240xf32, #tpu.memory_space<vmem_shared>> -> memref<640xf32, #tpu.memory_space<vmem_shared>>
      tpu.enqueue_dma source(%dma_start3A_24 : memref<640xf32, #tpu.memory_space<vmem_shared>>) target(%dma_start3A_23 : memref<640xf32, #tpu.memory_space<hbm>>) target_semaphore(%run_scoped3A : memref<!tpu.dma_semaphore, #tpu.memory_space<semaphore_mem>>)
      %dma_wait3A = tpu.memref_slice %arg3[%arg0, %mul3A_22] : memref<2x10240xf32, #tpu.memory_space<hbm>> -> memref<1x640xf32, #tpu.memory_space<hbm>>
      %dma_wait3A_25 = tpu.memref_squeeze %dma_wait3A : memref<1x640xf32, #tpu.memory_space<hbm>> -> memref<640xf32, #tpu.memory_space<hbm>>
      %dma_wait3A_26 = tpu.memref_slice %arg7[%mul3A_20] : memref<10240xf32, #tpu.memory_space<vmem_shared>> -> memref<640xf32, #tpu.memory_space<vmem_shared>>
      tpu.wait_dma2 semaphore(%run_scoped3A : memref<!tpu.dma_semaphore, #tpu.memory_space<semaphore_mem>>) src(%dma_wait3A_26 : memref<640xf32, #tpu.memory_space<vmem_shared>>) dst(%dma_wait3A_25 : memref<640xf32, #tpu.memory_space<hbm>>)
      tpu.yield
    }) : () -> ()
    return
  }
}

#map = affine_map<(d0, d1) -> (0, 0, 0)>
#map1 = affine_map<(d0, d1) -> (0, 0)>
module attributes {stable_mosaic.version = 14 : i64} {
  func.func @scat_kernel(%arg0: i32, %arg1: i32, %arg2: memref<2x10240x64xf32, #tpu.memory_space<hbm>>, %arg3: memref<16x160x128xi32, #tpu.memory_space<hbm>>, %arg4: memref<16x160x128xi32, #tpu.memory_space<hbm>>, %arg5: memref<10240x64xf32, #tpu.memory_space<hbm>>, %arg6: memref<2x10240x64xf32, #tpu.memory_space<hbm>>, %arg7: memref<160x128xi32, #tpu.memory_space<vmem>>, %arg8: memref<160x128xi32, #tpu.memory_space<vmem>>, %arg9: memref<128x64xf32, #tpu.memory_space<vmem>>, %arg10: memref<128x64xf32, #tpu.memory_space<vmem>>, %arg11: memref<128x64xf32, #tpu.memory_space<vmem>>, %arg12: memref<128x64xf32, #tpu.memory_space<vmem>>, %arg13: memref<128x64xf32, #tpu.memory_space<vmem>>, %arg14: memref<10240x64xf32, #tpu.memory_space<vmem_shared>>, %arg15: memref<!tpu.dma_semaphore, #tpu.memory_space<semaphore_mem>>, %arg16: memref<!tpu.dma_semaphore, #tpu.memory_space<semaphore_mem>>, %arg17: memref<!tpu.dma_semaphore, #tpu.memory_space<semaphore_mem>>, %arg18: memref<!tpu.dma_semaphore, #tpu.memory_space<semaphore_mem>>, %arg19: memref<!tpu.dma_semaphore, #tpu.memory_space<semaphore_mem>>, %arg20: memref<!tpu.dma_semaphore, #tpu.memory_space<semaphore_mem>>, %arg21: memref<!tpu.dma_semaphore, #tpu.memory_space<semaphore_mem>>, %arg22: memref<!tpu.dma_semaphore, #tpu.memory_space<semaphore_mem>>, %arg23: memref<!tpu.dma_semaphore, #tpu.memory_space<semaphore_mem>>, %arg24: memref<!tpu.dma_semaphore, #tpu.memory_space<semaphore_mem>>) attributes {dimension_semantics = [#tpu.dimension_semantics<core_parallel>, #tpu.dimension_semantics<subcore_parallel>], iteration_bounds = array<i64: 2, 16>, scalar_prefetch = 0 : i64, scratch_operands = 18 : i64, tpu.core_type = #tpu.core_type<sc_vector_subcore>, window_params = [{transform_indices = #map}, {transform_indices = #map}, {transform_indices = #map}, {transform_indices = #map1}, {transform_indices = #map}]} {
    %mul3A = arith.constant 640 : i32
    %mul3A_0 = arith.muli %arg1, %mul3A : i32
    "tpu.region"() ({
      %run_scoped3A = tpu.sem_alloc : memref<!tpu.dma_semaphore, #tpu.memory_space<semaphore_mem>>
      %dma_start3A_115 = arith.constant 0 : i32
      %dma_start3A_116 = arith.constant 0 : i32
      %dma_start3A_117 = tpu.memref_slice %arg3[%arg1, %dma_start3A_115, %dma_start3A_116] : memref<16x160x128xi32, #tpu.memory_space<hbm>> -> memref<1x160x128xi32, #tpu.memory_space<hbm>>
      %dma_start3A_118 = tpu.memref_squeeze %dma_start3A_117 : memref<1x160x128xi32, #tpu.memory_space<hbm>> -> memref<160x128xi32, #tpu.memory_space<hbm>>
      %dma_start3A_119 = arith.constant 0 : i32
      %dma_start3A_120 = arith.constant 0 : i32
      %dma_start3A_121 = tpu.memref_slice %arg3[%arg1, %dma_start3A_119, %dma_start3A_120] : memref<16x160x128xi32, #tpu.memory_space<hbm>> -> memref<1x160x128xi32, #tpu.memory_space<hbm>>
      %dma_start3A_122 = tpu.memref_squeeze %dma_start3A_121 : memref<1x160x128xi32, #tpu.memory_space<hbm>> -> memref<160x128xi32, #tpu.memory_space<hbm>>
      tpu.enqueue_dma source(%dma_start3A_122 : memref<160x128xi32, #tpu.memory_space<hbm>>) target(%arg7 : memref<160x128xi32, #tpu.memory_space<vmem>>) target_semaphore(%run_scoped3A : memref<!tpu.dma_semaphore, #tpu.memory_space<semaphore_mem>>)
      %dma_wait3A_123 = arith.constant 0 : i32
      %dma_wait3A_124 = arith.constant 0 : i32
      %dma_wait3A_125 = tpu.memref_slice %arg3[%arg1, %dma_wait3A_123, %dma_wait3A_124] : memref<16x160x128xi32, #tpu.memory_space<hbm>> -> memref<1x160x128xi32, #tpu.memory_space<hbm>>
      %dma_wait3A_126 = tpu.memref_squeeze %dma_wait3A_125 : memref<1x160x128xi32, #tpu.memory_space<hbm>> -> memref<160x128xi32, #tpu.memory_space<hbm>>
      %dma_wait3A_127 = arith.constant 0 : i32
      %dma_wait3A_128 = arith.constant 0 : i32
      %dma_wait3A_129 = tpu.memref_slice %arg3[%arg1, %dma_wait3A_127, %dma_wait3A_128] : memref<16x160x128xi32, #tpu.memory_space<hbm>> -> memref<1x160x128xi32, #tpu.memory_space<hbm>>
      %dma_wait3A_130 = tpu.memref_squeeze %dma_wait3A_129 : memref<1x160x128xi32, #tpu.memory_space<hbm>> -> memref<160x128xi32, #tpu.memory_space<hbm>>
      tpu.wait_dma2 semaphore(%run_scoped3A : memref<!tpu.dma_semaphore, #tpu.memory_space<semaphore_mem>>) src(%dma_wait3A_130 : memref<160x128xi32, #tpu.memory_space<hbm>>) dst(%arg7 : memref<160x128xi32, #tpu.memory_space<vmem>>)
      tpu.yield
    }) : () -> ()
    "tpu.region"() ({
      %run_scoped3A = tpu.sem_alloc : memref<!tpu.dma_semaphore, #tpu.memory_space<semaphore_mem>>
      %dma_start3A_115 = arith.constant 0 : i32
      %dma_start3A_116 = arith.constant 0 : i32
      %dma_start3A_117 = tpu.memref_slice %arg4[%arg1, %dma_start3A_115, %dma_start3A_116] : memref<16x160x128xi32, #tpu.memory_space<hbm>> -> memref<1x160x128xi32, #tpu.memory_space<hbm>>
      %dma_start3A_118 = tpu.memref_squeeze %dma_start3A_117 : memref<1x160x128xi32, #tpu.memory_space<hbm>> -> memref<160x128xi32, #tpu.memory_space<hbm>>
      %dma_start3A_119 = arith.constant 0 : i32
      %dma_start3A_120 = arith.constant 0 : i32
      %dma_start3A_121 = tpu.memref_slice %arg4[%arg1, %dma_start3A_119, %dma_start3A_120] : memref<16x160x128xi32, #tpu.memory_space<hbm>> -> memref<1x160x128xi32, #tpu.memory_space<hbm>>
      %dma_start3A_122 = tpu.memref_squeeze %dma_start3A_121 : memref<1x160x128xi32, #tpu.memory_space<hbm>> -> memref<160x128xi32, #tpu.memory_space<hbm>>
      tpu.enqueue_dma source(%dma_start3A_122 : memref<160x128xi32, #tpu.memory_space<hbm>>) target(%arg8 : memref<160x128xi32, #tpu.memory_space<vmem>>) target_semaphore(%run_scoped3A : memref<!tpu.dma_semaphore, #tpu.memory_space<semaphore_mem>>)
      %dma_wait3A_123 = arith.constant 0 : i32
      %dma_wait3A_124 = arith.constant 0 : i32
      %dma_wait3A_125 = tpu.memref_slice %arg4[%arg1, %dma_wait3A_123, %dma_wait3A_124] : memref<16x160x128xi32, #tpu.memory_space<hbm>> -> memref<1x160x128xi32, #tpu.memory_space<hbm>>
      %dma_wait3A_126 = tpu.memref_squeeze %dma_wait3A_125 : memref<1x160x128xi32, #tpu.memory_space<hbm>> -> memref<160x128xi32, #tpu.memory_space<hbm>>
      %dma_wait3A_127 = arith.constant 0 : i32
      %dma_wait3A_128 = arith.constant 0 : i32
      %dma_wait3A_129 = tpu.memref_slice %arg4[%arg1, %dma_wait3A_127, %dma_wait3A_128] : memref<16x160x128xi32, #tpu.memory_space<hbm>> -> memref<1x160x128xi32, #tpu.memory_space<hbm>>
      %dma_wait3A_130 = tpu.memref_squeeze %dma_wait3A_129 : memref<1x160x128xi32, #tpu.memory_space<hbm>> -> memref<160x128xi32, #tpu.memory_space<hbm>>
      tpu.wait_dma2 semaphore(%run_scoped3A : memref<!tpu.dma_semaphore, #tpu.memory_space<semaphore_mem>>) src(%dma_wait3A_130 : memref<160x128xi32, #tpu.memory_space<hbm>>) dst(%arg8 : memref<160x128xi32, #tpu.memory_space<vmem>>)
      tpu.yield
    }) : () -> ()
    "tpu.region"() ({
      %run_scoped3A = tpu.sem_alloc : memref<!tpu.dma_semaphore, #tpu.memory_space<semaphore_mem>>
      %dma_start3A_115 = arith.constant 0 : i32
      %dma_start3A_116 = tpu.memref_slice %arg14[%mul3A_0, %dma_start3A_115] : memref<10240x64xf32, #tpu.memory_space<vmem_shared>> -> memref<640x64xf32, #tpu.memory_space<vmem_shared>>
      %dma_start3A_117 = arith.constant 0 : i32
      %dma_start3A_118 = tpu.memref_slice %arg5[%mul3A_0, %dma_start3A_117] : memref<10240x64xf32, #tpu.memory_space<hbm>> -> memref<640x64xf32, #tpu.memory_space<hbm>>
      tpu.enqueue_dma source(%dma_start3A_118 : memref<640x64xf32, #tpu.memory_space<hbm>>) target(%dma_start3A_116 : memref<640x64xf32, #tpu.memory_space<vmem_shared>>) target_semaphore(%run_scoped3A : memref<!tpu.dma_semaphore, #tpu.memory_space<semaphore_mem>>)
      %dma_wait3A_119 = arith.constant 0 : i32
      %dma_wait3A_120 = tpu.memref_slice %arg14[%mul3A_0, %dma_wait3A_119] : memref<10240x64xf32, #tpu.memory_space<vmem_shared>> -> memref<640x64xf32, #tpu.memory_space<vmem_shared>>
      %dma_wait3A_121 = arith.constant 0 : i32
      %dma_wait3A_122 = tpu.memref_slice %arg5[%mul3A_0, %dma_wait3A_121] : memref<10240x64xf32, #tpu.memory_space<hbm>> -> memref<640x64xf32, #tpu.memory_space<hbm>>
      tpu.wait_dma2 semaphore(%run_scoped3A : memref<!tpu.dma_semaphore, #tpu.memory_space<semaphore_mem>>) src(%dma_wait3A_122 : memref<640x64xf32, #tpu.memory_space<hbm>>) dst(%dma_wait3A_120 : memref<640x64xf32, #tpu.memory_space<vmem_shared>>)
      tpu.yield
    }) : () -> ()
    %barrier3A = arith.constant 0 : index
    tpu.barrier barrier_id(%barrier3A)
    %dma_start3A = arith.constant 0 : i32
    %dma_start3A_1 = arith.constant 0 : i32
    %dma_start3A_2 = tpu.memref_slice %arg7[%dma_start3A, %dma_start3A_1] : memref<160x128xi32, #tpu.memory_space<vmem>> -> memref<1x128xi32, #tpu.memory_space<vmem>>
    %dma_start3A_3 = tpu.memref_squeeze %dma_start3A_2 : memref<1x128xi32, #tpu.memory_space<vmem>> -> memref<128xi32, #tpu.memory_space<vmem>>
    %dma_start3A_4 = arith.constant 0 : i32
    %dma_start3A_5 = arith.constant 0 : i32
    %dma_start3A_6 = tpu.memref_slice %arg2[%arg0, %dma_start3A_4, %dma_start3A_5] : memref<2x10240x64xf32, #tpu.memory_space<hbm>> -> memref<1x10240x64xf32, #tpu.memory_space<hbm>>
    %dma_start3A_7 = tpu.memref_squeeze %dma_start3A_6 : memref<1x10240x64xf32, #tpu.memory_space<hbm>> -> memref<10240x64xf32, #tpu.memory_space<hbm>>
    %dma_start3A_8 = arith.constant 0 : i32
    %dma_start3A_9 = arith.constant 0 : i32
    %dma_start3A_10 = tpu.memref_slice %dma_start3A_7[%dma_start3A_8, %dma_start3A_9] : memref<10240x64xf32, #tpu.memory_space<hbm>> -> memref<10240x64xf32, #tpu.memory_space<hbm>>
    tpu.enqueue_indirect_dma source(%dma_start3A_10 : memref<10240x64xf32, #tpu.memory_space<hbm>>) target(%arg9 : memref<128x64xf32, #tpu.memory_space<vmem>>) offsets(%dma_start3A_3 : memref<128xi32, #tpu.memory_space<vmem>>) semaphore(%arg15 : memref<!tpu.dma_semaphore, #tpu.memory_space<semaphore_mem>>)
    %dma_start3A_11 = arith.constant 1 : i32
    %dma_start3A_12 = arith.constant 0 : i32
    %dma_start3A_13 = tpu.memref_slice %arg7[%dma_start3A_11, %dma_start3A_12] : memref<160x128xi32, #tpu.memory_space<vmem>> -> memref<1x128xi32, #tpu.memory_space<vmem>>
    %dma_start3A_14 = tpu.memref_squeeze %dma_start3A_13 : memref<1x128xi32, #tpu.memory_space<vmem>> -> memref<128xi32, #tpu.memory_space<vmem>>
    %dma_start3A_15 = arith.constant 0 : i32
    %dma_start3A_16 = arith.constant 0 : i32
    %dma_start3A_17 = tpu.memref_slice %arg2[%arg0, %dma_start3A_15, %dma_start3A_16] : memref<2x10240x64xf32, #tpu.memory_space<hbm>> -> memref<1x10240x64xf32, #tpu.memory_space<hbm>>
    %dma_start3A_18 = tpu.memref_squeeze %dma_start3A_17 : memref<1x10240x64xf32, #tpu.memory_space<hbm>> -> memref<10240x64xf32, #tpu.memory_space<hbm>>
    %dma_start3A_19 = arith.constant 0 : i32
    %dma_start3A_20 = arith.constant 0 : i32
    %dma_start3A_21 = tpu.memref_slice %dma_start3A_18[%dma_start3A_19, %dma_start3A_20] : memref<10240x64xf32, #tpu.memory_space<hbm>> -> memref<10240x64xf32, #tpu.memory_space<hbm>>
    tpu.enqueue_indirect_dma source(%dma_start3A_21 : memref<10240x64xf32, #tpu.memory_space<hbm>>) target(%arg10 : memref<128x64xf32, #tpu.memory_space<vmem>>) offsets(%dma_start3A_14 : memref<128xi32, #tpu.memory_space<vmem>>) semaphore(%arg16 : memref<!tpu.dma_semaphore, #tpu.memory_space<semaphore_mem>>)
    %dma_start3A_22 = arith.constant 2 : i32
    %dma_start3A_23 = arith.constant 0 : i32
    %dma_start3A_24 = tpu.memref_slice %arg7[%dma_start3A_22, %dma_start3A_23] : memref<160x128xi32, #tpu.memory_space<vmem>> -> memref<1x128xi32, #tpu.memory_space<vmem>>
    %dma_start3A_25 = tpu.memref_squeeze %dma_start3A_24 : memref<1x128xi32, #tpu.memory_space<vmem>> -> memref<128xi32, #tpu.memory_space<vmem>>
    %dma_start3A_26 = arith.constant 0 : i32
    %dma_start3A_27 = arith.constant 0 : i32
    %dma_start3A_28 = tpu.memref_slice %arg2[%arg0, %dma_start3A_26, %dma_start3A_27] : memref<2x10240x64xf32, #tpu.memory_space<hbm>> -> memref<1x10240x64xf32, #tpu.memory_space<hbm>>
    %dma_start3A_29 = tpu.memref_squeeze %dma_start3A_28 : memref<1x10240x64xf32, #tpu.memory_space<hbm>> -> memref<10240x64xf32, #tpu.memory_space<hbm>>
    %dma_start3A_30 = arith.constant 0 : i32
    %dma_start3A_31 = arith.constant 0 : i32
    %dma_start3A_32 = tpu.memref_slice %dma_start3A_29[%dma_start3A_30, %dma_start3A_31] : memref<10240x64xf32, #tpu.memory_space<hbm>> -> memref<10240x64xf32, #tpu.memory_space<hbm>>
    tpu.enqueue_indirect_dma source(%dma_start3A_32 : memref<10240x64xf32, #tpu.memory_space<hbm>>) target(%arg11 : memref<128x64xf32, #tpu.memory_space<vmem>>) offsets(%dma_start3A_25 : memref<128xi32, #tpu.memory_space<vmem>>) semaphore(%arg17 : memref<!tpu.dma_semaphore, #tpu.memory_space<semaphore_mem>>)
    %dma_start3A_33 = arith.constant 3 : i32
    %dma_start3A_34 = arith.constant 0 : i32
    %dma_start3A_35 = tpu.memref_slice %arg7[%dma_start3A_33, %dma_start3A_34] : memref<160x128xi32, #tpu.memory_space<vmem>> -> memref<1x128xi32, #tpu.memory_space<vmem>>
    %dma_start3A_36 = tpu.memref_squeeze %dma_start3A_35 : memref<1x128xi32, #tpu.memory_space<vmem>> -> memref<128xi32, #tpu.memory_space<vmem>>
    %dma_start3A_37 = arith.constant 0 : i32
    %dma_start3A_38 = arith.constant 0 : i32
    %dma_start3A_39 = tpu.memref_slice %arg2[%arg0, %dma_start3A_37, %dma_start3A_38] : memref<2x10240x64xf32, #tpu.memory_space<hbm>> -> memref<1x10240x64xf32, #tpu.memory_space<hbm>>
    %dma_start3A_40 = tpu.memref_squeeze %dma_start3A_39 : memref<1x10240x64xf32, #tpu.memory_space<hbm>> -> memref<10240x64xf32, #tpu.memory_space<hbm>>
    %dma_start3A_41 = arith.constant 0 : i32
    %dma_start3A_42 = arith.constant 0 : i32
    %dma_start3A_43 = tpu.memref_slice %dma_start3A_40[%dma_start3A_41, %dma_start3A_42] : memref<10240x64xf32, #tpu.memory_space<hbm>> -> memref<10240x64xf32, #tpu.memory_space<hbm>>
    tpu.enqueue_indirect_dma source(%dma_start3A_43 : memref<10240x64xf32, #tpu.memory_space<hbm>>) target(%arg12 : memref<128x64xf32, #tpu.memory_space<vmem>>) offsets(%dma_start3A_36 : memref<128xi32, #tpu.memory_space<vmem>>) semaphore(%arg18 : memref<!tpu.dma_semaphore, #tpu.memory_space<semaphore_mem>>)
    %dma_start3A_44 = arith.constant 4 : i32
    %dma_start3A_45 = arith.constant 0 : i32
    %dma_start3A_46 = tpu.memref_slice %arg7[%dma_start3A_44, %dma_start3A_45] : memref<160x128xi32, #tpu.memory_space<vmem>> -> memref<1x128xi32, #tpu.memory_space<vmem>>
    %dma_start3A_47 = tpu.memref_squeeze %dma_start3A_46 : memref<1x128xi32, #tpu.memory_space<vmem>> -> memref<128xi32, #tpu.memory_space<vmem>>
    %dma_start3A_48 = arith.constant 0 : i32
    %dma_start3A_49 = arith.constant 0 : i32
    %dma_start3A_50 = tpu.memref_slice %arg2[%arg0, %dma_start3A_48, %dma_start3A_49] : memref<2x10240x64xf32, #tpu.memory_space<hbm>> -> memref<1x10240x64xf32, #tpu.memory_space<hbm>>
    %dma_start3A_51 = tpu.memref_squeeze %dma_start3A_50 : memref<1x10240x64xf32, #tpu.memory_space<hbm>> -> memref<10240x64xf32, #tpu.memory_space<hbm>>
    %dma_start3A_52 = arith.constant 0 : i32
    %dma_start3A_53 = arith.constant 0 : i32
    %dma_start3A_54 = tpu.memref_slice %dma_start3A_51[%dma_start3A_52, %dma_start3A_53] : memref<10240x64xf32, #tpu.memory_space<hbm>> -> memref<10240x64xf32, #tpu.memory_space<hbm>>
    tpu.enqueue_indirect_dma source(%dma_start3A_54 : memref<10240x64xf32, #tpu.memory_space<hbm>>) target(%arg13 : memref<128x64xf32, #tpu.memory_space<vmem>>) offsets(%dma_start3A_47 : memref<128xi32, #tpu.memory_space<vmem>>) semaphore(%arg19 : memref<!tpu.dma_semaphore, #tpu.memory_space<semaphore_mem>>)
    %scan3A = arith.constant 0 : i32
    %scan3A_55 = arith.constant 0 : i32
    %scan3A_56 = arith.constant 32 : i32
    %scan3A_57 = arith.addi %scan3A_55, %scan3A_56 : i32
    %scan3A_58 = arith.constant 1 : i32
    scf.for %scan3A_115 = %scan3A_55 to %scan3A_57 step %scan3A_58  : i32 {
      %mul3A_116 = arith.constant 5 : i32
      %mul3A_117 = arith.muli %mul3A_116, %scan3A_115 : i32
      %add3A = arith.constant 0 : i32
      %add3A_118 = arith.addi %mul3A_117, %add3A : i32
      %dma_wait3A_119 = arith.constant 0 : i32
      %dma_wait3A_120 = tpu.memref_slice %arg7[%add3A_118, %dma_wait3A_119] : memref<160x128xi32, #tpu.memory_space<vmem>> -> memref<1x128xi32, #tpu.memory_space<vmem>>
      %dma_wait3A_121 = tpu.memref_squeeze %dma_wait3A_120 : memref<1x128xi32, #tpu.memory_space<vmem>> -> memref<128xi32, #tpu.memory_space<vmem>>
      %dma_wait3A_122 = arith.constant 0 : i32
      %dma_wait3A_123 = arith.constant 0 : i32
      %dma_wait3A_124 = tpu.memref_slice %arg2[%arg0, %dma_wait3A_122, %dma_wait3A_123] : memref<2x10240x64xf32, #tpu.memory_space<hbm>> -> memref<1x10240x64xf32, #tpu.memory_space<hbm>>
      %dma_wait3A_125 = tpu.memref_squeeze %dma_wait3A_124 : memref<1x10240x64xf32, #tpu.memory_space<hbm>> -> memref<10240x64xf32, #tpu.memory_space<hbm>>
      %dma_wait3A_126 = arith.constant 0 : i32
      %dma_wait3A_127 = arith.constant 0 : i32
      %dma_wait3A_128 = tpu.memref_slice %dma_wait3A_125[%dma_wait3A_126, %dma_wait3A_127] : memref<10240x64xf32, #tpu.memory_space<hbm>> -> memref<10240x64xf32, #tpu.memory_space<hbm>>
      tpu.wait_indirect_dma semaphore(%arg15 : memref<!tpu.dma_semaphore, #tpu.memory_space<semaphore_mem>>) src(%dma_wait3A_128 : memref<10240x64xf32, #tpu.memory_space<hbm>>) dst(%arg9 : memref<128x64xf32, #tpu.memory_space<vmem>>)
      %add3A_129 = arith.constant 0 : i32
      %add3A_130 = arith.addi %mul3A_117, %add3A_129 : i32
      %dma_start3A_131 = arith.constant 0 : i32
      %dma_start3A_132 = tpu.memref_slice %arg8[%add3A_130, %dma_start3A_131] : memref<160x128xi32, #tpu.memory_space<vmem>> -> memref<1x128xi32, #tpu.memory_space<vmem>>
      %dma_start3A_133 = tpu.memref_squeeze %dma_start3A_132 : memref<1x128xi32, #tpu.memory_space<vmem>> -> memref<128xi32, #tpu.memory_space<vmem>>
      %dma_start3A_134 = arith.constant 0 : i32
      %dma_start3A_135 = arith.constant 0 : i32
      %dma_start3A_136 = tpu.memref_slice %arg14[%dma_start3A_134, %dma_start3A_135] : memref<10240x64xf32, #tpu.memory_space<vmem_shared>> -> memref<10240x64xf32, #tpu.memory_space<vmem_shared>>
      tpu.enqueue_indirect_dma source(%arg9 : memref<128x64xf32, #tpu.memory_space<vmem>>) target(%dma_start3A_136 : memref<10240x64xf32, #tpu.memory_space<vmem_shared>>) offsets(%dma_start3A_133 : memref<128xi32, #tpu.memory_space<vmem>>) semaphore(%arg20 : memref<!tpu.dma_semaphore, #tpu.memory_space<semaphore_mem>>) {add = true}
      %add3A_137 = arith.constant 1 : i32
      %add3A_138 = arith.addi %mul3A_117, %add3A_137 : i32
      %dma_wait3A_139 = arith.constant 0 : i32
      %dma_wait3A_140 = tpu.memref_slice %arg7[%add3A_138, %dma_wait3A_139] : memref<160x128xi32, #tpu.memory_space<vmem>> -> memref<1x128xi32, #tpu.memory_space<vmem>>
      %dma_wait3A_141 = tpu.memref_squeeze %dma_wait3A_140 : memref<1x128xi32, #tpu.memory_space<vmem>> -> memref<128xi32, #tpu.memory_space<vmem>>
      %dma_wait3A_142 = arith.constant 0 : i32
      %dma_wait3A_143 = arith.constant 0 : i32
      %dma_wait3A_144 = tpu.memref_slice %arg2[%arg0, %dma_wait3A_142, %dma_wait3A_143] : memref<2x10240x64xf32, #tpu.memory_space<hbm>> -> memref<1x10240x64xf32, #tpu.memory_space<hbm>>
      %dma_wait3A_145 = tpu.memref_squeeze %dma_wait3A_144 : memref<1x10240x64xf32, #tpu.memory_space<hbm>> -> memref<10240x64xf32, #tpu.memory_space<hbm>>
      %dma_wait3A_146 = arith.constant 0 : i32
      %dma_wait3A_147 = arith.constant 0 : i32
      %dma_wait3A_148 = tpu.memref_slice %dma_wait3A_145[%dma_wait3A_146, %dma_wait3A_147] : memref<10240x64xf32, #tpu.memory_space<hbm>> -> memref<10240x64xf32, #tpu.memory_space<hbm>>
      tpu.wait_indirect_dma semaphore(%arg16 : memref<!tpu.dma_semaphore, #tpu.memory_space<semaphore_mem>>) src(%dma_wait3A_148 : memref<10240x64xf32, #tpu.memory_space<hbm>>) dst(%arg10 : memref<128x64xf32, #tpu.memory_space<vmem>>)
      %add3A_149 = arith.constant 1 : i32
      %add3A_150 = arith.addi %mul3A_117, %add3A_149 : i32
      %dma_start3A_151 = arith.constant 0 : i32
      %dma_start3A_152 = tpu.memref_slice %arg8[%add3A_150, %dma_start3A_151] : memref<160x128xi32, #tpu.memory_space<vmem>> -> memref<1x128xi32, #tpu.memory_space<vmem>>
      %dma_start3A_153 = tpu.memref_squeeze %dma_start3A_152 : memref<1x128xi32, #tpu.memory_space<vmem>> -> memref<128xi32, #tpu.memory_space<vmem>>
      %dma_start3A_154 = arith.constant 0 : i32
      %dma_start3A_155 = arith.constant 0 : i32
      %dma_start3A_156 = tpu.memref_slice %arg14[%dma_start3A_154, %dma_start3A_155] : memref<10240x64xf32, #tpu.memory_space<vmem_shared>> -> memref<10240x64xf32, #tpu.memory_space<vmem_shared>>
      tpu.enqueue_indirect_dma source(%arg10 : memref<128x64xf32, #tpu.memory_space<vmem>>) target(%dma_start3A_156 : memref<10240x64xf32, #tpu.memory_space<vmem_shared>>) offsets(%dma_start3A_153 : memref<128xi32, #tpu.memory_space<vmem>>) semaphore(%arg21 : memref<!tpu.dma_semaphore, #tpu.memory_space<semaphore_mem>>) {add = true}
      %add3A_157 = arith.constant 2 : i32
      %add3A_158 = arith.addi %mul3A_117, %add3A_157 : i32
      %dma_wait3A_159 = arith.constant 0 : i32
      %dma_wait3A_160 = tpu.memref_slice %arg7[%add3A_158, %dma_wait3A_159] : memref<160x128xi32, #tpu.memory_space<vmem>> -> memref<1x128xi32, #tpu.memory_space<vmem>>
      %dma_wait3A_161 = tpu.memref_squeeze %dma_wait3A_160 : memref<1x128xi32, #tpu.memory_space<vmem>> -> memref<128xi32, #tpu.memory_space<vmem>>
      %dma_wait3A_162 = arith.constant 0 : i32
      %dma_wait3A_163 = arith.constant 0 : i32
      %dma_wait3A_164 = tpu.memref_slice %arg2[%arg0, %dma_wait3A_162, %dma_wait3A_163] : memref<2x10240x64xf32, #tpu.memory_space<hbm>> -> memref<1x10240x64xf32, #tpu.memory_space<hbm>>
      %dma_wait3A_165 = tpu.memref_squeeze %dma_wait3A_164 : memref<1x10240x64xf32, #tpu.memory_space<hbm>> -> memref<10240x64xf32, #tpu.memory_space<hbm>>
      %dma_wait3A_166 = arith.constant 0 : i32
      %dma_wait3A_167 = arith.constant 0 : i32
      %dma_wait3A_168 = tpu.memref_slice %dma_wait3A_165[%dma_wait3A_166, %dma_wait3A_167] : memref<10240x64xf32, #tpu.memory_space<hbm>> -> memref<10240x64xf32, #tpu.memory_space<hbm>>
      tpu.wait_indirect_dma semaphore(%arg17 : memref<!tpu.dma_semaphore, #tpu.memory_space<semaphore_mem>>) src(%dma_wait3A_168 : memref<10240x64xf32, #tpu.memory_space<hbm>>) dst(%arg11 : memref<128x64xf32, #tpu.memory_space<vmem>>)
      %add3A_169 = arith.constant 2 : i32
      %add3A_170 = arith.addi %mul3A_117, %add3A_169 : i32
      %dma_start3A_171 = arith.constant 0 : i32
      %dma_start3A_172 = tpu.memref_slice %arg8[%add3A_170, %dma_start3A_171] : memref<160x128xi32, #tpu.memory_space<vmem>> -> memref<1x128xi32, #tpu.memory_space<vmem>>
      %dma_start3A_173 = tpu.memref_squeeze %dma_start3A_172 : memref<1x128xi32, #tpu.memory_space<vmem>> -> memref<128xi32, #tpu.memory_space<vmem>>
      %dma_start3A_174 = arith.constant 0 : i32
      %dma_start3A_175 = arith.constant 0 : i32
      %dma_start3A_176 = tpu.memref_slice %arg14[%dma_start3A_174, %dma_start3A_175] : memref<10240x64xf32, #tpu.memory_space<vmem_shared>> -> memref<10240x64xf32, #tpu.memory_space<vmem_shared>>
      tpu.enqueue_indirect_dma source(%arg11 : memref<128x64xf32, #tpu.memory_space<vmem>>) target(%dma_start3A_176 : memref<10240x64xf32, #tpu.memory_space<vmem_shared>>) offsets(%dma_start3A_173 : memref<128xi32, #tpu.memory_space<vmem>>) semaphore(%arg22 : memref<!tpu.dma_semaphore, #tpu.memory_space<semaphore_mem>>) {add = true}
      %add3A_177 = arith.constant 3 : i32
      %add3A_178 = arith.addi %mul3A_117, %add3A_177 : i32
      %dma_wait3A_179 = arith.constant 0 : i32
      %dma_wait3A_180 = tpu.memref_slice %arg7[%add3A_178, %dma_wait3A_179] : memref<160x128xi32, #tpu.memory_space<vmem>> -> memref<1x128xi32, #tpu.memory_space<vmem>>
      %dma_wait3A_181 = tpu.memref_squeeze %dma_wait3A_180 : memref<1x128xi32, #tpu.memory_space<vmem>> -> memref<128xi32, #tpu.memory_space<vmem>>
      %dma_wait3A_182 = arith.constant 0 : i32
      %dma_wait3A_183 = arith.constant 0 : i32
      %dma_wait3A_184 = tpu.memref_slice %arg2[%arg0, %dma_wait3A_182, %dma_wait3A_183] : memref<2x10240x64xf32, #tpu.memory_space<hbm>> -> memref<1x10240x64xf32, #tpu.memory_space<hbm>>
      %dma_wait3A_185 = tpu.memref_squeeze %dma_wait3A_184 : memref<1x10240x64xf32, #tpu.memory_space<hbm>> -> memref<10240x64xf32, #tpu.memory_space<hbm>>
      %dma_wait3A_186 = arith.constant 0 : i32
      %dma_wait3A_187 = arith.constant 0 : i32
      %dma_wait3A_188 = tpu.memref_slice %dma_wait3A_185[%dma_wait3A_186, %dma_wait3A_187] : memref<10240x64xf32, #tpu.memory_space<hbm>> -> memref<10240x64xf32, #tpu.memory_space<hbm>>
      tpu.wait_indirect_dma semaphore(%arg18 : memref<!tpu.dma_semaphore, #tpu.memory_space<semaphore_mem>>) src(%dma_wait3A_188 : memref<10240x64xf32, #tpu.memory_space<hbm>>) dst(%arg12 : memref<128x64xf32, #tpu.memory_space<vmem>>)
      %add3A_189 = arith.constant 3 : i32
      %add3A_190 = arith.addi %mul3A_117, %add3A_189 : i32
      %dma_start3A_191 = arith.constant 0 : i32
      %dma_start3A_192 = tpu.memref_slice %arg8[%add3A_190, %dma_start3A_191] : memref<160x128xi32, #tpu.memory_space<vmem>> -> memref<1x128xi32, #tpu.memory_space<vmem>>
      %dma_start3A_193 = tpu.memref_squeeze %dma_start3A_192 : memref<1x128xi32, #tpu.memory_space<vmem>> -> memref<128xi32, #tpu.memory_space<vmem>>
      %dma_start3A_194 = arith.constant 0 : i32
      %dma_start3A_195 = arith.constant 0 : i32
      %dma_start3A_196 = tpu.memref_slice %arg14[%dma_start3A_194, %dma_start3A_195] : memref<10240x64xf32, #tpu.memory_space<vmem_shared>> -> memref<10240x64xf32, #tpu.memory_space<vmem_shared>>
      tpu.enqueue_indirect_dma source(%arg12 : memref<128x64xf32, #tpu.memory_space<vmem>>) target(%dma_start3A_196 : memref<10240x64xf32, #tpu.memory_space<vmem_shared>>) offsets(%dma_start3A_193 : memref<128xi32, #tpu.memory_space<vmem>>) semaphore(%arg23 : memref<!tpu.dma_semaphore, #tpu.memory_space<semaphore_mem>>) {add = true}
      %add3A_197 = arith.constant 4 : i32
      %add3A_198 = arith.addi %mul3A_117, %add3A_197 : i32
      %dma_wait3A_199 = arith.constant 0 : i32
      %dma_wait3A_200 = tpu.memref_slice %arg7[%add3A_198, %dma_wait3A_199] : memref<160x128xi32, #tpu.memory_space<vmem>> -> memref<1x128xi32, #tpu.memory_space<vmem>>
      %dma_wait3A_201 = tpu.memref_squeeze %dma_wait3A_200 : memref<1x128xi32, #tpu.memory_space<vmem>> -> memref<128xi32, #tpu.memory_space<vmem>>
      %dma_wait3A_202 = arith.constant 0 : i32
      %dma_wait3A_203 = arith.constant 0 : i32
      %dma_wait3A_204 = tpu.memref_slice %arg2[%arg0, %dma_wait3A_202, %dma_wait3A_203] : memref<2x10240x64xf32, #tpu.memory_space<hbm>> -> memref<1x10240x64xf32, #tpu.memory_space<hbm>>
      %dma_wait3A_205 = tpu.memref_squeeze %dma_wait3A_204 : memref<1x10240x64xf32, #tpu.memory_space<hbm>> -> memref<10240x64xf32, #tpu.memory_space<hbm>>
      %dma_wait3A_206 = arith.constant 0 : i32
      %dma_wait3A_207 = arith.constant 0 : i32
      %dma_wait3A_208 = tpu.memref_slice %dma_wait3A_205[%dma_wait3A_206, %dma_wait3A_207] : memref<10240x64xf32, #tpu.memory_space<hbm>> -> memref<10240x64xf32, #tpu.memory_space<hbm>>
      tpu.wait_indirect_dma semaphore(%arg19 : memref<!tpu.dma_semaphore, #tpu.memory_space<semaphore_mem>>) src(%dma_wait3A_208 : memref<10240x64xf32, #tpu.memory_space<hbm>>) dst(%arg13 : memref<128x64xf32, #tpu.memory_space<vmem>>)
      %add3A_209 = arith.constant 4 : i32
      %add3A_210 = arith.addi %mul3A_117, %add3A_209 : i32
      %dma_start3A_211 = arith.constant 0 : i32
      %dma_start3A_212 = tpu.memref_slice %arg8[%add3A_210, %dma_start3A_211] : memref<160x128xi32, #tpu.memory_space<vmem>> -> memref<1x128xi32, #tpu.memory_space<vmem>>
      %dma_start3A_213 = tpu.memref_squeeze %dma_start3A_212 : memref<1x128xi32, #tpu.memory_space<vmem>> -> memref<128xi32, #tpu.memory_space<vmem>>
      %dma_start3A_214 = arith.constant 0 : i32
      %dma_start3A_215 = arith.constant 0 : i32
      %dma_start3A_216 = tpu.memref_slice %arg14[%dma_start3A_214, %dma_start3A_215] : memref<10240x64xf32, #tpu.memory_space<vmem_shared>> -> memref<10240x64xf32, #tpu.memory_space<vmem_shared>>
      tpu.enqueue_indirect_dma source(%arg13 : memref<128x64xf32, #tpu.memory_space<vmem>>) target(%dma_start3A_216 : memref<10240x64xf32, #tpu.memory_space<vmem_shared>>) offsets(%dma_start3A_213 : memref<128xi32, #tpu.memory_space<vmem>>) semaphore(%arg24 : memref<!tpu.dma_semaphore, #tpu.memory_space<semaphore_mem>>) {add = true}
      %add3A_217 = arith.constant 0 : i32
      %add3A_218 = arith.addi %mul3A_117, %add3A_217 : i32
      %dma_wait3A_219 = arith.constant 0 : i32
      %dma_wait3A_220 = tpu.memref_slice %arg8[%add3A_218, %dma_wait3A_219] : memref<160x128xi32, #tpu.memory_space<vmem>> -> memref<1x128xi32, #tpu.memory_space<vmem>>
      %dma_wait3A_221 = tpu.memref_squeeze %dma_wait3A_220 : memref<1x128xi32, #tpu.memory_space<vmem>> -> memref<128xi32, #tpu.memory_space<vmem>>
      %dma_wait3A_222 = arith.constant 0 : i32
      %dma_wait3A_223 = arith.constant 0 : i32
      %dma_wait3A_224 = tpu.memref_slice %arg14[%dma_wait3A_222, %dma_wait3A_223] : memref<10240x64xf32, #tpu.memory_space<vmem_shared>> -> memref<10240x64xf32, #tpu.memory_space<vmem_shared>>
      tpu.wait_indirect_dma semaphore(%arg20 : memref<!tpu.dma_semaphore, #tpu.memory_space<semaphore_mem>>) src(%arg9 : memref<128x64xf32, #tpu.memory_space<vmem>>) dst(%dma_wait3A_224 : memref<10240x64xf32, #tpu.memory_space<vmem_shared>>)
      %add3A_225 = arith.constant 5 : i32
      %add3A_226 = arith.addi %mul3A_117, %add3A_225 : i32
      %add3A_227 = arith.constant 0 : i32
      %add3A_228 = arith.addi %add3A_226, %add3A_227 : i32
      %min3A = arith.constant 159 : i32
      %min3A_229 = arith.minsi %add3A_228, %min3A : i32
      %dma_start3A_230 = arith.constant 0 : i32
      %dma_start3A_231 = tpu.memref_slice %arg7[%min3A_229, %dma_start3A_230] : memref<160x128xi32, #tpu.memory_space<vmem>> -> memref<1x128xi32, #tpu.memory_space<vmem>>
      %dma_start3A_232 = tpu.memref_squeeze %dma_start3A_231 : memref<1x128xi32, #tpu.memory_space<vmem>> -> memref<128xi32, #tpu.memory_space<vmem>>
      %dma_start3A_233 = arith.constant 0 : i32
      %dma_start3A_234 = arith.constant 0 : i32
      %dma_start3A_235 = tpu.memref_slice %arg2[%arg0, %dma_start3A_233, %dma_start3A_234] : memref<2x10240x64xf32, #tpu.memory_space<hbm>> -> memref<1x10240x64xf32, #tpu.memory_space<hbm>>
      %dma_start3A_236 = tpu.memref_squeeze %dma_start3A_235 : memref<1x10240x64xf32, #tpu.memory_space<hbm>> -> memref<10240x64xf32, #tpu.memory_space<hbm>>
      %dma_start3A_237 = arith.constant 0 : i32
      %dma_start3A_238 = arith.constant 0 : i32
      %dma_start3A_239 = tpu.memref_slice %dma_start3A_236[%dma_start3A_237, %dma_start3A_238] : memref<10240x64xf32, #tpu.memory_space<hbm>> -> memref<10240x64xf32, #tpu.memory_space<hbm>>
      tpu.enqueue_indirect_dma source(%dma_start3A_239 : memref<10240x64xf32, #tpu.memory_space<hbm>>) target(%arg9 : memref<128x64xf32, #tpu.memory_space<vmem>>) offsets(%dma_start3A_232 : memref<128xi32, #tpu.memory_space<vmem>>) semaphore(%arg15 : memref<!tpu.dma_semaphore, #tpu.memory_space<semaphore_mem>>)
      %add3A_240 = arith.constant 1 : i32
      %add3A_241 = arith.addi %mul3A_117, %add3A_240 : i32
      %dma_wait3A_242 = arith.constant 0 : i32
      %dma_wait3A_243 = tpu.memref_slice %arg8[%add3A_241, %dma_wait3A_242] : memref<160x128xi32, #tpu.memory_space<vmem>> -> memref<1x128xi32, #tpu.memory_space<vmem>>
      %dma_wait3A_244 = tpu.memref_squeeze %dma_wait3A_243 : memref<1x128xi32, #tpu.memory_space<vmem>> -> memref<128xi32, #tpu.memory_space<vmem>>
      %dma_wait3A_245 = arith.constant 0 : i32
      %dma_wait3A_246 = arith.constant 0 : i32
      %dma_wait3A_247 = tpu.memref_slice %arg14[%dma_wait3A_245, %dma_wait3A_246] : memref<10240x64xf32, #tpu.memory_space<vmem_shared>> -> memref<10240x64xf32, #tpu.memory_space<vmem_shared>>
      tpu.wait_indirect_dma semaphore(%arg21 : memref<!tpu.dma_semaphore, #tpu.memory_space<semaphore_mem>>) src(%arg10 : memref<128x64xf32, #tpu.memory_space<vmem>>) dst(%dma_wait3A_247 : memref<10240x64xf32, #tpu.memory_space<vmem_shared>>)
      %add3A_248 = arith.constant 5 : i32
      %add3A_249 = arith.addi %mul3A_117, %add3A_248 : i32
      %add3A_250 = arith.constant 1 : i32
      %add3A_251 = arith.addi %add3A_249, %add3A_250 : i32
      %min3A_252 = arith.constant 159 : i32
      %min3A_253 = arith.minsi %add3A_251, %min3A_252 : i32
      %dma_start3A_254 = arith.constant 0 : i32
      %dma_start3A_255 = tpu.memref_slice %arg7[%min3A_253, %dma_start3A_254] : memref<160x128xi32, #tpu.memory_space<vmem>> -> memref<1x128xi32, #tpu.memory_space<vmem>>
      %dma_start3A_256 = tpu.memref_squeeze %dma_start3A_255 : memref<1x128xi32, #tpu.memory_space<vmem>> -> memref<128xi32, #tpu.memory_space<vmem>>
      %dma_start3A_257 = arith.constant 0 : i32
      %dma_start3A_258 = arith.constant 0 : i32
      %dma_start3A_259 = tpu.memref_slice %arg2[%arg0, %dma_start3A_257, %dma_start3A_258] : memref<2x10240x64xf32, #tpu.memory_space<hbm>> -> memref<1x10240x64xf32, #tpu.memory_space<hbm>>
      %dma_start3A_260 = tpu.memref_squeeze %dma_start3A_259 : memref<1x10240x64xf32, #tpu.memory_space<hbm>> -> memref<10240x64xf32, #tpu.memory_space<hbm>>
      %dma_start3A_261 = arith.constant 0 : i32
      %dma_start3A_262 = arith.constant 0 : i32
      %dma_start3A_263 = tpu.memref_slice %dma_start3A_260[%dma_start3A_261, %dma_start3A_262] : memref<10240x64xf32, #tpu.memory_space<hbm>> -> memref<10240x64xf32, #tpu.memory_space<hbm>>
      tpu.enqueue_indirect_dma source(%dma_start3A_263 : memref<10240x64xf32, #tpu.memory_space<hbm>>) target(%arg10 : memref<128x64xf32, #tpu.memory_space<vmem>>) offsets(%dma_start3A_256 : memref<128xi32, #tpu.memory_space<vmem>>) semaphore(%arg16 : memref<!tpu.dma_semaphore, #tpu.memory_space<semaphore_mem>>)
      %add3A_264 = arith.constant 2 : i32
      %add3A_265 = arith.addi %mul3A_117, %add3A_264 : i32
      %dma_wait3A_266 = arith.constant 0 : i32
      %dma_wait3A_267 = tpu.memref_slice %arg8[%add3A_265, %dma_wait3A_266] : memref<160x128xi32, #tpu.memory_space<vmem>> -> memref<1x128xi32, #tpu.memory_space<vmem>>
      %dma_wait3A_268 = tpu.memref_squeeze %dma_wait3A_267 : memref<1x128xi32, #tpu.memory_space<vmem>> -> memref<128xi32, #tpu.memory_space<vmem>>
      %dma_wait3A_269 = arith.constant 0 : i32
      %dma_wait3A_270 = arith.constant 0 : i32
      %dma_wait3A_271 = tpu.memref_slice %arg14[%dma_wait3A_269, %dma_wait3A_270] : memref<10240x64xf32, #tpu.memory_space<vmem_shared>> -> memref<10240x64xf32, #tpu.memory_space<vmem_shared>>
      tpu.wait_indirect_dma semaphore(%arg22 : memref<!tpu.dma_semaphore, #tpu.memory_space<semaphore_mem>>) src(%arg11 : memref<128x64xf32, #tpu.memory_space<vmem>>) dst(%dma_wait3A_271 : memref<10240x64xf32, #tpu.memory_space<vmem_shared>>)
      %add3A_272 = arith.constant 5 : i32
      %add3A_273 = arith.addi %mul3A_117, %add3A_272 : i32
      %add3A_274 = arith.constant 2 : i32
      %add3A_275 = arith.addi %add3A_273, %add3A_274 : i32
      %min3A_276 = arith.constant 159 : i32
      %min3A_277 = arith.minsi %add3A_275, %min3A_276 : i32
      %dma_start3A_278 = arith.constant 0 : i32
      %dma_start3A_279 = tpu.memref_slice %arg7[%min3A_277, %dma_start3A_278] : memref<160x128xi32, #tpu.memory_space<vmem>> -> memref<1x128xi32, #tpu.memory_space<vmem>>
      %dma_start3A_280 = tpu.memref_squeeze %dma_start3A_279 : memref<1x128xi32, #tpu.memory_space<vmem>> -> memref<128xi32, #tpu.memory_space<vmem>>
      %dma_start3A_281 = arith.constant 0 : i32
      %dma_start3A_282 = arith.constant 0 : i32
      %dma_start3A_283 = tpu.memref_slice %arg2[%arg0, %dma_start3A_281, %dma_start3A_282] : memref<2x10240x64xf32, #tpu.memory_space<hbm>> -> memref<1x10240x64xf32, #tpu.memory_space<hbm>>
      %dma_start3A_284 = tpu.memref_squeeze %dma_start3A_283 : memref<1x10240x64xf32, #tpu.memory_space<hbm>> -> memref<10240x64xf32, #tpu.memory_space<hbm>>
      %dma_start3A_285 = arith.constant 0 : i32
      %dma_start3A_286 = arith.constant 0 : i32
      %dma_start3A_287 = tpu.memref_slice %dma_start3A_284[%dma_start3A_285, %dma_start3A_286] : memref<10240x64xf32, #tpu.memory_space<hbm>> -> memref<10240x64xf32, #tpu.memory_space<hbm>>
      tpu.enqueue_indirect_dma source(%dma_start3A_287 : memref<10240x64xf32, #tpu.memory_space<hbm>>) target(%arg11 : memref<128x64xf32, #tpu.memory_space<vmem>>) offsets(%dma_start3A_280 : memref<128xi32, #tpu.memory_space<vmem>>) semaphore(%arg17 : memref<!tpu.dma_semaphore, #tpu.memory_space<semaphore_mem>>)
      %add3A_288 = arith.constant 3 : i32
      %add3A_289 = arith.addi %mul3A_117, %add3A_288 : i32
      %dma_wait3A_290 = arith.constant 0 : i32
      %dma_wait3A_291 = tpu.memref_slice %arg8[%add3A_289, %dma_wait3A_290] : memref<160x128xi32, #tpu.memory_space<vmem>> -> memref<1x128xi32, #tpu.memory_space<vmem>>
      %dma_wait3A_292 = tpu.memref_squeeze %dma_wait3A_291 : memref<1x128xi32, #tpu.memory_space<vmem>> -> memref<128xi32, #tpu.memory_space<vmem>>
      %dma_wait3A_293 = arith.constant 0 : i32
      %dma_wait3A_294 = arith.constant 0 : i32
      %dma_wait3A_295 = tpu.memref_slice %arg14[%dma_wait3A_293, %dma_wait3A_294] : memref<10240x64xf32, #tpu.memory_space<vmem_shared>> -> memref<10240x64xf32, #tpu.memory_space<vmem_shared>>
      tpu.wait_indirect_dma semaphore(%arg23 : memref<!tpu.dma_semaphore, #tpu.memory_space<semaphore_mem>>) src(%arg12 : memref<128x64xf32, #tpu.memory_space<vmem>>) dst(%dma_wait3A_295 : memref<10240x64xf32, #tpu.memory_space<vmem_shared>>)
      %add3A_296 = arith.constant 5 : i32
      %add3A_297 = arith.addi %mul3A_117, %add3A_296 : i32
      %add3A_298 = arith.constant 3 : i32
      %add3A_299 = arith.addi %add3A_297, %add3A_298 : i32
      %min3A_300 = arith.constant 159 : i32
      %min3A_301 = arith.minsi %add3A_299, %min3A_300 : i32
      %dma_start3A_302 = arith.constant 0 : i32
      %dma_start3A_303 = tpu.memref_slice %arg7[%min3A_301, %dma_start3A_302] : memref<160x128xi32, #tpu.memory_space<vmem>> -> memref<1x128xi32, #tpu.memory_space<vmem>>
      %dma_start3A_304 = tpu.memref_squeeze %dma_start3A_303 : memref<1x128xi32, #tpu.memory_space<vmem>> -> memref<128xi32, #tpu.memory_space<vmem>>
      %dma_start3A_305 = arith.constant 0 : i32
      %dma_start3A_306 = arith.constant 0 : i32
      %dma_start3A_307 = tpu.memref_slice %arg2[%arg0, %dma_start3A_305, %dma_start3A_306] : memref<2x10240x64xf32, #tpu.memory_space<hbm>> -> memref<1x10240x64xf32, #tpu.memory_space<hbm>>
      %dma_start3A_308 = tpu.memref_squeeze %dma_start3A_307 : memref<1x10240x64xf32, #tpu.memory_space<hbm>> -> memref<10240x64xf32, #tpu.memory_space<hbm>>
      %dma_start3A_309 = arith.constant 0 : i32
      %dma_start3A_310 = arith.constant 0 : i32
      %dma_start3A_311 = tpu.memref_slice %dma_start3A_308[%dma_start3A_309, %dma_start3A_310] : memref<10240x64xf32, #tpu.memory_space<hbm>> -> memref<10240x64xf32, #tpu.memory_space<hbm>>
      tpu.enqueue_indirect_dma source(%dma_start3A_311 : memref<10240x64xf32, #tpu.memory_space<hbm>>) target(%arg12 : memref<128x64xf32, #tpu.memory_space<vmem>>) offsets(%dma_start3A_304 : memref<128xi32, #tpu.memory_space<vmem>>) semaphore(%arg18 : memref<!tpu.dma_semaphore, #tpu.memory_space<semaphore_mem>>)
      %add3A_312 = arith.constant 4 : i32
      %add3A_313 = arith.addi %mul3A_117, %add3A_312 : i32
      %dma_wait3A_314 = arith.constant 0 : i32
      %dma_wait3A_315 = tpu.memref_slice %arg8[%add3A_313, %dma_wait3A_314] : memref<160x128xi32, #tpu.memory_space<vmem>> -> memref<1x128xi32, #tpu.memory_space<vmem>>
      %dma_wait3A_316 = tpu.memref_squeeze %dma_wait3A_315 : memref<1x128xi32, #tpu.memory_space<vmem>> -> memref<128xi32, #tpu.memory_space<vmem>>
      %dma_wait3A_317 = arith.constant 0 : i32
      %dma_wait3A_318 = arith.constant 0 : i32
      %dma_wait3A_319 = tpu.memref_slice %arg14[%dma_wait3A_317, %dma_wait3A_318] : memref<10240x64xf32, #tpu.memory_space<vmem_shared>> -> memref<10240x64xf32, #tpu.memory_space<vmem_shared>>
      tpu.wait_indirect_dma semaphore(%arg24 : memref<!tpu.dma_semaphore, #tpu.memory_space<semaphore_mem>>) src(%arg13 : memref<128x64xf32, #tpu.memory_space<vmem>>) dst(%dma_wait3A_319 : memref<10240x64xf32, #tpu.memory_space<vmem_shared>>)
      %add3A_320 = arith.constant 5 : i32
      %add3A_321 = arith.addi %mul3A_117, %add3A_320 : i32
      %add3A_322 = arith.constant 4 : i32
      %add3A_323 = arith.addi %add3A_321, %add3A_322 : i32
      %min3A_324 = arith.constant 159 : i32
      %min3A_325 = arith.minsi %add3A_323, %min3A_324 : i32
      %dma_start3A_326 = arith.constant 0 : i32
      %dma_start3A_327 = tpu.memref_slice %arg7[%min3A_325, %dma_start3A_326] : memref<160x128xi32, #tpu.memory_space<vmem>> -> memref<1x128xi32, #tpu.memory_space<vmem>>
      %dma_start3A_328 = tpu.memref_squeeze %dma_start3A_327 : memref<1x128xi32, #tpu.memory_space<vmem>> -> memref<128xi32, #tpu.memory_space<vmem>>
      %dma_start3A_329 = arith.constant 0 : i32
      %dma_start3A_330 = arith.constant 0 : i32
      %dma_start3A_331 = tpu.memref_slice %arg2[%arg0, %dma_start3A_329, %dma_start3A_330] : memref<2x10240x64xf32, #tpu.memory_space<hbm>> -> memref<1x10240x64xf32, #tpu.memory_space<hbm>>
      %dma_start3A_332 = tpu.memref_squeeze %dma_start3A_331 : memref<1x10240x64xf32, #tpu.memory_space<hbm>> -> memref<10240x64xf32, #tpu.memory_space<hbm>>
      %dma_start3A_333 = arith.constant 0 : i32
      %dma_start3A_334 = arith.constant 0 : i32
      %dma_start3A_335 = tpu.memref_slice %dma_start3A_332[%dma_start3A_333, %dma_start3A_334] : memref<10240x64xf32, #tpu.memory_space<hbm>> -> memref<10240x64xf32, #tpu.memory_space<hbm>>
      tpu.enqueue_indirect_dma source(%dma_start3A_335 : memref<10240x64xf32, #tpu.memory_space<hbm>>) target(%arg13 : memref<128x64xf32, #tpu.memory_space<vmem>>) offsets(%dma_start3A_328 : memref<128xi32, #tpu.memory_space<vmem>>) semaphore(%arg19 : memref<!tpu.dma_semaphore, #tpu.memory_space<semaphore_mem>>)
    }
    %scan3A_59 = arith.constant 32 : i32
    %dma_wait3A = arith.constant 0 : i32
    %dma_wait3A_60 = arith.constant 0 : i32
    %dma_wait3A_61 = tpu.memref_slice %arg7[%dma_wait3A, %dma_wait3A_60] : memref<160x128xi32, #tpu.memory_space<vmem>> -> memref<1x128xi32, #tpu.memory_space<vmem>>
    %dma_wait3A_62 = tpu.memref_squeeze %dma_wait3A_61 : memref<1x128xi32, #tpu.memory_space<vmem>> -> memref<128xi32, #tpu.memory_space<vmem>>
    %dma_wait3A_63 = arith.constant 0 : i32
    %dma_wait3A_64 = arith.constant 0 : i32
    %dma_wait3A_65 = tpu.memref_slice %arg2[%arg0, %dma_wait3A_63, %dma_wait3A_64] : memref<2x10240x64xf32, #tpu.memory_space<hbm>> -> memref<1x10240x64xf32, #tpu.memory_space<hbm>>
    %dma_wait3A_66 = tpu.memref_squeeze %dma_wait3A_65 : memref<1x10240x64xf32, #tpu.memory_space<hbm>> -> memref<10240x64xf32, #tpu.memory_space<hbm>>
    %dma_wait3A_67 = arith.constant 0 : i32
    %dma_wait3A_68 = arith.constant 0 : i32
    %dma_wait3A_69 = tpu.memref_slice %dma_wait3A_66[%dma_wait3A_67, %dma_wait3A_68] : memref<10240x64xf32, #tpu.memory_space<hbm>> -> memref<10240x64xf32, #tpu.memory_space<hbm>>
    tpu.wait_indirect_dma semaphore(%arg15 : memref<!tpu.dma_semaphore, #tpu.memory_space<semaphore_mem>>) src(%dma_wait3A_69 : memref<10240x64xf32, #tpu.memory_space<hbm>>) dst(%arg9 : memref<128x64xf32, #tpu.memory_space<vmem>>)
    %dma_wait3A_70 = arith.constant 0 : i32
    %dma_wait3A_71 = arith.constant 0 : i32
    %dma_wait3A_72 = tpu.memref_slice %arg7[%dma_wait3A_70, %dma_wait3A_71] : memref<160x128xi32, #tpu.memory_space<vmem>> -> memref<1x128xi32, #tpu.memory_space<vmem>>
    %dma_wait3A_73 = tpu.memref_squeeze %dma_wait3A_72 : memref<1x128xi32, #tpu.memory_space<vmem>> -> memref<128xi32, #tpu.memory_space<vmem>>
    %dma_wait3A_74 = arith.constant 0 : i32
    %dma_wait3A_75 = arith.constant 0 : i32
    %dma_wait3A_76 = tpu.memref_slice %arg2[%arg0, %dma_wait3A_74, %dma_wait3A_75] : memref<2x10240x64xf32, #tpu.memory_space<hbm>> -> memref<1x10240x64xf32, #tpu.memory_space<hbm>>
    %dma_wait3A_77 = tpu.memref_squeeze %dma_wait3A_76 : memref<1x10240x64xf32, #tpu.memory_space<hbm>> -> memref<10240x64xf32, #tpu.memory_space<hbm>>
    %dma_wait3A_78 = arith.constant 0 : i32
    %dma_wait3A_79 = arith.constant 0 : i32
    %dma_wait3A_80 = tpu.memref_slice %dma_wait3A_77[%dma_wait3A_78, %dma_wait3A_79] : memref<10240x64xf32, #tpu.memory_space<hbm>> -> memref<10240x64xf32, #tpu.memory_space<hbm>>
    tpu.wait_indirect_dma semaphore(%arg16 : memref<!tpu.dma_semaphore, #tpu.memory_space<semaphore_mem>>) src(%dma_wait3A_80 : memref<10240x64xf32, #tpu.memory_space<hbm>>) dst(%arg10 : memref<128x64xf32, #tpu.memory_space<vmem>>)
    %dma_wait3A_81 = arith.constant 0 : i32
    %dma_wait3A_82 = arith.constant 0 : i32
    %dma_wait3A_83 = tpu.memref_slice %arg7[%dma_wait3A_81, %dma_wait3A_82] : memref<160x128xi32, #tpu.memory_space<vmem>> -> memref<1x128xi32, #tpu.memory_space<vmem>>
    %dma_wait3A_84 = tpu.memref_squeeze %dma_wait3A_83 : memref<1x128xi32, #tpu.memory_space<vmem>> -> memref<128xi32, #tpu.memory_space<vmem>>
    %dma_wait3A_85 = arith.constant 0 : i32
    %dma_wait3A_86 = arith.constant 0 : i32
    %dma_wait3A_87 = tpu.memref_slice %arg2[%arg0, %dma_wait3A_85, %dma_wait3A_86] : memref<2x10240x64xf32, #tpu.memory_space<hbm>> -> memref<1x10240x64xf32, #tpu.memory_space<hbm>>
    %dma_wait3A_88 = tpu.memref_squeeze %dma_wait3A_87 : memref<1x10240x64xf32, #tpu.memory_space<hbm>> -> memref<10240x64xf32, #tpu.memory_space<hbm>>
    %dma_wait3A_89 = arith.constant 0 : i32
    %dma_wait3A_90 = arith.constant 0 : i32
    %dma_wait3A_91 = tpu.memref_slice %dma_wait3A_88[%dma_wait3A_89, %dma_wait3A_90] : memref<10240x64xf32, #tpu.memory_space<hbm>> -> memref<10240x64xf32, #tpu.memory_space<hbm>>
    tpu.wait_indirect_dma semaphore(%arg17 : memref<!tpu.dma_semaphore, #tpu.memory_space<semaphore_mem>>) src(%dma_wait3A_91 : memref<10240x64xf32, #tpu.memory_space<hbm>>) dst(%arg11 : memref<128x64xf32, #tpu.memory_space<vmem>>)
    %dma_wait3A_92 = arith.constant 0 : i32
    %dma_wait3A_93 = arith.constant 0 : i32
    %dma_wait3A_94 = tpu.memref_slice %arg7[%dma_wait3A_92, %dma_wait3A_93] : memref<160x128xi32, #tpu.memory_space<vmem>> -> memref<1x128xi32, #tpu.memory_space<vmem>>
    %dma_wait3A_95 = tpu.memref_squeeze %dma_wait3A_94 : memref<1x128xi32, #tpu.memory_space<vmem>> -> memref<128xi32, #tpu.memory_space<vmem>>
    %dma_wait3A_96 = arith.constant 0 : i32
    %dma_wait3A_97 = arith.constant 0 : i32
    %dma_wait3A_98 = tpu.memref_slice %arg2[%arg0, %dma_wait3A_96, %dma_wait3A_97] : memref<2x10240x64xf32, #tpu.memory_space<hbm>> -> memref<1x10240x64xf32, #tpu.memory_space<hbm>>
    %dma_wait3A_99 = tpu.memref_squeeze %dma_wait3A_98 : memref<1x10240x64xf32, #tpu.memory_space<hbm>> -> memref<10240x64xf32, #tpu.memory_space<hbm>>
    %dma_wait3A_100 = arith.constant 0 : i32
    %dma_wait3A_101 = arith.constant 0 : i32
    %dma_wait3A_102 = tpu.memref_slice %dma_wait3A_99[%dma_wait3A_100, %dma_wait3A_101] : memref<10240x64xf32, #tpu.memory_space<hbm>> -> memref<10240x64xf32, #tpu.memory_space<hbm>>
    tpu.wait_indirect_dma semaphore(%arg18 : memref<!tpu.dma_semaphore, #tpu.memory_space<semaphore_mem>>) src(%dma_wait3A_102 : memref<10240x64xf32, #tpu.memory_space<hbm>>) dst(%arg12 : memref<128x64xf32, #tpu.memory_space<vmem>>)
    %dma_wait3A_103 = arith.constant 0 : i32
    %dma_wait3A_104 = arith.constant 0 : i32
    %dma_wait3A_105 = tpu.memref_slice %arg7[%dma_wait3A_103, %dma_wait3A_104] : memref<160x128xi32, #tpu.memory_space<vmem>> -> memref<1x128xi32, #tpu.memory_space<vmem>>
    %dma_wait3A_106 = tpu.memref_squeeze %dma_wait3A_105 : memref<1x128xi32, #tpu.memory_space<vmem>> -> memref<128xi32, #tpu.memory_space<vmem>>
    %dma_wait3A_107 = arith.constant 0 : i32
    %dma_wait3A_108 = arith.constant 0 : i32
    %dma_wait3A_109 = tpu.memref_slice %arg2[%arg0, %dma_wait3A_107, %dma_wait3A_108] : memref<2x10240x64xf32, #tpu.memory_space<hbm>> -> memref<1x10240x64xf32, #tpu.memory_space<hbm>>
    %dma_wait3A_110 = tpu.memref_squeeze %dma_wait3A_109 : memref<1x10240x64xf32, #tpu.memory_space<hbm>> -> memref<10240x64xf32, #tpu.memory_space<hbm>>
    %dma_wait3A_111 = arith.constant 0 : i32
    %dma_wait3A_112 = arith.constant 0 : i32
    %dma_wait3A_113 = tpu.memref_slice %dma_wait3A_110[%dma_wait3A_111, %dma_wait3A_112] : memref<10240x64xf32, #tpu.memory_space<hbm>> -> memref<10240x64xf32, #tpu.memory_space<hbm>>
    tpu.wait_indirect_dma semaphore(%arg19 : memref<!tpu.dma_semaphore, #tpu.memory_space<semaphore_mem>>) src(%dma_wait3A_113 : memref<10240x64xf32, #tpu.memory_space<hbm>>) dst(%arg13 : memref<128x64xf32, #tpu.memory_space<vmem>>)
    %barrier3A_114 = arith.constant 0 : index
    tpu.barrier barrier_id(%barrier3A_114)
    "tpu.region"() ({
      %run_scoped3A = tpu.sem_alloc : memref<!tpu.dma_semaphore, #tpu.memory_space<semaphore_mem>>
      %dma_start3A_115 = arith.constant 0 : i32
      %dma_start3A_116 = tpu.memref_slice %arg6[%arg0, %mul3A_0, %dma_start3A_115] : memref<2x10240x64xf32, #tpu.memory_space<hbm>> -> memref<1x640x64xf32, #tpu.memory_space<hbm>>
      %dma_start3A_117 = tpu.memref_squeeze %dma_start3A_116 : memref<1x640x64xf32, #tpu.memory_space<hbm>> -> memref<640x64xf32, #tpu.memory_space<hbm>>
      %dma_start3A_118 = arith.constant 0 : i32
      %dma_start3A_119 = tpu.memref_slice %arg14[%mul3A_0, %dma_start3A_118] : memref<10240x64xf32, #tpu.memory_space<vmem_shared>> -> memref<640x64xf32, #tpu.memory_space<vmem_shared>>
      tpu.enqueue_dma source(%dma_start3A_119 : memref<640x64xf32, #tpu.memory_space<vmem_shared>>) target(%dma_start3A_117 : memref<640x64xf32, #tpu.memory_space<hbm>>) target_semaphore(%run_scoped3A : memref<!tpu.dma_semaphore, #tpu.memory_space<semaphore_mem>>)
      %dma_wait3A_120 = arith.constant 0 : i32
      %dma_wait3A_121 = tpu.memref_slice %arg6[%arg0, %mul3A_0, %dma_wait3A_120] : memref<2x10240x64xf32, #tpu.memory_space<hbm>> -> memref<1x640x64xf32, #tpu.memory_space<hbm>>
      %dma_wait3A_122 = tpu.memref_squeeze %dma_wait3A_121 : memref<1x640x64xf32, #tpu.memory_space<hbm>> -> memref<640x64xf32, #tpu.memory_space<hbm>>
      %dma_wait3A_123 = arith.constant 0 : i32
      %dma_wait3A_124 = tpu.memref_slice %arg14[%mul3A_0, %dma_wait3A_123] : memref<10240x64xf32, #tpu.memory_space<vmem_shared>> -> memref<640x64xf32, #tpu.memory_space<vmem_shared>>
      tpu.wait_dma2 semaphore(%run_scoped3A : memref<!tpu.dma_semaphore, #tpu.memory_space<semaphore_mem>>) src(%dma_wait3A_124 : memref<640x64xf32, #tpu.memory_space<vmem_shared>>) dst(%dma_wait3A_122 : memref<640x64xf32, #tpu.memory_space<hbm>>)
      tpu.yield
    }) : () -> ()
    return
  }
}

module attributes {stable_mosaic.version = 14 : i64} {
  func.func @body(%arg0: i32, %arg1: memref<512x256xf32, #tpu.memory_space<vmem>>, %arg2: memref<128x128xf32, #tpu.memory_space<vmem>>, %arg3: memref<2x512xf32, #tpu.memory_space<vmem>>, %arg4: memref<2x512xf32, #tpu.memory_space<vmem>>, %arg5: memref<2x512x128xf32, #tpu.memory_space<vmem>>) attributes {dimension_semantics = [#tpu.dimension_semantics<arbitrary>], iteration_bounds = array<i64: 10>, scalar_prefetch = 0 : i64, scratch_operands = 0 : i64, tpu.core_type = #tpu.core_type<tc>, window_params = [{transform_indices = @transform_0, window_bounds = array<i64: 512, 256>}, {pipeline_mode = #tpu.pipeline_mode<synchronous>, transform_indices = @transform_1, window_bounds = array<i64: 128, 128>}, {transform_indices = @transform_2, window_bounds = array<i64: 2, 512>}, {transform_indices = @transform_3, window_bounds = array<i64: 2, 512>}, {transform_indices = @transform_4, window_bounds = array<i64: 2, 512, 128>}]} {
    %get3A = arith.constant 0 : index
    %get3A_0 = arith.constant 0 : index
    %get3A_1 = vector.load %arg3[%get3A, %get3A_0] : memref<2x512xf32, #tpu.memory_space<vmem>>, vector<1x512xf32>
    %get3A_2 = vector.shape_cast %get3A_1 : vector<1x512xf32> to vector<512xf32>
    %get3A_3 = arith.constant 1 : index
    %get3A_4 = arith.constant 0 : index
    %get3A_5 = vector.load %arg3[%get3A_3, %get3A_4] : memref<2x512xf32, #tpu.memory_space<vmem>>, vector<1x512xf32>
    %get3A_6 = vector.shape_cast %get3A_5 : vector<1x512xf32> to vector<512xf32>
    %add3A = arith.addf %get3A_2, %get3A_6 : vector<512xf32>
    %add3A_7 = arith.constant 1.000000e+00 : f32
    %add3A_8 = vector.broadcast %add3A_7 : f32 to vector<512xf32>
    %add3A_9 = arith.addf %add3A, %add3A_8 : vector<512xf32>
    %rsqrt3A = math.rsqrt %add3A_9 : vector<512xf32>
    %broadcast_in_dim3A = vector.shape_cast %rsqrt3A : vector<512xf32> to vector<512x1xf32>
    %get3A_10 = arith.constant 0 : index
    %get3A_11 = arith.constant 0 : index
    %get3A_12 = vector.load %arg4[%get3A_10, %get3A_11] : memref<2x512xf32, #tpu.memory_space<vmem>>, vector<1x512xf32>
    %get3A_13 = vector.shape_cast %get3A_12 : vector<1x512xf32> to vector<512xf32>
    %get3A_14 = arith.constant 1 : index
    %get3A_15 = arith.constant 0 : index
    %get3A_16 = vector.load %arg4[%get3A_14, %get3A_15] : memref<2x512xf32, #tpu.memory_space<vmem>>, vector<1x512xf32>
    %get3A_17 = vector.shape_cast %get3A_16 : vector<1x512xf32> to vector<512xf32>
    %add3A_18 = arith.addf %get3A_13, %get3A_17 : vector<512xf32>
    %add3A_19 = arith.constant 1.000000e+00 : f32
    %add3A_20 = vector.broadcast %add3A_19 : f32 to vector<512xf32>
    %add3A_21 = arith.addf %add3A_18, %add3A_20 : vector<512xf32>
    %rsqrt3A_22 = math.rsqrt %add3A_21 : vector<512xf32>
    %broadcast_in_dim3A_23 = vector.shape_cast %rsqrt3A_22 : vector<512xf32> to vector<512x1xf32>
    %get3A_24 = arith.constant 0 : index
    %get3A_25 = arith.constant 0 : index
    %get3A_26 = vector.load %arg1[%get3A_24, %get3A_25] : memref<512x256xf32, #tpu.memory_space<vmem>>, vector<512x128xf32>
    %get3A_27 = arith.constant 0 : index
    %get3A_28 = arith.constant 0 : index
    %get3A_29 = vector.load %arg2[%get3A_27, %get3A_28] : memref<128x128xf32, #tpu.memory_space<vmem>>, vector<128x128xf32>
    %dot_general3A = arith.constant dense<0.000000e+00> : vector<512x128xf32>
    %dot_general3A_30 = tpu.matmul %get3A_26, %get3A_29, %dot_general3A {dimension_numbers = #tpu.dot_dimension_numbers<[1], [0], [0], [1], [0, 0, 1, 1], [], []>, transpose_lhs_hint = false} : vector<512x128xf32>, vector<128x128xf32>, vector<512x128xf32> -> vector<512x128xf32>
    %mul3A = vector.broadcast %broadcast_in_dim3A : vector<512x1xf32> to vector<512x128xf32>
    %mul3A_31 = arith.mulf %dot_general3A_30, %mul3A : vector<512x128xf32>
    %get3A_32 = arith.constant 0 : index
    %get3A_33 = arith.constant 128 : index
    %get3A_34 = vector.load %arg1[%get3A_32, %get3A_33] : memref<512x256xf32, #tpu.memory_space<vmem>>, vector<512x128xf32>
    %get3A_35 = arith.constant 0 : index
    %get3A_36 = arith.constant 0 : index
    %get3A_37 = vector.load %arg2[%get3A_35, %get3A_36] : memref<128x128xf32, #tpu.memory_space<vmem>>, vector<128x128xf32>
    %dot_general3A_38 = arith.constant dense<0.000000e+00> : vector<512x128xf32>
    %dot_general3A_39 = tpu.matmul %get3A_34, %get3A_37, %dot_general3A_38 {dimension_numbers = #tpu.dot_dimension_numbers<[1], [0], [0], [1], [0, 0, 1, 1], [], []>, transpose_lhs_hint = false} : vector<512x128xf32>, vector<128x128xf32>, vector<512x128xf32> -> vector<512x128xf32>
    %mul3A_40 = vector.broadcast %broadcast_in_dim3A_23 : vector<512x1xf32> to vector<512x128xf32>
    %mul3A_41 = arith.mulf %dot_general3A_39, %mul3A_40 : vector<512x128xf32>
    %slice3A = vector.extract_strided_slice %mul3A_31 {offsets = [0, 0], sizes = [512, 64], strides = [1, 1]} : vector<512x128xf32> to vector<512x64xf32>
    %slice3A_42 = vector.extract_strided_slice %mul3A_41 {offsets = [0, 0], sizes = [512, 64], strides = [1, 1]} : vector<512x128xf32> to vector<512x64xf32>
    %concatenate3A = tpu.concatenate %slice3A, %slice3A_42 in 1 : vector<512x64xf32>, vector<512x64xf32> -> vector<512x128xf32>
    %swap3A = arith.constant 0 : index
    %swap3A_43 = arith.constant 0 : index
    %swap3A_44 = arith.constant 0 : index
    %swap3A_45 = vector.load %arg5[%swap3A, %swap3A_43, %swap3A_44] : memref<2x512x128xf32, #tpu.memory_space<vmem>>, vector<1x512x128xf32>
    %swap3A_46 = vector.shape_cast %swap3A_45 : vector<1x512x128xf32> to vector<512x128xf32>
    %swap3A_47 = vector.shape_cast %concatenate3A : vector<512x128xf32> to vector<1x512x128xf32>
    tpu.vector_store %arg5[%swap3A, %swap3A_43, %swap3A_44], %swap3A_47 {strides = array<i32>} : memref<2x512x128xf32, #tpu.memory_space<vmem>>, vector<1x512x128xf32>,
    %slice3A_48 = vector.extract_strided_slice %mul3A_31 {offsets = [0, 64], sizes = [512, 64], strides = [1, 1]} : vector<512x128xf32> to vector<512x64xf32>
    %slice3A_49 = vector.extract_strided_slice %mul3A_41 {offsets = [0, 64], sizes = [512, 64], strides = [1, 1]} : vector<512x128xf32> to vector<512x64xf32>
    %concatenate3A_50 = tpu.concatenate %slice3A_48, %slice3A_49 in 1 : vector<512x64xf32>, vector<512x64xf32> -> vector<512x128xf32>
    %swap3A_51 = arith.constant 1 : index
    %swap3A_52 = arith.constant 0 : index
    %swap3A_53 = arith.constant 0 : index
    %swap3A_54 = vector.load %arg5[%swap3A_51, %swap3A_52, %swap3A_53] : memref<2x512x128xf32, #tpu.memory_space<vmem>>, vector<1x512x128xf32>
    %swap3A_55 = vector.shape_cast %swap3A_54 : vector<1x512x128xf32> to vector<512x128xf32>
    %swap3A_56 = vector.shape_cast %concatenate3A_50 : vector<512x128xf32> to vector<1x512x128xf32>
    tpu.vector_store %arg5[%swap3A_51, %swap3A_52, %swap3A_53], %swap3A_56 {strides = array<i32>} : memref<2x512x128xf32, #tpu.memory_space<vmem>>, vector<1x512x128xf32>,
    return
  }
  func.func @transform_0(%arg0: i32) -> (i32, i32) {
    %c0_i32 = arith.constant 0 : i32
    %c0_i32_0 = arith.constant 0 : i32
    return %arg0, %c0_i32 : i32, i32
  }
  func.func @transform_1(%arg0: i32) -> (i32, i32) {
    %c0_i32 = arith.constant 0 : i32
    %c0_i32_0 = arith.constant 0 : i32
    %c0_i32_1 = arith.constant 0 : i32
    return %c0_i32, %c0_i32_0 : i32, i32
  }
  func.func @transform_2(%arg0: i32) -> (i32, i32) {
    %c0_i32 = arith.constant 0 : i32
    %c0_i32_0 = arith.constant 0 : i32
    return %c0_i32, %arg0 : i32, i32
  }
  func.func @transform_3(%arg0: i32) -> (i32, i32) {
    %c0_i32 = arith.constant 0 : i32
    %c0_i32_0 = arith.constant 0 : i32
    return %c0_i32, %arg0 : i32, i32
  }
  func.func @transform_4(%arg0: i32) -> (i32, i32, i32) {
    %c0_i32 = arith.constant 0 : i32
    %c0_i32_0 = arith.constant 0 : i32
    %c0_i32_1 = arith.constant 0 : i32
    return %c0_i32, %arg0, %c0_i32_0 : i32, i32, i32
  }
}

module attributes {stable_mosaic.version = 14 : i64} {
  func.func @body(%arg0: i32, %arg1: memref<2x512x128xf32, #tpu.memory_space<vmem>>, %arg2: memref<2x512x128xf32, #tpu.memory_space<vmem>>, %arg3: memref<2x512xf32, #tpu.memory_space<vmem>>, %arg4: memref<2x512xf32, #tpu.memory_space<vmem>>, %arg5: memref<128x128xf32, #tpu.memory_space<vmem>>, %arg6: memref<1x128xf32, #tpu.memory_space<vmem>>, %arg7: memref<2x512x128xf32, #tpu.memory_space<vmem>>) attributes {dimension_semantics = [#tpu.dimension_semantics<arbitrary>], iteration_bounds = array<i64: 10>, scalar_prefetch = 0 : i64, scratch_operands = 0 : i64, tpu.core_type = #tpu.core_type<tc>, window_params = [{transform_indices = @transform_0, window_bounds = array<i64: 2, 512, 128>}, {transform_indices = @transform_1, window_bounds = array<i64: 2, 512, 128>}, {transform_indices = @transform_2, window_bounds = array<i64: 2, 512>}, {transform_indices = @transform_3, window_bounds = array<i64: 2, 512>}, {pipeline_mode = #tpu.pipeline_mode<synchronous>, transform_indices = @transform_4, window_bounds = array<i64: 128, 128>}, {pipeline_mode = #tpu.pipeline_mode<synchronous>, transform_indices = @transform_5, window_bounds = array<i64: 1, 128>}, {transform_indices = @transform_6, window_bounds = array<i64: 2, 512, 128>}]} {
    %get3A = arith.constant 0 : index
    %get3A_0 = arith.constant 0 : index
    %get3A_1 = vector.load %arg3[%get3A, %get3A_0] : memref<2x512xf32, #tpu.memory_space<vmem>>, vector<1x512xf32>
    %get3A_2 = vector.shape_cast %get3A_1 : vector<1x512xf32> to vector<512xf32>
    %get3A_3 = arith.constant 1 : index
    %get3A_4 = arith.constant 0 : index
    %get3A_5 = vector.load %arg3[%get3A_3, %get3A_4] : memref<2x512xf32, #tpu.memory_space<vmem>>, vector<1x512xf32>
    %get3A_6 = vector.shape_cast %get3A_5 : vector<1x512xf32> to vector<512xf32>
    %add3A = arith.addf %get3A_2, %get3A_6 : vector<512xf32>
    %add3A_7 = arith.constant 1.000000e+00 : f32
    %add3A_8 = vector.broadcast %add3A_7 : f32 to vector<512xf32>
    %add3A_9 = arith.addf %add3A, %add3A_8 : vector<512xf32>
    %rsqrt3A = math.rsqrt %add3A_9 : vector<512xf32>
    %broadcast_in_dim3A = vector.shape_cast %rsqrt3A : vector<512xf32> to vector<512x1xf32>
    %get3A_10 = arith.constant 0 : index
    %get3A_11 = arith.constant 0 : index
    %get3A_12 = vector.load %arg4[%get3A_10, %get3A_11] : memref<2x512xf32, #tpu.memory_space<vmem>>, vector<1x512xf32>
    %get3A_13 = vector.shape_cast %get3A_12 : vector<1x512xf32> to vector<512xf32>
    %get3A_14 = arith.constant 1 : index
    %get3A_15 = arith.constant 0 : index
    %get3A_16 = vector.load %arg4[%get3A_14, %get3A_15] : memref<2x512xf32, #tpu.memory_space<vmem>>, vector<1x512xf32>
    %get3A_17 = vector.shape_cast %get3A_16 : vector<1x512xf32> to vector<512xf32>
    %add3A_18 = arith.addf %get3A_13, %get3A_17 : vector<512xf32>
    %add3A_19 = arith.constant 1.000000e+00 : f32
    %add3A_20 = vector.broadcast %add3A_19 : f32 to vector<512xf32>
    %add3A_21 = arith.addf %add3A_18, %add3A_20 : vector<512xf32>
    %rsqrt3A_22 = math.rsqrt %add3A_21 : vector<512xf32>
    %broadcast_in_dim3A_23 = vector.shape_cast %rsqrt3A_22 : vector<512xf32> to vector<512x1xf32>
    %get3A_24 = arith.constant 0 : index
    %get3A_25 = arith.constant 0 : index
    %get3A_26 = arith.constant 0 : index
    %get3A_27 = vector.load %arg1[%get3A_24, %get3A_25, %get3A_26] : memref<2x512x128xf32, #tpu.memory_space<vmem>>, vector<1x512x128xf32>
    %get3A_28 = vector.shape_cast %get3A_27 : vector<1x512x128xf32> to vector<512x128xf32>
    %get3A_29 = arith.constant 1 : index
    %get3A_30 = arith.constant 0 : index
    %get3A_31 = arith.constant 0 : index
    %get3A_32 = vector.load %arg1[%get3A_29, %get3A_30, %get3A_31] : memref<2x512x128xf32, #tpu.memory_space<vmem>>, vector<1x512x128xf32>
    %get3A_33 = vector.shape_cast %get3A_32 : vector<1x512x128xf32> to vector<512x128xf32>
    %slice3A = vector.extract_strided_slice %get3A_28 {offsets = [0, 0], sizes = [512, 64], strides = [1, 1]} : vector<512x128xf32> to vector<512x64xf32>
    %slice3A_34 = vector.extract_strided_slice %get3A_33 {offsets = [0, 0], sizes = [512, 64], strides = [1, 1]} : vector<512x128xf32> to vector<512x64xf32>
    %concatenate3A = tpu.concatenate %slice3A, %slice3A_34 in 1 : vector<512x64xf32>, vector<512x64xf32> -> vector<512x128xf32>
    %slice3A_35 = vector.extract_strided_slice %get3A_28 {offsets = [0, 64], sizes = [512, 64], strides = [1, 1]} : vector<512x128xf32> to vector<512x64xf32>
    %slice3A_36 = vector.extract_strided_slice %get3A_33 {offsets = [0, 64], sizes = [512, 64], strides = [1, 1]} : vector<512x128xf32> to vector<512x64xf32>
    %concatenate3A_37 = tpu.concatenate %slice3A_35, %slice3A_36 in 1 : vector<512x64xf32>, vector<512x64xf32> -> vector<512x128xf32>
    %get3A_38 = arith.constant 0 : index
    %get3A_39 = arith.constant 0 : index
    %get3A_40 = arith.constant 0 : index
    %get3A_41 = vector.load %arg2[%get3A_38, %get3A_39, %get3A_40] : memref<2x512x128xf32, #tpu.memory_space<vmem>>, vector<1x512x128xf32>
    %get3A_42 = vector.shape_cast %get3A_41 : vector<1x512x128xf32> to vector<512x128xf32>
    %get3A_43 = arith.constant 1 : index
    %get3A_44 = arith.constant 0 : index
    %get3A_45 = arith.constant 0 : index
    %get3A_46 = vector.load %arg2[%get3A_43, %get3A_44, %get3A_45] : memref<2x512x128xf32, #tpu.memory_space<vmem>>, vector<1x512x128xf32>
    %get3A_47 = vector.shape_cast %get3A_46 : vector<1x512x128xf32> to vector<512x128xf32>
    %slice3A_48 = vector.extract_strided_slice %get3A_42 {offsets = [0, 0], sizes = [512, 64], strides = [1, 1]} : vector<512x128xf32> to vector<512x64xf32>
    %slice3A_49 = vector.extract_strided_slice %get3A_47 {offsets = [0, 0], sizes = [512, 64], strides = [1, 1]} : vector<512x128xf32> to vector<512x64xf32>
    %concatenate3A_50 = tpu.concatenate %slice3A_48, %slice3A_49 in 1 : vector<512x64xf32>, vector<512x64xf32> -> vector<512x128xf32>
    %slice3A_51 = vector.extract_strided_slice %get3A_42 {offsets = [0, 64], sizes = [512, 64], strides = [1, 1]} : vector<512x128xf32> to vector<512x64xf32>
    %slice3A_52 = vector.extract_strided_slice %get3A_47 {offsets = [0, 64], sizes = [512, 64], strides = [1, 1]} : vector<512x128xf32> to vector<512x64xf32>
    %concatenate3A_53 = tpu.concatenate %slice3A_51, %slice3A_52 in 1 : vector<512x64xf32>, vector<512x64xf32> -> vector<512x128xf32>
    %add3A_54 = arith.addf %concatenate3A, %concatenate3A_50 : vector<512x128xf32>
    %mul3A = vector.broadcast %broadcast_in_dim3A : vector<512x1xf32> to vector<512x128xf32>
    %mul3A_55 = arith.mulf %mul3A, %add3A_54 : vector<512x128xf32>
    %get3A_56 = arith.constant 0 : index
    %get3A_57 = arith.constant 0 : index
    %get3A_58 = vector.load %arg6[%get3A_56, %get3A_57] : memref<1x128xf32, #tpu.memory_space<vmem>>, vector<1x128xf32>
    %add3A_59 = vector.broadcast %get3A_58 : vector<1x128xf32> to vector<512x128xf32>
    %add3A_60 = arith.addf %mul3A_55, %add3A_59 : vector<512x128xf32>
    %max3A = arith.constant 0.000000e+00 : f32
    %max3A_61 = vector.broadcast %max3A : f32 to vector<512x128xf32>
    %max3A_62 = arith.maximumf %add3A_60, %max3A_61 : vector<512x128xf32>
    %add3A_63 = arith.addf %concatenate3A_37, %concatenate3A_53 : vector<512x128xf32>
    %mul3A_64 = vector.broadcast %broadcast_in_dim3A_23 : vector<512x1xf32> to vector<512x128xf32>
    %mul3A_65 = arith.mulf %mul3A_64, %add3A_63 : vector<512x128xf32>
    %get3A_66 = arith.constant 0 : index
    %get3A_67 = arith.constant 0 : index
    %get3A_68 = vector.load %arg6[%get3A_66, %get3A_67] : memref<1x128xf32, #tpu.memory_space<vmem>>, vector<1x128xf32>
    %add3A_69 = vector.broadcast %get3A_68 : vector<1x128xf32> to vector<512x128xf32>
    %add3A_70 = arith.addf %mul3A_65, %add3A_69 : vector<512x128xf32>
    %max3A_71 = arith.constant 0.000000e+00 : f32
    %max3A_72 = vector.broadcast %max3A_71 : f32 to vector<512x128xf32>
    %max3A_73 = arith.maximumf %add3A_70, %max3A_72 : vector<512x128xf32>
    %get3A_74 = arith.constant 0 : index
    %get3A_75 = arith.constant 0 : index
    %get3A_76 = vector.load %arg5[%get3A_74, %get3A_75] : memref<128x128xf32, #tpu.memory_space<vmem>>, vector<128x128xf32>
    %dot_general3A = arith.constant dense<0.000000e+00> : vector<512x128xf32>
    %dot_general3A_77 = tpu.matmul %max3A_62, %get3A_76, %dot_general3A {dimension_numbers = #tpu.dot_dimension_numbers<[1], [0], [0], [1], [0, 0, 1, 1], [], []>, transpose_lhs_hint = false} : vector<512x128xf32>, vector<128x128xf32>, vector<512x128xf32> -> vector<512x128xf32>
    %mul3A_78 = vector.broadcast %broadcast_in_dim3A : vector<512x1xf32> to vector<512x128xf32>
    %mul3A_79 = arith.mulf %dot_general3A_77, %mul3A_78 : vector<512x128xf32>
    %get3A_80 = arith.constant 0 : index
    %get3A_81 = arith.constant 0 : index
    %get3A_82 = vector.load %arg5[%get3A_80, %get3A_81] : memref<128x128xf32, #tpu.memory_space<vmem>>, vector<128x128xf32>
    %dot_general3A_83 = arith.constant dense<0.000000e+00> : vector<512x128xf32>
    %dot_general3A_84 = tpu.matmul %max3A_73, %get3A_82, %dot_general3A_83 {dimension_numbers = #tpu.dot_dimension_numbers<[1], [0], [0], [1], [0, 0, 1, 1], [], []>, transpose_lhs_hint = false} : vector<512x128xf32>, vector<128x128xf32>, vector<512x128xf32> -> vector<512x128xf32>
    %mul3A_85 = vector.broadcast %broadcast_in_dim3A_23 : vector<512x1xf32> to vector<512x128xf32>
    %mul3A_86 = arith.mulf %dot_general3A_84, %mul3A_85 : vector<512x128xf32>
    %slice3A_87 = vector.extract_strided_slice %mul3A_79 {offsets = [0, 0], sizes = [512, 64], strides = [1, 1]} : vector<512x128xf32> to vector<512x64xf32>
    %slice3A_88 = vector.extract_strided_slice %mul3A_86 {offsets = [0, 0], sizes = [512, 64], strides = [1, 1]} : vector<512x128xf32> to vector<512x64xf32>
    %concatenate3A_89 = tpu.concatenate %slice3A_87, %slice3A_88 in 1 : vector<512x64xf32>, vector<512x64xf32> -> vector<512x128xf32>
    %swap3A = arith.constant 0 : index
    %swap3A_90 = arith.constant 0 : index
    %swap3A_91 = arith.constant 0 : index
    %swap3A_92 = vector.load %arg7[%swap3A, %swap3A_90, %swap3A_91] : memref<2x512x128xf32, #tpu.memory_space<vmem>>, vector<1x512x128xf32>
    %swap3A_93 = vector.shape_cast %swap3A_92 : vector<1x512x128xf32> to vector<512x128xf32>
    %swap3A_94 = vector.shape_cast %concatenate3A_89 : vector<512x128xf32> to vector<1x512x128xf32>
    tpu.vector_store %arg7[%swap3A, %swap3A_90, %swap3A_91], %swap3A_94 {strides = array<i32>} : memref<2x512x128xf32, #tpu.memory_space<vmem>>, vector<1x512x128xf32>,
    %slice3A_95 = vector.extract_strided_slice %mul3A_79 {offsets = [0, 64], sizes = [512, 64], strides = [1, 1]} : vector<512x128xf32> to vector<512x64xf32>
    %slice3A_96 = vector.extract_strided_slice %mul3A_86 {offsets = [0, 64], sizes = [512, 64], strides = [1, 1]} : vector<512x128xf32> to vector<512x64xf32>
    %concatenate3A_97 = tpu.concatenate %slice3A_95, %slice3A_96 in 1 : vector<512x64xf32>, vector<512x64xf32> -> vector<512x128xf32>
    %swap3A_98 = arith.constant 1 : index
    %swap3A_99 = arith.constant 0 : index
    %swap3A_100 = arith.constant 0 : index
    %swap3A_101 = vector.load %arg7[%swap3A_98, %swap3A_99, %swap3A_100] : memref<2x512x128xf32, #tpu.memory_space<vmem>>, vector<1x512x128xf32>
    %swap3A_102 = vector.shape_cast %swap3A_101 : vector<1x512x128xf32> to vector<512x128xf32>
    %swap3A_103 = vector.shape_cast %concatenate3A_97 : vector<512x128xf32> to vector<1x512x128xf32>
    tpu.vector_store %arg7[%swap3A_98, %swap3A_99, %swap3A_100], %swap3A_103 {strides = array<i32>} : memref<2x512x128xf32, #tpu.memory_space<vmem>>, vector<1x512x128xf32>,
    return
  }
  func.func @transform_0(%arg0: i32) -> (i32, i32, i32) {
    %c0_i32 = arith.constant 0 : i32
    %c0_i32_0 = arith.constant 0 : i32
    %c0_i32_1 = arith.constant 0 : i32
    return %c0_i32, %arg0, %c0_i32_0 : i32, i32, i32
  }
  func.func @transform_1(%arg0: i32) -> (i32, i32, i32) {
    %c0_i32 = arith.constant 0 : i32
    %c0_i32_0 = arith.constant 0 : i32
    %c0_i32_1 = arith.constant 0 : i32
    return %c0_i32, %arg0, %c0_i32_0 : i32, i32, i32
  }
  func.func @transform_2(%arg0: i32) -> (i32, i32) {
    %c0_i32 = arith.constant 0 : i32
    %c0_i32_0 = arith.constant 0 : i32
    return %c0_i32, %arg0 : i32, i32
  }
  func.func @transform_3(%arg0: i32) -> (i32, i32) {
    %c0_i32 = arith.constant 0 : i32
    %c0_i32_0 = arith.constant 0 : i32
    return %c0_i32, %arg0 : i32, i32
  }
  func.func @transform_4(%arg0: i32) -> (i32, i32) {
    %c0_i32 = arith.constant 0 : i32
    %c0_i32_0 = arith.constant 0 : i32
    %c0_i32_1 = arith.constant 0 : i32
    return %c0_i32, %c0_i32_0 : i32, i32
  }
  func.func @transform_5(%arg0: i32) -> (i32, i32) {
    %c0_i32 = arith.constant 0 : i32
    %c0_i32_0 = arith.constant 0 : i32
    %c0_i32_1 = arith.constant 0 : i32
    return %c0_i32, %c0_i32_0 : i32, i32
  }
  func.func @transform_6(%arg0: i32) -> (i32, i32, i32) {
    %c0_i32 = arith.constant 0 : i32
    %c0_i32_0 = arith.constant 0 : i32
    %c0_i32_1 = arith.constant 0 : i32
    return %c0_i32, %arg0, %c0_i32_0 : i32, i32, i32
  }
}

module attributes {stable_mosaic.version = 14 : i64} {
  func.func @body(%arg0: i32, %arg1: memref<2x512x128xf32, #tpu.memory_space<vmem>>, %arg2: memref<2x512x128xf32, #tpu.memory_space<vmem>>, %arg3: memref<2x512xf32, #tpu.memory_space<vmem>>, %arg4: memref<2x512xf32, #tpu.memory_space<vmem>>, %arg5: memref<1x128xf32, #tpu.memory_space<vmem>>, %arg6: memref<128x128xf32, #tpu.memory_space<vmem>>, %arg7: memref<1x128xf32, #tpu.memory_space<vmem>>, %arg8: memref<128x16xf32, #tpu.memory_space<vmem>>, %arg9: memref<1x16xf32, #tpu.memory_space<vmem>>, %arg10: memref<512x32xf32, #tpu.memory_space<vmem>>, %arg11: memref<512x2xf32, #tpu.memory_space<vmem>>, %arg12: memref<512x32xf32, #tpu.memory_space<vmem>>, %arg13: memref<1x1xf32, #tpu.memory_space<vmem>>, %arg14: memref<1x1xf32, #tpu.memory_space<vmem>>) attributes {dimension_semantics = [#tpu.dimension_semantics<arbitrary>], iteration_bounds = array<i64: 10>, scalar_prefetch = 0 : i64, scratch_operands = 0 : i64, tpu.core_type = #tpu.core_type<tc>, window_params = [{transform_indices = @transform_0, window_bounds = array<i64: 2, 512, 128>}, {transform_indices = @transform_1, window_bounds = array<i64: 2, 512, 128>}, {transform_indices = @transform_2, window_bounds = array<i64: 2, 512>}, {transform_indices = @transform_3, window_bounds = array<i64: 2, 512>}, {pipeline_mode = #tpu.pipeline_mode<synchronous>, transform_indices = @transform_4, window_bounds = array<i64: 1, 128>}, {pipeline_mode = #tpu.pipeline_mode<synchronous>, transform_indices = @transform_5, window_bounds = array<i64: 128, 128>}, {pipeline_mode = #tpu.pipeline_mode<synchronous>, transform_indices = @transform_6, window_bounds = array<i64: 1, 128>}, {pipeline_mode = #tpu.pipeline_mode<synchronous>, transform_indices = @transform_7, window_bounds = array<i64: 128, 16>}, {pipeline_mode = #tpu.pipeline_mode<synchronous>, transform_indices = @transform_8, window_bounds = array<i64: 1, 16>}, {transform_indices = @transform_9, window_bounds = array<i64: 512, 32>}, {transform_indices = @transform_10, window_bounds = array<i64: 512, 2>}, {transform_indices = @transform_11, window_bounds = array<i64: 512, 32>}, {pipeline_mode = #tpu.pipeline_mode<synchronous>, transform_indices = @transform_12, window_bounds = array<i64: 1, 1>}, {pipeline_mode = #tpu.pipeline_mode<synchronous>, transform_indices = @transform_13, window_bounds = array<i64: 1, 1>}]} {
    %get3A = arith.constant 0 : index
    %get3A_0 = arith.constant 0 : index
    %get3A_1 = vector.load %arg3[%get3A, %get3A_0] : memref<2x512xf32, #tpu.memory_space<vmem>>, vector<1x512xf32>
    %get3A_2 = vector.shape_cast %get3A_1 : vector<1x512xf32> to vector<512xf32>
    %get3A_3 = arith.constant 1 : index
    %get3A_4 = arith.constant 0 : index
    %get3A_5 = vector.load %arg3[%get3A_3, %get3A_4] : memref<2x512xf32, #tpu.memory_space<vmem>>, vector<1x512xf32>
    %get3A_6 = vector.shape_cast %get3A_5 : vector<1x512xf32> to vector<512xf32>
    %add3A = arith.addf %get3A_2, %get3A_6 : vector<512xf32>
    %add3A_7 = arith.constant 1.000000e+00 : f32
    %add3A_8 = vector.broadcast %add3A_7 : f32 to vector<512xf32>
    %add3A_9 = arith.addf %add3A, %add3A_8 : vector<512xf32>
    %rsqrt3A = math.rsqrt %add3A_9 : vector<512xf32>
    %broadcast_in_dim3A = vector.shape_cast %rsqrt3A : vector<512xf32> to vector<512x1xf32>
    %get3A_10 = arith.constant 0 : index
    %get3A_11 = arith.constant 0 : index
    %get3A_12 = vector.load %arg4[%get3A_10, %get3A_11] : memref<2x512xf32, #tpu.memory_space<vmem>>, vector<1x512xf32>
    %get3A_13 = vector.shape_cast %get3A_12 : vector<1x512xf32> to vector<512xf32>
    %get3A_14 = arith.constant 1 : index
    %get3A_15 = arith.constant 0 : index
    %get3A_16 = vector.load %arg4[%get3A_14, %get3A_15] : memref<2x512xf32, #tpu.memory_space<vmem>>, vector<1x512xf32>
    %get3A_17 = vector.shape_cast %get3A_16 : vector<1x512xf32> to vector<512xf32>
    %add3A_18 = arith.addf %get3A_13, %get3A_17 : vector<512xf32>
    %add3A_19 = arith.constant 1.000000e+00 : f32
    %add3A_20 = vector.broadcast %add3A_19 : f32 to vector<512xf32>
    %add3A_21 = arith.addf %add3A_18, %add3A_20 : vector<512xf32>
    %rsqrt3A_22 = math.rsqrt %add3A_21 : vector<512xf32>
    %broadcast_in_dim3A_23 = vector.shape_cast %rsqrt3A_22 : vector<512xf32> to vector<512x1xf32>
    %get3A_24 = arith.constant 0 : index
    %get3A_25 = arith.constant 0 : index
    %get3A_26 = arith.constant 0 : index
    %get3A_27 = vector.load %arg1[%get3A_24, %get3A_25, %get3A_26] : memref<2x512x128xf32, #tpu.memory_space<vmem>>, vector<1x512x128xf32>
    %get3A_28 = vector.shape_cast %get3A_27 : vector<1x512x128xf32> to vector<512x128xf32>
    %get3A_29 = arith.constant 1 : index
    %get3A_30 = arith.constant 0 : index
    %get3A_31 = arith.constant 0 : index
    %get3A_32 = vector.load %arg1[%get3A_29, %get3A_30, %get3A_31] : memref<2x512x128xf32, #tpu.memory_space<vmem>>, vector<1x512x128xf32>
    %get3A_33 = vector.shape_cast %get3A_32 : vector<1x512x128xf32> to vector<512x128xf32>
    %slice3A = vector.extract_strided_slice %get3A_28 {offsets = [0, 0], sizes = [512, 64], strides = [1, 1]} : vector<512x128xf32> to vector<512x64xf32>
    %slice3A_34 = vector.extract_strided_slice %get3A_33 {offsets = [0, 0], sizes = [512, 64], strides = [1, 1]} : vector<512x128xf32> to vector<512x64xf32>
    %concatenate3A = tpu.concatenate %slice3A, %slice3A_34 in 1 : vector<512x64xf32>, vector<512x64xf32> -> vector<512x128xf32>
    %slice3A_35 = vector.extract_strided_slice %get3A_28 {offsets = [0, 64], sizes = [512, 64], strides = [1, 1]} : vector<512x128xf32> to vector<512x64xf32>
    %slice3A_36 = vector.extract_strided_slice %get3A_33 {offsets = [0, 64], sizes = [512, 64], strides = [1, 1]} : vector<512x128xf32> to vector<512x64xf32>
    %concatenate3A_37 = tpu.concatenate %slice3A_35, %slice3A_36 in 1 : vector<512x64xf32>, vector<512x64xf32> -> vector<512x128xf32>
    %get3A_38 = arith.constant 0 : index
    %get3A_39 = arith.constant 0 : index
    %get3A_40 = arith.constant 0 : index
    %get3A_41 = vector.load %arg2[%get3A_38, %get3A_39, %get3A_40] : memref<2x512x128xf32, #tpu.memory_space<vmem>>, vector<1x512x128xf32>
    %get3A_42 = vector.shape_cast %get3A_41 : vector<1x512x128xf32> to vector<512x128xf32>
    %get3A_43 = arith.constant 1 : index
    %get3A_44 = arith.constant 0 : index
    %get3A_45 = arith.constant 0 : index
    %get3A_46 = vector.load %arg2[%get3A_43, %get3A_44, %get3A_45] : memref<2x512x128xf32, #tpu.memory_space<vmem>>, vector<1x512x128xf32>
    %get3A_47 = vector.shape_cast %get3A_46 : vector<1x512x128xf32> to vector<512x128xf32>
    %slice3A_48 = vector.extract_strided_slice %get3A_42 {offsets = [0, 0], sizes = [512, 64], strides = [1, 1]} : vector<512x128xf32> to vector<512x64xf32>
    %slice3A_49 = vector.extract_strided_slice %get3A_47 {offsets = [0, 0], sizes = [512, 64], strides = [1, 1]} : vector<512x128xf32> to vector<512x64xf32>
    %concatenate3A_50 = tpu.concatenate %slice3A_48, %slice3A_49 in 1 : vector<512x64xf32>, vector<512x64xf32> -> vector<512x128xf32>
    %slice3A_51 = vector.extract_strided_slice %get3A_42 {offsets = [0, 64], sizes = [512, 64], strides = [1, 1]} : vector<512x128xf32> to vector<512x64xf32>
    %slice3A_52 = vector.extract_strided_slice %get3A_47 {offsets = [0, 64], sizes = [512, 64], strides = [1, 1]} : vector<512x128xf32> to vector<512x64xf32>
    %concatenate3A_53 = tpu.concatenate %slice3A_51, %slice3A_52 in 1 : vector<512x64xf32>, vector<512x64xf32> -> vector<512x128xf32>
    %add3A_54 = arith.addf %concatenate3A, %concatenate3A_50 : vector<512x128xf32>
    %mul3A = vector.broadcast %broadcast_in_dim3A : vector<512x1xf32> to vector<512x128xf32>
    %mul3A_55 = arith.mulf %mul3A, %add3A_54 : vector<512x128xf32>
    %get3A_56 = arith.constant 0 : index
    %get3A_57 = arith.constant 0 : index
    %get3A_58 = vector.load %arg5[%get3A_56, %get3A_57] : memref<1x128xf32, #tpu.memory_space<vmem>>, vector<1x128xf32>
    %add3A_59 = vector.broadcast %get3A_58 : vector<1x128xf32> to vector<512x128xf32>
    %add3A_60 = arith.addf %mul3A_55, %add3A_59 : vector<512x128xf32>
    %add3A_61 = arith.addf %concatenate3A_37, %concatenate3A_53 : vector<512x128xf32>
    %mul3A_62 = vector.broadcast %broadcast_in_dim3A_23 : vector<512x1xf32> to vector<512x128xf32>
    %mul3A_63 = arith.mulf %mul3A_62, %add3A_61 : vector<512x128xf32>
    %get3A_64 = arith.constant 0 : index
    %get3A_65 = arith.constant 0 : index
    %get3A_66 = vector.load %arg5[%get3A_64, %get3A_65] : memref<1x128xf32, #tpu.memory_space<vmem>>, vector<1x128xf32>
    %add3A_67 = vector.broadcast %get3A_66 : vector<1x128xf32> to vector<512x128xf32>
    %add3A_68 = arith.addf %mul3A_63, %add3A_67 : vector<512x128xf32>
    %get3A_69 = arith.constant 0 : index
    %get3A_70 = arith.constant 0 : index
    %get3A_71 = vector.load %arg6[%get3A_69, %get3A_70] : memref<128x128xf32, #tpu.memory_space<vmem>>, vector<128x128xf32>
    %dot_general3A = arith.constant dense<0.000000e+00> : vector<512x128xf32>
    %dot_general3A_72 = tpu.matmul %add3A_60, %get3A_71, %dot_general3A {dimension_numbers = #tpu.dot_dimension_numbers<[1], [0], [0], [1], [0, 0, 1, 1], [], []>, transpose_lhs_hint = false} : vector<512x128xf32>, vector<128x128xf32>, vector<512x128xf32> -> vector<512x128xf32>
    %get3A_73 = arith.constant 0 : index
    %get3A_74 = arith.constant 0 : index
    %get3A_75 = vector.load %arg7[%get3A_73, %get3A_74] : memref<1x128xf32, #tpu.memory_space<vmem>>, vector<1x128xf32>
    %add3A_76 = vector.broadcast %get3A_75 : vector<1x128xf32> to vector<512x128xf32>
    %add3A_77 = arith.addf %dot_general3A_72, %add3A_76 : vector<512x128xf32>
    %max3A = arith.constant 0.000000e+00 : f32
    %max3A_78 = vector.broadcast %max3A : f32 to vector<512x128xf32>
    %max3A_79 = arith.maximumf %add3A_77, %max3A_78 : vector<512x128xf32>
    %get3A_80 = arith.constant 0 : index
    %get3A_81 = arith.constant 0 : index
    %get3A_82 = vector.load %arg6[%get3A_80, %get3A_81] : memref<128x128xf32, #tpu.memory_space<vmem>>, vector<128x128xf32>
    %dot_general3A_83 = arith.constant dense<0.000000e+00> : vector<512x128xf32>
    %dot_general3A_84 = tpu.matmul %add3A_68, %get3A_82, %dot_general3A_83 {dimension_numbers = #tpu.dot_dimension_numbers<[1], [0], [0], [1], [0, 0, 1, 1], [], []>, transpose_lhs_hint = false} : vector<512x128xf32>, vector<128x128xf32>, vector<512x128xf32> -> vector<512x128xf32>
    %get3A_85 = arith.constant 0 : index
    %get3A_86 = arith.constant 0 : index
    %get3A_87 = vector.load %arg7[%get3A_85, %get3A_86] : memref<1x128xf32, #tpu.memory_space<vmem>>, vector<1x128xf32>
    %add3A_88 = vector.broadcast %get3A_87 : vector<1x128xf32> to vector<512x128xf32>
    %add3A_89 = arith.addf %dot_general3A_84, %add3A_88 : vector<512x128xf32>
    %max3A_90 = arith.constant 0.000000e+00 : f32
    %max3A_91 = vector.broadcast %max3A_90 : f32 to vector<512x128xf32>
    %max3A_92 = arith.maximumf %add3A_89, %max3A_91 : vector<512x128xf32>
    %get3A_93 = arith.constant 0 : index
    %get3A_94 = arith.constant 0 : index
    %get3A_95 = vector.load %arg8[%get3A_93, %get3A_94] : memref<128x16xf32, #tpu.memory_space<vmem>>, vector<128x16xf32>
    %dot_general3A_96 = arith.constant dense<0.000000e+00> : vector<512x16xf32>
    %dot_general3A_97 = tpu.matmul %max3A_79, %get3A_95, %dot_general3A_96 {dimension_numbers = #tpu.dot_dimension_numbers<[1], [0], [0], [1], [0, 0, 1, 1], [], []>, transpose_lhs_hint = false} : vector<512x128xf32>, vector<128x16xf32>, vector<512x16xf32> -> vector<512x16xf32>
    %get3A_98 = arith.constant 0 : index
    %get3A_99 = arith.constant 0 : index
    %get3A_100 = vector.load %arg9[%get3A_98, %get3A_99] : memref<1x16xf32, #tpu.memory_space<vmem>>, vector<1x16xf32>
    %add3A_101 = vector.broadcast %get3A_100 : vector<1x16xf32> to vector<512x16xf32>
    %add3A_102 = arith.addf %dot_general3A_97, %add3A_101 : vector<512x16xf32>
    %get3A_103 = arith.constant 0 : index
    %get3A_104 = arith.constant 0 : index
    %get3A_105 = vector.load %arg8[%get3A_103, %get3A_104] : memref<128x16xf32, #tpu.memory_space<vmem>>, vector<128x16xf32>
    %dot_general3A_106 = arith.constant dense<0.000000e+00> : vector<512x16xf32>
    %dot_general3A_107 = tpu.matmul %max3A_92, %get3A_105, %dot_general3A_106 {dimension_numbers = #tpu.dot_dimension_numbers<[1], [0], [0], [1], [0, 0, 1, 1], [], []>, transpose_lhs_hint = false} : vector<512x128xf32>, vector<128x16xf32>, vector<512x16xf32> -> vector<512x16xf32>
    %get3A_108 = arith.constant 0 : index
    %get3A_109 = arith.constant 0 : index
    %get3A_110 = vector.load %arg9[%get3A_108, %get3A_109] : memref<1x16xf32, #tpu.memory_space<vmem>>, vector<1x16xf32>
    %add3A_111 = vector.broadcast %get3A_110 : vector<1x16xf32> to vector<512x16xf32>
    %add3A_112 = arith.addf %dot_general3A_107, %add3A_111 : vector<512x16xf32>
    %concatenate3A_113 = tpu.concatenate %add3A_102, %add3A_112 in 1 : vector<512x16xf32>, vector<512x16xf32> -> vector<512x32xf32>
    %swap3A = arith.constant 0 : index
    %swap3A_114 = arith.constant 0 : index
    %swap3A_115 = vector.load %arg12[%swap3A, %swap3A_114] : memref<512x32xf32, #tpu.memory_space<vmem>>, vector<512x32xf32>
    tpu.vector_store %arg12[%swap3A, %swap3A_114], %concatenate3A_113 {strides = array<i32>} : memref<512x32xf32, #tpu.memory_space<vmem>>, vector<512x32xf32>,
    %eq3A = arith.constant 0 : i32
    %eq3A_116 = arith.cmpi eq, %arg0, %eq3A : i32
    %convert_element_type3A = arith.extui %eq3A_116 : i1 to i32
    %cond3A = arith.constant 0 : i32
    %cond3A_117 = arith.cmpi ne, %convert_element_type3A, %cond3A : i32
    scf.if %cond3A_117 {
      %broadcast_in_dim3A_187 = arith.constant 0.000000e+00 : f32
      %broadcast_in_dim3A_188 = vector.broadcast %broadcast_in_dim3A_187 : f32 to vector<1x1xf32>
      %swap3A_189 = arith.constant 0 : index
      %swap3A_190 = arith.constant 0 : index
      %swap3A_191 = vector.load %arg13[%swap3A_189, %swap3A_190] : memref<1x1xf32, #tpu.memory_space<vmem>>, vector<1x1xf32>
      tpu.vector_store %arg13[%swap3A_189, %swap3A_190], %broadcast_in_dim3A_188 {strides = array<i32>} : memref<1x1xf32, #tpu.memory_space<vmem>>, vector<1x1xf32>,
      %broadcast_in_dim3A_192 = arith.constant 0.000000e+00 : f32
      %broadcast_in_dim3A_193 = vector.broadcast %broadcast_in_dim3A_192 : f32 to vector<1x1xf32>
      %swap3A_194 = arith.constant 0 : index
      %swap3A_195 = arith.constant 0 : index
      %swap3A_196 = vector.load %arg14[%swap3A_194, %swap3A_195] : memref<1x1xf32, #tpu.memory_space<vmem>>, vector<1x1xf32>
      tpu.vector_store %arg14[%swap3A_194, %swap3A_195], %broadcast_in_dim3A_193 {strides = array<i32>} : memref<1x1xf32, #tpu.memory_space<vmem>>, vector<1x1xf32>,
    } else {
    }
    %get3A_118 = arith.constant 0 : index
    %get3A_119 = arith.constant 0 : index
    %get3A_120 = vector.load %arg13[%get3A_118, %get3A_119] : memref<1x1xf32, #tpu.memory_space<vmem>>, vector<1x1xf32>
    %get3A_121 = arith.constant 0 : index
    %get3A_122 = arith.constant 0 : index
    %get3A_123 = vector.load %arg10[%get3A_121, %get3A_122] : memref<512x32xf32, #tpu.memory_space<vmem>>, vector<512x16xf32>
    %get3A_124 = arith.constant 0 : index
    %get3A_125 = arith.constant 0 : index
    %get3A_126 = vector.load %arg11[%get3A_124, %get3A_125] : memref<512x2xf32, #tpu.memory_space<vmem>>, vector<512x1xf32>
    %max3A_127 = arith.constant 0.000000e+00 : f32
    %max3A_128 = vector.broadcast %max3A_127 : f32 to vector<512x16xf32>
    %max3A_129 = arith.maximumf %add3A_102, %max3A_128 : vector<512x16xf32>
    %mul3A_130 = arith.mulf %add3A_102, %get3A_123 : vector<512x16xf32>
    %sub3A = arith.subf %max3A_129, %mul3A_130 : vector<512x16xf32>
    %abs3A = math.absf %add3A_102 : vector<512x16xf32>
    %neg3A = arith.constant 0.000000e+00 : f32
    %neg3A_131 = vector.broadcast %neg3A : f32 to vector<512x16xf32>
    %neg3A_132 = arith.subf %neg3A_131, %abs3A : vector<512x16xf32>
    %exp3A = math.exp %neg3A_132 : vector<512x16xf32>
    %log1p3A = math.log1p %exp3A : vector<512x16xf32>
    %add3A_133 = arith.addf %sub3A, %log1p3A : vector<512x16xf32>
    %mul3A_134 = vector.broadcast %get3A_126 : vector<512x1xf32> to vector<512x16xf32>
    %mul3A_135 = arith.mulf %add3A_133, %mul3A_134 : vector<512x16xf32>
    %reduce_sum3A = vector.shape_cast %mul3A_135 : vector<512x16xf32> to vector<1x512x16xf32>
    %reduce_sum3A_136 = arith.constant dense<0.000000e+00> : vector<1xf32>
    %reduce_sum3A_137 = vector.multi_reduction <add>, %reduce_sum3A, %reduce_sum3A_136 [1, 2] : vector<1x512x16xf32> to vector<1xf32>
    %reduce_sum3A_138 = vector.shape_cast %reduce_sum3A_137 : vector<1xf32> to vector<1x1x1xf32>
    %reduce_sum3A_139 = vector.extract %reduce_sum3A_138[0, 0, 0] : f32 from vector<1x1x1xf32>
    %get3A_140 = arith.constant 0 : index
    %get3A_141 = arith.constant 16 : index
    %get3A_142 = vector.load %arg10[%get3A_140, %get3A_141] : memref<512x32xf32, #tpu.memory_space<vmem>>, vector<512x16xf32>
    %get3A_143 = arith.constant 0 : index
    %get3A_144 = arith.constant 1 : index
    %get3A_145 = vector.load %arg11[%get3A_143, %get3A_144] : memref<512x2xf32, #tpu.memory_space<vmem>>, vector<512x1xf32>
    %max3A_146 = arith.constant 0.000000e+00 : f32
    %max3A_147 = vector.broadcast %max3A_146 : f32 to vector<512x16xf32>
    %max3A_148 = arith.maximumf %add3A_112, %max3A_147 : vector<512x16xf32>
    %mul3A_149 = arith.mulf %add3A_112, %get3A_142 : vector<512x16xf32>
    %sub3A_150 = arith.subf %max3A_148, %mul3A_149 : vector<512x16xf32>
    %abs3A_151 = math.absf %add3A_112 : vector<512x16xf32>
    %neg3A_152 = arith.constant 0.000000e+00 : f32
    %neg3A_153 = vector.broadcast %neg3A_152 : f32 to vector<512x16xf32>
    %neg3A_154 = arith.subf %neg3A_153, %abs3A_151 : vector<512x16xf32>
    %exp3A_155 = math.exp %neg3A_154 : vector<512x16xf32>
    %log1p3A_156 = math.log1p %exp3A_155 : vector<512x16xf32>
    %add3A_157 = arith.addf %sub3A_150, %log1p3A_156 : vector<512x16xf32>
    %mul3A_158 = vector.broadcast %get3A_145 : vector<512x1xf32> to vector<512x16xf32>
    %mul3A_159 = arith.mulf %add3A_157, %mul3A_158 : vector<512x16xf32>
    %reduce_sum3A_160 = vector.shape_cast %mul3A_159 : vector<512x16xf32> to vector<1x512x16xf32>
    %reduce_sum3A_161 = arith.constant dense<0.000000e+00> : vector<1xf32>
    %reduce_sum3A_162 = vector.multi_reduction <add>, %reduce_sum3A_160, %reduce_sum3A_161 [1, 2] : vector<1x512x16xf32> to vector<1xf32>
    %reduce_sum3A_163 = vector.shape_cast %reduce_sum3A_162 : vector<1xf32> to vector<1x1x1xf32>
    %reduce_sum3A_164 = vector.extract %reduce_sum3A_163[0, 0, 0] : f32 from vector<1x1x1xf32>
    %add3A_165 = arith.addf %reduce_sum3A_139, %reduce_sum3A_164 : f32
    %add3A_166 = vector.broadcast %add3A_165 : f32 to vector<1x1xf32>
    %add3A_167 = arith.addf %get3A_120, %add3A_166 : vector<1x1xf32>
    %swap3A_168 = arith.constant 0 : index
    %swap3A_169 = arith.constant 0 : index
    %swap3A_170 = vector.load %arg13[%swap3A_168, %swap3A_169] : memref<1x1xf32, #tpu.memory_space<vmem>>, vector<1x1xf32>
    tpu.vector_store %arg13[%swap3A_168, %swap3A_169], %add3A_167 {strides = array<i32>} : memref<1x1xf32, #tpu.memory_space<vmem>>, vector<1x1xf32>,
    %get3A_171 = arith.constant 0 : index
    %get3A_172 = arith.constant 0 : index
    %get3A_173 = vector.load %arg14[%get3A_171, %get3A_172] : memref<1x1xf32, #tpu.memory_space<vmem>>, vector<1x1xf32>
    %get3A_174 = arith.constant 0 : index
    %get3A_175 = arith.constant 0 : index
    %get3A_176 = vector.load %arg11[%get3A_174, %get3A_175] : memref<512x2xf32, #tpu.memory_space<vmem>>, vector<512x2xf32>
    %reduce_sum3A_177 = vector.shape_cast %get3A_176 : vector<512x2xf32> to vector<1x512x2xf32>
    %reduce_sum3A_178 = arith.constant dense<0.000000e+00> : vector<1xf32>
    %reduce_sum3A_179 = vector.multi_reduction <add>, %reduce_sum3A_177, %reduce_sum3A_178 [1, 2] : vector<1x512x2xf32> to vector<1xf32>
    %reduce_sum3A_180 = vector.shape_cast %reduce_sum3A_179 : vector<1xf32> to vector<1x1x1xf32>
    %reduce_sum3A_181 = vector.extract %reduce_sum3A_180[0, 0, 0] : f32 from vector<1x1x1xf32>
    %add3A_182 = vector.broadcast %reduce_sum3A_181 : f32 to vector<1x1xf32>
    %add3A_183 = arith.addf %get3A_173, %add3A_182 : vector<1x1xf32>
    %swap3A_184 = arith.constant 0 : index
    %swap3A_185 = arith.constant 0 : index
    %swap3A_186 = vector.load %arg14[%swap3A_184, %swap3A_185] : memref<1x1xf32, #tpu.memory_space<vmem>>, vector<1x1xf32>
    tpu.vector_store %arg14[%swap3A_184, %swap3A_185], %add3A_183 {strides = array<i32>} : memref<1x1xf32, #tpu.memory_space<vmem>>, vector<1x1xf32>,
    return
  }
  func.func @transform_0(%arg0: i32) -> (i32, i32, i32) {
    %c0_i32 = arith.constant 0 : i32
    %c0_i32_0 = arith.constant 0 : i32
    %c0_i32_1 = arith.constant 0 : i32
    return %c0_i32, %arg0, %c0_i32_0 : i32, i32, i32
  }
  func.func @transform_1(%arg0: i32) -> (i32, i32, i32) {
    %c0_i32 = arith.constant 0 : i32
    %c0_i32_0 = arith.constant 0 : i32
    %c0_i32_1 = arith.constant 0 : i32
    return %c0_i32, %arg0, %c0_i32_0 : i32, i32, i32
  }
  func.func @transform_2(%arg0: i32) -> (i32, i32) {
    %c0_i32 = arith.constant 0 : i32
    %c0_i32_0 = arith.constant 0 : i32
    return %c0_i32, %arg0 : i32, i32
  }
  func.func @transform_3(%arg0: i32) -> (i32, i32) {
    %c0_i32 = arith.constant 0 : i32
    %c0_i32_0 = arith.constant 0 : i32
    return %c0_i32, %arg0 : i32, i32
  }
  func.func @transform_4(%arg0: i32) -> (i32, i32) {
    %c0_i32 = arith.constant 0 : i32
    %c0_i32_0 = arith.constant 0 : i32
    %c0_i32_1 = arith.constant 0 : i32
    return %c0_i32, %c0_i32_0 : i32, i32
  }
  func.func @transform_5(%arg0: i32) -> (i32, i32) {
    %c0_i32 = arith.constant 0 : i32
    %c0_i32_0 = arith.constant 0 : i32
    %c0_i32_1 = arith.constant 0 : i32
    return %c0_i32, %c0_i32_0 : i32, i32
  }
  func.func @transform_6(%arg0: i32) -> (i32, i32) {
    %c0_i32 = arith.constant 0 : i32
    %c0_i32_0 = arith.constant 0 : i32
    %c0_i32_1 = arith.constant 0 : i32
    return %c0_i32, %c0_i32_0 : i32, i32
  }
  func.func @transform_7(%arg0: i32) -> (i32, i32) {
    %c0_i32 = arith.constant 0 : i32
    %c0_i32_0 = arith.constant 0 : i32
    %c0_i32_1 = arith.constant 0 : i32
    return %c0_i32, %c0_i32_0 : i32, i32
  }
  func.func @transform_8(%arg0: i32) -> (i32, i32) {
    %c0_i32 = arith.constant 0 : i32
    %c0_i32_0 = arith.constant 0 : i32
    %c0_i32_1 = arith.constant 0 : i32
    return %c0_i32, %c0_i32_0 : i32, i32
  }
  func.func @transform_9(%arg0: i32) -> (i32, i32) {
    %c0_i32 = arith.constant 0 : i32
    %c0_i32_0 = arith.constant 0 : i32
    return %arg0, %c0_i32 : i32, i32
  }
  func.func @transform_10(%arg0: i32) -> (i32, i32) {
    %c0_i32 = arith.constant 0 : i32
    %c0_i32_0 = arith.constant 0 : i32
    return %arg0, %c0_i32 : i32, i32
  }
  func.func @transform_11(%arg0: i32) -> (i32, i32) {
    %c0_i32 = arith.constant 0 : i32
    %c0_i32_0 = arith.constant 0 : i32
    return %arg0, %c0_i32 : i32, i32
  }
  func.func @transform_12(%arg0: i32) -> (i32, i32) {
    %c0_i32 = arith.constant 0 : i32
    %c0_i32_0 = arith.constant 0 : i32
    %c0_i32_1 = arith.constant 0 : i32
    return %c0_i32, %c0_i32_0 : i32, i32
  }
  func.func @transform_13(%arg0: i32) -> (i32, i32) {
    %c0_i32 = arith.constant 0 : i32
    %c0_i32_0 = arith.constant 0 : i32
    %c0_i32_1 = arith.constant 0 : i32
    return %c0_i32, %c0_i32_0 : i32, i32
  }
}

</mosaic_0001>

<sc_bundles>
// kernel: kernel.11.cloned.1.call-start
scs
__scs_entry_jumppad:
0x0: {  	(pc) =	sbr.rel $0x88, $3  }
0x1: {  	(tag) =	ssettag $0x0;
	lr =	simm.s32 $0x1  }
0x2: {  	[smem:$0x3F95] =	sst lr;
	_ =	strace $0xD0000000  }
0x3: {  	_ = 	snop  }
0x4: {  	_ = 	snop  }
0x5: {  	_ = 	snop  }
0x6: {  	_ = 	snop  }
0x7: {  	_ = 	snop  }
__scs_overlays_trampoline_lowered:
0x8: {  	[smem:$0x3FA4] =	sst s0  }
0x9: {  	[smem:$0x3FA5] =	sst s1  }
0xa: {  	[smem:$0x3FA6] =	sst s2  }
0xb: {  	[smem:$0x3FA7] =	sst s3  }
0xc: {  	[smem:$0x3FA8] =	sst s4  }
0xd: {  	[smem:$0x3FA9] =	sst s5  }
0xe: {  	[smem:$0x3FAA] =	sst s6  }
0xf: {  	[smem:$0x3FAB] =	sst s7  }
0x10: {  	[smem:$0x3FAC] =	sst s8  }
0x11: {  	[smem:$0x3FAD] =	sst s9;
	s0 =	simm.s32 @!p0 $0x0  }
0x12: {  	s1 =	sld [smem:$0x3F93];
	s0 =	simm.s32 @p0 $0x1  }
0x13: {  	[smem:$0x3FAE] =	sst s0;
	s0 =	simm.s32 @!p1 $0x0  }
0x14: {  	s2 =	sld [smem:$0x3F92];
	s0 =	simm.s32 @p1 $0x1  }
0x15: {  	[smem:$0x3FAF] =	sst s0;
	s0 =	simm.s32 @!p2 $0x0  }
0x16: {  	s3 =	sld [smem:$0x3FDB];
	s0 =	simm.s32 @p2 $0x1  }
0x17: {  	s4 =	simm.s32 $0x1BF5;
	[smem:$0x3FB1] =	sst s0  }
0x18: {  	s0 =	sld [smem:$0x3F94];
	_ =	swait.ge [sflag:s4], $0x0  }
0x19: {  	s7 =	sld [smem:$0x3F95]  }
0x1a: {  	s8 =	sadd.s32 $0xFFFFE003, lr  }
0x1b: {  	s9 =	sadd.s32 $0xFFFFFEF7, lr;
	s5 =	simm.s32 $0xFFFFFFFF;
	p2 =	slt.u32 s8, $0xFFFFF086  }
0x1c: {  	p1 =	slt.u32 s9, $0xF7A;
	s5 =	simm.s32 @!p2 $0x0  }
0x1d: {  	s5 =	simm.s32 @p1 $0x1;
	p0 =	seq.s32 s7, s2  }
0x1e: {  	s7 =	smul.u32 @!p0 $0xF7A, s2;
	p2 =	seq.s32 @!p0 s5, $0x0  }
0x1f: {  	s9 =	smul.u32 $0xF7A, s1;
	s8 =	simm.s32 @!p0 $0x1BF5;
	p2 =	por !p2, p0  }
0x20: {  	[sflag:s8] =	ssyncset.s32 @!p0 $0xFFFFF086;
	s6 =	sadd.s32 @!p0 s3, s7;
	s7 =	simm.s32 @!p0 $0x108  }
0x21: {  	s3 =	sadd.s32 s3, s9;
	s6 =	sadd.s32 @!p0 $0x88, s6;
	s7 =	simm.s32 @p2 $0x1082  }
0x22: {  	[simem:s7], [sflag:s8] =	dma.local @!p0 [hbm:s6], $0xF7A  }
0x23: {  	s9 =	sor.u32 $0xD0000000, s2;
	s6 =	simm.s32 $0x108;
	_ =	swait.ge @!p0 [sflag:s8], $0x0  }
0x24: {  	s3 =	sadd.s32 $0x88, s3;
	s6 =	simm.s32 @!p1 $0x1082;
	[sflag:s4] =	ssyncset.s32 $0xFFFFF086  }
0x25: {  	[simem:s6], [sflag:s4] =	dma.local [hbm:s3], $0xF7A  }
0x26: {  	[smem:$0x3F95] =	sst s1;
	(tag) =	ssettag s2;
	_ =	strace s9  }
0x27: {  	s1 =	sld [smem:$0x3FA5]  }
0x28: {  	s2 =	sld [smem:$0x3FA6]  }
0x29: {  	s4 =	sld [smem:$0x3FA8]  }
0x2a: {  	p0 =	seq.s32 s5, $0x0;
	s5 =	sld [smem:$0x3FA9]  }
0x2b: {  	s6 =	sld [smem:$0x3FAA]  }
0x2c: {  	s7 =	sld [smem:$0x3FAB]  }
0x2d: {  	s3 =	simm.s32 $0x108;
	s8 =	sld [smem:$0x3FAC]  }
0x2e: {  	s3 =	simm.s32 @!p0 $0x1082;
	s9 =	sld [smem:$0x3FAD]  }
0x2f: {  	lr =	sadd.s32 s0, s3;
	s0 =	sld [smem:$0x3FA4]  }
0x30: {  	s3 =	sld [smem:$0x3FA7]  }
0x31: {  	[smem:$0x3FB0] =	sst s10  }
0x32: {  	s10 =	sld [smem:$0x3FAE];
	_ =	sdelay $0x3  }
0x33: {  	p0 =	seq.s32 s10, $0x1;
	s10 =	sld [smem:$0x3FB0];
	_ =	sdelay $0x3  }
0x34: {  	[smem:$0x3FB0] =	sst s10  }
0x35: {  	s10 =	sld [smem:$0x3FAF];
	_ =	sdelay $0x3  }
0x36: {  	p1 =	seq.s32 s10, $0x1;
	s10 =	sld [smem:$0x3FB0];
	_ =	sdelay $0x3  }
0x37: {  	[smem:$0x3FB0] =	sst s10  }
0x38: {  	s10 =	sld [smem:$0x3FB1]  }
0x39: {  	_ = 	snop;
	(pc) =	sbr.ind lr, $3  }
0x3a: {  	_ = 	snop  }
0x3b: {  	_ = 	snop  }
0x3c: {  	p2 =	seq.s32 s10, $0x1;
	s10 =	sld [smem:$0x3FB0]  }
0x3d: {  	_ =	shalt  }
0x3e: {  	_ =	shalt  }
0x3f: {  	_ =	shalt  }
0x40: {  	_ =	shalt  }
0x41: {  	_ =	shalt  }
0x42: {  	_ =	shalt  }
0x43: {  	_ =	shalt  }
0x44: {  	_ =	shalt  }
0x45: {  	_ =	shalt  }
0x46: {  	_ =	shalt  }
0x47: {  	_ =	shalt  }
0x48: {  	_ =	shalt  }
0x49: {  	_ =	shalt  }
0x4a: {  	_ =	shalt  }
0x4b: {  	_ =	shalt  }
0x4c: {  	_ =	shalt  }
0x4d: {  	_ =	shalt  }
0x4e: {  	_ =	shalt  }
0x4f: {  	_ =	shalt  }
0x50: {  	_ =	shalt  }
0x51: {  	_ =	shalt  }
0x52: {  	_ =	shalt  }
0x53: {  	_ =	shalt  }
0x54: {  	_ =	shalt  }
0x55: {  	_ =	shalt  }
0x56: {  	_ =	shalt  }
0x57: {  	_ =	shalt  }
0x58: {  	_ =	shalt  }
0x59: {  	_ =	shalt  }
0x5a: {  	_ =	shalt  }
0x5b: {  	_ =	shalt  }
0x5c: {  	_ =	shalt  }
0x5d: {  	_ =	shalt  }
0x5e: {  	_ =	shalt  }
0x5f: {  	_ =	shalt  }
0x60: {  	_ =	shalt  }
0x61: {  	_ =	shalt  }
0x62: {  	_ =	shalt  }
0x63: {  	_ =	shalt  }
0x64: {  	_ =	shalt  }
0x65: {  	_ =	shalt  }
0x66: {  	_ =	shalt  }
0x67: {  	_ =	shalt  }
0x68: {  	_ =	shalt  }
0x69: {  	_ =	shalt  }
0x6a: {  	_ =	shalt  }
0x6b: {  	_ =	shalt  }
0x6c: {  	_ =	shalt  }
0x6d: {  	_ =	shalt  }
0x6e: {  	_ =	shalt  }
0x6f: {  	_ =	shalt  }
0x70: {  	_ =	shalt  }
0x71: {  	_ =	shalt  }
0x72: {  	_ =	shalt  }
0x73: {  	_ =	shalt  }
0x74: {  	_ =	shalt  }
0x75: {  	_ =	shalt  }
0x76: {  	_ =	shalt  }
0x77: {  	_ =	shalt  }
0x78: {  	_ =	shalt  }
0x79: {  	_ =	shalt  }
0x7a: {  	_ =	shalt  }
0x7b: {  	_ =	shalt  }
0x7c: {  	_ =	shalt  }
0x7d: {  	_ =	shalt  }
0x7e: {  	_ =	shalt  }
0x7f: {  	_ =	shalt  }
0x80: {  	_ =	shalt  }
0x81: {  	_ =	shalt  }
0x82: {  	_ =	shalt  }
0x83: {  	_ =	shalt  }
0x84: {  	_ =	shalt  }
0x85: {  	_ =	shalt  }
0x86: {  	_ =	shalt  }
0x87: {  	_ =	shalt  }
.Lfunc_end0:
.L_simem_size_0:
called_computation.1_lowered:
.L_overlay_start_0:
0x88: {  	s2 =	sld [smem:$0x3FD9]  }
0x89: {  	s3 =	sld [smem:$0x3FFE];
	_ =	sdelay $0x1  }
0x8a: {  	s1 =	srdreg.scid  }
0x8b: {  	s0 =	sand.u32 $0x1, s1  }
0x8c: {  	s16 =	sshll.u32 s0, $0xA;
	s2 =	sadd.s32 s3, s2  }
0x8d: {  	s2 =	sadd.s32 s2, s16  }
0x8e: {  	[smem:$0x3FBC] =	sst s2  }
0x8f: {  	_ = 	snop  }
0x90: {  	(tm) =	ssettm $0x1  }
0x91: {  	s17 =	sld [smem:$0x3FFB];
	_ =	sdelay $0x3  }
0x92: {  	_ =	strace s17  }
0x93: {  	s2 =	sld [smem:$0x3FFC];
	_ =	sdelay $0x3  }
0x94: {  	_ =	strace s2  }
0x95: {  	s2 =	sld [smem:$0x3FFD];
	_ =	sdelay $0x3  }
0x96: {  	_ =	strace s2  }
0x97: {  	_ =	strace $0x8FFFFFFF  }
0x98: {  	s18 =	sld [smem:$0x3FDB];
	_ =	sdelay $0x1  }
0x99: {  	s19 =	simm.s32 $_scs_section_size  }
0x9a: {  	s4 =	simm.s32 $_size__tile_overlayer_lowered;
	s5 =	simm.s32 $_tile_overlayer_lowered  }
0x9b: {  	s22 =	simm.s32 $0x1BFF;
	s21 =	sshll.u32 s5, $0x1;
	s2 =	sadd.s32 s19, s18  }
0x9c: {  	s6 =	simm.s32 $0x0;
	s20 =	sshll.u32 s4, $0x1;
	s4 =	sadd.s32 s21, s2  }
0x9d: {  	[timem:s6], [sflag:s22] =	dma.local [hbm:s4], s20  }
0x9e: {  	_ =	swait.ge [sflag:s22], s20  }
0x9f: {  	s3 =	ssub.s32 $0x0, s20;
	[sflag:s22] =	ssyncset.done $0x0  }
0xa0: {  	[sflag:s22] =	ssyncadd.s32 s3;
	_ =	sdelay $0x1  }
0xa1: {  	s23 =	simm.s32 $0x1B8B  }
0xa2: {  	_ =	swait.ge [sflag:s23], $0x1  }
0xa3: {  	[sflag:s23] =	ssyncset.done $0x0  }
0xa4: {  	s25 =	simm.s32 $0x1B8E;
	s24 =	sld [smem:$0x3FFE];
	[sflag:s23] =	ssyncadd.s32 $0xFFFFFFFF  }
0xa5: {  	s26 =	simm.s32 $execute0_lowered;
	[smem:$0x3FD2] =	sst s25  }
0xa6: {  	s4 =	sshll.u32 s26, $0x1;
	_ =	strace $0x80000049;
	[dreg:$0x1] =	wrdreg $0xFFFFFFFF  }
0xa7: {  	s28 =	simm.s32 $_size_execute0_lowered;
	s2 =	sadd.s32 s2, s4;
	[dreg:$0x0] =	wrdreg $0x0  }
0xa8: {  	s4 =	sshll.u32 s28, $0x1;
	[dreg:$0x2] =	wrdreg s2  }
0xa9: {  	[dreg:$0x3] =	wrdreg s4  }
0xaa: {  	[dreg:$0x4] =	wrdreg $0xC0  }
0xab: {  	_ =	task [dreg:s6], $0x5FFFF  }
0xac: {  	[dreg:$0x1] =	wrdreg $0xFFFFFFFF  }
0xad: {  	[dreg:$0x0] =	wrdreg $0x60  }
0xae: {  	[dreg:$0x2] =	wrdreg s24  }
0xaf: {  	[dreg:$0x3] =	wrdreg $0x140000  }
0xb0: {  	[dreg:$0x4] =	wrdreg $0x9  }
0xb1: {  	_ =	task.clear_ibuf [dreg:s6], $0x5FFFF;
	_ =	strace $0x90000049  }
0xb2: {  	s29 =	simm.s32 $0x9;
	_ =	strace $0x8000004B  }
0xb3: {  	_ =	swait.ge [sflag:s29], $0x1  }
0xb4: {  	[sflag:s29] =	ssyncadd.s32 $0xFFFFFFFF  }
0xb5: {  	_ =	strace $0x9000004B  }
0xb6: {  	_ =	sfence  }
0xb7: {  	s30 =	sld [smem:$0x0];
	_ =	sdelay $0x2  }
0xb8: {  	s31 =	sshll.u32 s1, $0xD;
	s1 =	sshrl.u32 s1, $0x2  }
0xb9: {  	s3 =	sand.u32 $0x4000, s31;
	s1 =	sadd.s32 s1, s30  }
0xba: {  	s0 =	sor.u32 s3, s0;
	s1 =	sshll.u32 s1, $0x11  }
0xbb: {  	s0 =	sor.u32 s1, s0  }
0xbc: {  	s0 =	sadd.s32 $0x8F2B, s0  }
0xbd: {  	[sflag:s0] =	ssyncadd.remote.s32 $0x1  }
0xbe: {  	_ =	sfence.sel $0xFFFF  }
0xbf: {  	[dreg:$0x0] =	wrdreg $0xFFFFFFFF;
	(pc) =	sbr.abs _section_cstart, $3  }
0xc0: {  	[dreg:$0x1] =	wrdreg $0xFFFFFFFF  }
0xc1: {  	_ =	task.clear_ibuf [dreg:s6], $0x2FFFF;
	_ =	strace $0x9FFFFFFF  }
0xc2: {  	(tm) =	ssettm $0x7FFFFFFF  }
0xc3: {  	_ =	shalt  }
tec
execute0_lowered:
.L_overlay_start_1:
0x0: {  	(tag) =	ssettag $0x1  }
0x1: {  	s0 =	rddreg [dreg:$0x0];
	s1 =	srdreg.scid  }
0x2: {  	s2 =	rddreg [dreg:$0x1];
	s12 =	stileid.u32  }
0x3: {  	s3 =	simm.s32 $0x0;
	s10 =	simm.s32 $0xB;
	s14 =	simm.s32 $0x80  }
0x4: {  	s15 =	simm.s32 $0xA000;
	s16 =	simm.s32 $0xC000;
	s18 =	simm.s32 $0xE000  }
0x5: {  	s20 =	simm.s32 $0x10000;
	s22 =	simm.s32 $0x12000;
	s23 =	simm.s32 $0x1  }
0x6: {  	s28 =	simm.s32 $0x5;
	s29 =	simm.s32 $0x6;
	s30 =	simm.s32 $0x7  }
0x7: {  	s31 =	simm.s32 $0x8;
	s21 =	simm.s32 $0x0;
	s5 =	smul.u32 $0xA00, s12  }
0x8: {  	s1 =	sand.u32 $0x1, s1;
	[smem:$0x7FF] =	sst s3;
	s7 =	smul.u32 $0xA000, s12  }
0x9: {  	s26 =	sshll.u32 s12, $0x6;
	s4 =	smul.u32 $0xA0000, s1;
	_ =	strace $0x8000004A  }
0xa: {  	s1 =	ssub.s32 $0x2, s1;
	s12 =	sor.u32 $0x1C0B, s26;
	s26 =	simm.s32 $0x4  }
0xb: {  	s5 =	sadd.s32 s5, s0;
	s24 =	sshrl.u32 s7, $0x3;
	s9 =	sshrl.u32 s1, $0x1  }
0xc: {  	s11 =	sadd.s32 s7, s2;
	s6 =	sshrl.u32 s4, $0x3;
	s4 =	sadd.s32 s7, s4  }
0xd: {  	s1 =	ssub.s32 s1, s9;
	s25 =	sadd.s32 $0xDE00, s5;
	s5 =	sadd.s32 $0x3E00, s5  }
0xe: {  	s13 =	sshrl.u32 s11, $0x3;
	s11 =	simm.s32 $0x4F80;
	s8 =	sadd.s32 s6, s0  }
0xf: {  	s4 =	sshrl.u32 s4, $0x3;
	s6 =	sadd.s32 s24, s0;
	[dreg:$0x3] =	wrdreg s25  }
0x10: {  	s9 =	smax.u32 s1, $0x1;
	s24 =	simm.s32 $0x2;
	s25 =	simm.s32 $0x3  }
0x11: {  	s1 =	simm.s32 $0xA;
	s0 =	sadd.s32 s4, s0;
	s6 =	sadd.s32 $0x3FE00, s6  }
0x12: {  	s7 =	sadd.s32 $0x17E00, s8;
	s8 =	sadd.s32 $0x53E00, s0;
	s0 =	simm.s32 $0x9  }
.LBB2_1:
0x13: {  	s4 =	rddreg [dreg:$0x3]  }
0x14: {  	[tilespmem:s3], [sflag:$0xB] =	stream.linear.gather [hbm4b:s4+s3], $0x5000, $0x38;
	[tilespmem:$0x1E000] =	vst v63  }
0x15: {  	_ =	swait.ge [sflag:s10], $0x5000  }
0x16: {  	[sflag:s10] =	ssyncset.done $0x0  }
0x17: {  	s17 =	simm.s32 $0x5000;
	[sflag:s10] =	ssyncadd.s32 $0xFFFFB000  }
0x18: {  	[tilespmem:s17], [sflag:$0xB] =	stream.linear.gather [hbm4b:s5+s3], $0x5000, $0x38;
	[tilespmem:$0x1E000] =	vst v63  }
0x19: {  	_ =	swait.ge [sflag:s10], $0x5000  }
0x1a: {  	[sflag:s10] =	ssyncset.done $0x0  }
0x1b: {  	[sflag:s10] =	ssyncadd.s32 $0xFFFFB000  }
0x1c: {  	[spmem:s13], [sflag:s12] =	dma.local [hbm:s6], $0x1400  }
0x1d: {  	_ =	swait.ge [sflag:s10], $0x1400  }
0x1e: {  	[sflag:s10] =	ssyncset.done $0x0  }
0x1f: {  	[sflag:s10] =	ssyncadd.s32 $0xFFFFEC00  }
0x20: {  	[bflag:$0x0] =	sbarrier.arrive $0xFFFF  }
0x21: {  	[tilespmem:s15], [sflag:$0x1] =	stream.indirect.gather [hbm4b:s7+s14], $0x40, s3, s14, $0xb8;
	[tilespmem:$0x1E000] =	vst v63  }
0x22: {  	_ = 	snop  }
0x23: {  	[tilespmem:s16], [sflag:$0x2] =	stream.indirect.gather [hbm4b:s7+s14], $0x40, s14, s14, $0xb8;
	[tilespmem:$0x1E000] =	vst v63  }
0x24: {  	s19 =	simm.s32 $0x100  }
0x25: {  	[tilespmem:s18], [sflag:$0x3] =	stream.indirect.gather [hbm4b:s7+s14], $0x40, s19, s14, $0xb8;
	[tilespmem:$0x1E000] =	vst v63  }
0x26: {  	s17 =	simm.s32 $0x180  }
0x27: {  	[tilespmem:s20], [sflag:$0x4] =	stream.indirect.gather [hbm4b:s7+s14], $0x40, s17, s14, $0xb8;
	[tilespmem:$0x1E000] =	vst v63  }
0x28: {  	s19 =	simm.s32 $0x200  }
0x29: {  	[tilespmem:s22], [sflag:$0x5] =	stream.indirect.gather [hbm4b:s7+s14], $0x40, s19, s14, $0xb8;
	[tilespmem:$0x1E000] =	vst v63  }
0x2a: {  	_ =	swait.ge [sflag:s23], $0x2000  }
0x2b: {  	[sflag:s23] =	ssyncset.done $0x0  }
0x2c: {  	s17 =	simm.s32 $0x5000;
	[sflag:s23] =	ssyncadd.s32 $0xFFFFE000  }
0x2d: {  	[spmem:s2] =	stream.indirect.scatter.add.f32 [tilespmem:s15], [sflag:$0x6], $0x40, s17, s14, $0xb8;
	[tilespmem:$0x1E000] =	vst v63  }
0x2e: {  	_ =	swait.ge [sflag:s24], $0x2000  }
0x2f: {  	[sflag:s24] =	ssyncset.done $0x0  }
0x30: {  	s4 =	simm.s32 $0x5080;
	[sflag:s24] =	ssyncadd.s32 $0xFFFFE000  }
0x31: {  	[spmem:s2] =	stream.indirect.scatter.add.f32 [tilespmem:s16], [sflag:$0x7], $0x40, s4, s14, $0xb8;
	[tilespmem:$0x1E000] =	vst v63  }
0x32: {  	_ =	swait.ge [sflag:s25], $0x2000  }
0x33: {  	[sflag:s25] =	ssyncset.done $0x0  }
0x34: {  	s19 =	simm.s32 $0x5100;
	[sflag:s25] =	ssyncadd.s32 $0xFFFFE000  }
0x35: {  	[spmem:s2] =	stream.indirect.scatter.add.f32 [tilespmem:s18], [sflag:$0x8], $0x40, s19, s14, $0xb8;
	[tilespmem:$0x1E000] =	vst v63  }
0x36: {  	_ =	swait.ge [sflag:s26], $0x2000  }
0x37: {  	[sflag:s26] =	ssyncset.done $0x0  }
0x38: {  	s4 =	simm.s32 $0x5180;
	[sflag:s26] =	ssyncadd.s32 $0xFFFFE000  }
0x39: {  	[spmem:s2] =	stream.indirect.scatter.add.f32 [tilespmem:s20], [sflag:$0x9], $0x40, s4, s14, $0xb8;
	[tilespmem:$0x1E000] =	vst v63  }
0x3a: {  	_ =	swait.ge [sflag:s28], $0x2000  }
0x3b: {  	[sflag:s28] =	ssyncset.done $0x0  }
0x3c: {  	s19 =	simm.s32 $0x5200;
	[sflag:s28] =	ssyncadd.s32 $0xFFFFE000  }
0x3d: {  	[spmem:s2] =	stream.indirect.scatter.add.f32 [tilespmem:s22], [sflag:$0xA], $0x40, s19, s14, $0xb8;
	[tilespmem:$0x1E000] =	vst v63  }
0x3e: {  	_ =	swait.ge [sflag:s29], $0x2000  }
0x3f: {  	[sflag:s29] =	ssyncset.done $0x0  }
0x40: {  	s4 =	simm.s32 $0x280;
	[sflag:s29] =	ssyncadd.s32 $0xFFFFE000  }
0x41: {  	[tilespmem:s15], [sflag:$0x1] =	stream.indirect.gather [hbm4b:s7+s14], $0x40, s4, s14, $0xb8;
	[tilespmem:$0x1E000] =	vst v63  }
0x42: {  	_ =	swait.ge [sflag:s30], $0x2000  }
0x43: {  	[sflag:s30] =	ssyncset.done $0x0  }
0x44: {  	s19 =	simm.s32 $0x300;
	[sflag:s30] =	ssyncadd.s32 $0xFFFFE000  }
0x45: {  	[tilespmem:s16], [sflag:$0x2] =	stream.indirect.gather [hbm4b:s7+s14], $0x40, s19, s14, $0xb8;
	[tilespmem:$0x1E000] =	vst v63  }
0x46: {  	_ =	swait.ge [sflag:s31], $0x2000  }
0x47: {  	[sflag:s31] =	ssyncset.done $0x0  }
0x48: {  	s4 =	simm.s32 $0x380;
	[sflag:s31] =	ssyncadd.s32 $0xFFFFE000  }
0x49: {  	[tilespmem:s18], [sflag:$0x3] =	stream.indirect.gather [hbm4b:s7+s14], $0x40, s4, s14, $0xb8;
	[tilespmem:$0x1E000] =	vst v63  }
0x4a: {  	_ =	swait.ge [sflag:s0], $0x2000  }
0x4b: {  	[sflag:s0] =	ssyncset.done $0x0  }
0x4c: {  	s19 =	simm.s32 $0x400;
	[sflag:s0] =	ssyncadd.s32 $0xFFFFE000  }
0x4d: {  	[tilespmem:s20], [sflag:$0x4] =	stream.indirect.gather [hbm4b:s7+s14], $0x40, s19, s14, $0xb8;
	[tilespmem:$0x1E000] =	vst v63  }
0x4e: {  	_ =	swait.ge [sflag:s1], $0x2000  }
0x4f: {  	[sflag:s1] =	ssyncset.done $0x0  }
0x50: {  	s17 =	simm.s32 $0xA00;
	s19 =	simm.s32 $0x480;
	[sflag:s1] =	ssyncadd.s32 $0xFFFFE000  }
.LBB2_2:
0x51: {  	[tilespmem:s22], [sflag:$0x5] =	stream.indirect.gather [hbm4b:s7+s14], $0x40, s19, s14, $0xb8;
	[tilespmem:$0x1E000] =	vst v63  }
0x52: {  	s19 =	smov.u32 s17;
	s17 =	sadd.s32 $0xA00, s17;
	_ =	swait.ge [sflag:s23], $0x2000  }
0x53: {  	s19 =	sshra.s32 s19, $0x2;
	p0 =	sne.s32 s17, $0x12C00;
	[sflag:s23] =	ssyncset.done $0x0  }
0x54: {  	s4 =	sadd.s32 $0x5000, s19;
	[sflag:s23] =	ssyncadd.s32 $0xFFFFE000  }
0x55: {  	[spmem:s2] =	stream.indirect.scatter.add.f32 [tilespmem:s15], [sflag:$0x6], $0x40, s4, s14, $0xb8;
	[tilespmem:$0x1E000] =	vst v63  }
0x56: {  	_ =	swait.ge [sflag:s24], $0x2000  }
0x57: {  	[sflag:s24] =	ssyncset.done $0x0  }
0x58: {  	s4 =	sadd.s32 $0x5080, s19;
	[sflag:s24] =	ssyncadd.s32 $0xFFFFE000  }
0x59: {  	[spmem:s2] =	stream.indirect.scatter.add.f32 [tilespmem:s16], [sflag:$0x7], $0x40, s4, s14, $0xb8;
	[tilespmem:$0x1E000] =	vst v63  }
0x5a: {  	_ =	swait.ge [sflag:s25], $0x2000  }
0x5b: {  	[sflag:s25] =	ssyncset.done $0x0  }
0x5c: {  	s4 =	sadd.s32 $0x5100, s19;
	[sflag:s25] =	ssyncadd.s32 $0xFFFFE000  }
0x5d: {  	[spmem:s2] =	stream.indirect.scatter.add.f32 [tilespmem:s18], [sflag:$0x8], $0x40, s4, s14, $0xb8;
	[tilespmem:$0x1E000] =	vst v63  }
0x5e: {  	_ =	swait.ge [sflag:s26], $0x2000  }
0x5f: {  	[sflag:s26] =	ssyncset.done $0x0  }
0x60: {  	s4 =	sadd.s32 $0x5180, s19;
	[sflag:s26] =	ssyncadd.s32 $0xFFFFE000  }
0x61: {  	[spmem:s2] =	stream.indirect.scatter.add.f32 [tilespmem:s20], [sflag:$0x9], $0x40, s4, s14, $0xb8;
	[tilespmem:$0x1E000] =	vst v63  }
0x62: {  	_ =	swait.ge [sflag:s28], $0x2000  }
0x63: {  	[sflag:s28] =	ssyncset.done $0x0  }
0x64: {  	s4 =	sadd.s32 $0x5200, s19;
	[sflag:s28] =	ssyncadd.s32 $0xFFFFE000  }
0x65: {  	[spmem:s2] =	stream.indirect.scatter.add.f32 [tilespmem:s22], [sflag:$0xA], $0x40, s4, s14, $0xb8;
	[tilespmem:$0x1E000] =	vst v63  }
0x66: {  	_ =	swait.ge [sflag:s29], $0x2000  }
0x67: {  	[sflag:s29] =	ssyncset.done $0x0  }
0x68: {  	s4 =	sadd.s32 $0x280, s19;
	[sflag:s29] =	ssyncadd.s32 $0xFFFFE000  }
0x69: {  	[tilespmem:s15], [sflag:$0x1] =	stream.indirect.gather [hbm4b:s7+s14], $0x40, s4, s14, $0xb8;
	[tilespmem:$0x1E000] =	vst v63  }
0x6a: {  	_ =	swait.ge [sflag:s30], $0x2000  }
0x6b: {  	[sflag:s30] =	ssyncset.done $0x0  }
0x6c: {  	s4 =	sadd.s32 $0x300, s19;
	[sflag:s30] =	ssyncadd.s32 $0xFFFFE000  }
0x6d: {  	[tilespmem:s16], [sflag:$0x2] =	stream.indirect.gather [hbm4b:s7+s14], $0x40, s4, s14, $0xb8;
	[tilespmem:$0x1E000] =	vst v63  }
0x6e: {  	_ =	swait.ge [sflag:s31], $0x2000  }
0x6f: {  	[sflag:s31] =	ssyncset.done $0x0  }
0x70: {  	s4 =	sadd.s32 $0x380, s19;
	[sflag:s31] =	ssyncadd.s32 $0xFFFFE000  }
0x71: {  	[tilespmem:s18], [sflag:$0x3] =	stream.indirect.gather [hbm4b:s7+s14], $0x40, s4, s14, $0xb8;
	[tilespmem:$0x1E000] =	vst v63  }
0x72: {  	_ =	swait.ge [sflag:s0], $0x2000  }
0x73: {  	[sflag:s0] =	ssyncset.done $0x0  }
.Ltmp0:
0x74: {  	s4 =	sadd.s32 $0x400, s19;
	[sflag:s0] =	ssyncadd.s32 $0xFFFFE000;
	(pc) =	sbr.rel @p0 .LBB2_2-.Ltmp0, $4  }
0x75: {  	[tilespmem:s20], [sflag:$0x4] =	stream.indirect.gather [hbm4b:s7+s14], $0x40, s4, s14, $0xb8;
	[tilespmem:$0x1E000] =	vst v63  }
0x76: {  	_ =	swait.ge [sflag:s1], $0x2000  }
0x77: {  	[sflag:s1] =	ssyncset.done $0x0  }
0x78: {  	s19 =	sadd.s32 $0x480, s19;
	[sflag:s1] =	ssyncadd.s32 $0xFFFFE000  }
0x79: {  	[tilespmem:s22], [sflag:$0x5] =	stream.indirect.gather [hbm4b:s7+s14], $0x40, s19, s14, $0xb8;
	[tilespmem:$0x1E000] =	vst v63  }
0x7a: {  	_ =	swait.ge [sflag:s23], $0x2000  }
0x7b: {  	s4 =	sshra.s32 s17, $0x2;
	[sflag:s23] =	ssyncset.done $0x0  }
0x7c: {  	s17 =	sadd.s32 $0x5000, s4;
	[sflag:s23] =	ssyncadd.s32 $0xFFFFE000  }
0x7d: {  	[spmem:s2] =	stream.indirect.scatter.add.f32 [tilespmem:s15], [sflag:$0x6], $0x40, s17, s14, $0xb8;
	[tilespmem:$0x1E000] =	vst v63  }
0x7e: {  	_ =	swait.ge [sflag:s24], $0x2000  }
0x7f: {  	[sflag:s24] =	ssyncset.done $0x0  }
0x80: {  	s19 =	sadd.s32 $0x5080, s4;
	[sflag:s24] =	ssyncadd.s32 $0xFFFFE000  }
0x81: {  	[spmem:s2] =	stream.indirect.scatter.add.f32 [tilespmem:s16], [sflag:$0x7], $0x40, s19, s14, $0xb8;
	[tilespmem:$0x1E000] =	vst v63  }
0x82: {  	_ =	swait.ge [sflag:s25], $0x2000  }
0x83: {  	[sflag:s25] =	ssyncset.done $0x0  }
0x84: {  	s19 =	sadd.s32 $0x5100, s4;
	[sflag:s25] =	ssyncadd.s32 $0xFFFFE000  }
0x85: {  	[spmem:s2] =	stream.indirect.scatter.add.f32 [tilespmem:s18], [sflag:$0x8], $0x40, s19, s14, $0xb8;
	[tilespmem:$0x1E000] =	vst v63  }
0x86: {  	_ =	swait.ge [sflag:s26], $0x2000  }
0x87: {  	[sflag:s26] =	ssyncset.done $0x0  }
0x88: {  	s19 =	sadd.s32 $0x5180, s4;
	[sflag:s26] =	ssyncadd.s32 $0xFFFFE000  }
0x89: {  	[spmem:s2] =	stream.indirect.scatter.add.f32 [tilespmem:s20], [sflag:$0x9], $0x40, s19, s14, $0xb8;
	[tilespmem:$0x1E000] =	vst v63  }
0x8a: {  	_ =	swait.ge [sflag:s28], $0x2000  }
0x8b: {  	[sflag:s28] =	ssyncset.done $0x0  }
0x8c: {  	s4 =	sadd.s32 $0x5200, s4;
	[sflag:s28] =	ssyncadd.s32 $0xFFFFE000  }
0x8d: {  	[spmem:s2] =	stream.indirect.scatter.add.f32 [tilespmem:s22], [sflag:$0xA], $0x40, s4, s14, $0xb8;
	[tilespmem:$0x1E000] =	vst v63  }
0x8e: {  	_ =	swait.ge [sflag:s29], $0x2000  }
0x8f: {  	[sflag:s29] =	ssyncset.done $0x0  }
0x90: {  	s19 =	simm.s32 $0x4D80;
	[sflag:s29] =	ssyncadd.s32 $0xFFFFE000  }
0x91: {  	[tilespmem:s15], [sflag:$0x1] =	stream.indirect.gather [hbm4b:s7+s14], $0x40, s19, s14, $0xb8;
	[tilespmem:$0x1E000] =	vst v63  }
0x92: {  	_ =	swait.ge [sflag:s30], $0x2000  }
0x93: {  	[sflag:s30] =	ssyncset.done $0x0  }
0x94: {  	s17 =	simm.s32 $0x4E00;
	[sflag:s30] =	ssyncadd.s32 $0xFFFFE000  }
0x95: {  	[tilespmem:s16], [sflag:$0x2] =	stream.indirect.gather [hbm4b:s7+s14], $0x40, s17, s14, $0xb8;
	[tilespmem:$0x1E000] =	vst v63  }
0x96: {  	_ =	swait.ge [sflag:s31], $0x2000  }
0x97: {  	[sflag:s31] =	ssyncset.done $0x0  }
0x98: {  	s19 =	simm.s32 $0x4E80;
	[sflag:s31] =	ssyncadd.s32 $0xFFFFE000  }
0x99: {  	[tilespmem:s18], [sflag:$0x3] =	stream.indirect.gather [hbm4b:s7+s14], $0x40, s19, s14, $0xb8;
	[tilespmem:$0x1E000] =	vst v63  }
0x9a: {  	_ =	swait.ge [sflag:s0], $0x2000  }
0x9b: {  	[sflag:s0] =	ssyncset.done $0x0  }
0x9c: {  	s17 =	simm.s32 $0x4F00;
	[sflag:s0] =	ssyncadd.s32 $0xFFFFE000  }
0x9d: {  	[tilespmem:s20], [sflag:$0x4] =	stream.indirect.gather [hbm4b:s7+s14], $0x40, s17, s14, $0xb8;
	[tilespmem:$0x1E000] =	vst v63  }
0x9e: {  	_ =	swait.ge [sflag:s1], $0x2000  }
0x9f: {  	[sflag:s1] =	ssyncset.done $0x0  }
0xa0: {  	[sflag:s1] =	ssyncadd.s32 $0xFFFFE000  }
0xa1: {  	[tilespmem:s22], [sflag:$0x5] =	stream.indirect.gather [hbm4b:s7+s14], $0x40, s11, s14, $0xb8;
	[tilespmem:$0x1E000] =	vst v63  }
0xa2: {  	_ =	swait.ge [sflag:s23], $0x2000  }
0xa3: {  	[sflag:s23] =	ssyncset.done $0x0  }
0xa4: {  	s19 =	simm.s32 $0x9D80;
	[sflag:s23] =	ssyncadd.s32 $0xFFFFE000  }
0xa5: {  	[spmem:s2] =	stream.indirect.scatter.add.f32 [tilespmem:s15], [sflag:$0x6], $0x40, s19, s14, $0xb8;
	[tilespmem:$0x1E000] =	vst v63  }
0xa6: {  	_ =	swait.ge [sflag:s24], $0x2000  }
0xa7: {  	[sflag:s24] =	ssyncset.done $0x0  }
0xa8: {  	s17 =	simm.s32 $0x9E00;
	[sflag:s24] =	ssyncadd.s32 $0xFFFFE000  }
0xa9: {  	[spmem:s2] =	stream.indirect.scatter.add.f32 [tilespmem:s16], [sflag:$0x7], $0x40, s17, s14, $0xb8;
	[tilespmem:$0x1E000] =	vst v63  }
0xaa: {  	_ =	swait.ge [sflag:s25], $0x2000  }
0xab: {  	[sflag:s25] =	ssyncset.done $0x0  }
0xac: {  	s19 =	simm.s32 $0x9E80;
	[sflag:s25] =	ssyncadd.s32 $0xFFFFE000  }
0xad: {  	[spmem:s2] =	stream.indirect.scatter.add.f32 [tilespmem:s18], [sflag:$0x8], $0x40, s19, s14, $0xb8;
	[tilespmem:$0x1E000] =	vst v63  }
0xae: {  	_ =	swait.ge [sflag:s26], $0x2000  }
0xaf: {  	[sflag:s26] =	ssyncset.done $0x0  }
0xb0: {  	s17 =	simm.s32 $0x9F00;
	[sflag:s26] =	ssyncadd.s32 $0xFFFFE000  }
0xb1: {  	[spmem:s2] =	stream.indirect.scatter.add.f32 [tilespmem:s20], [sflag:$0x9], $0x40, s17, s14, $0xb8;
	[tilespmem:$0x1E000] =	vst v63  }
0xb2: {  	_ =	swait.ge [sflag:s28], $0x2000  }
0xb3: {  	[sflag:s28] =	ssyncset.done $0x0  }
0xb4: {  	s19 =	simm.s32 $0x9F80;
	[sflag:s28] =	ssyncadd.s32 $0xFFFFE000  }
0xb5: {  	[spmem:s2] =	stream.indirect.scatter.add.f32 [tilespmem:s22], [sflag:$0xA], $0x40, s19, s14, $0xb8;
	[tilespmem:$0x1E000] =	vst v63  }
0xb6: {  	_ =	swait.ge [sflag:s29], $0x2000  }
0xb7: {  	[sflag:s29] =	ssyncset.done $0x0  }
0xb8: {  	[sflag:s29] =	ssyncadd.s32 $0xFFFFE000  }
0xb9: {  	[tilespmem:s15], [sflag:$0x1] =	stream.indirect.gather [hbm4b:s7+s14], $0x40, s11, s14, $0xb8;
	[tilespmem:$0x1E000] =	vst v63  }
0xba: {  	_ =	swait.ge [sflag:s30], $0x2000  }
0xbb: {  	[sflag:s30] =	ssyncset.done $0x0  }
0xbc: {  	[sflag:s30] =	ssyncadd.s32 $0xFFFFE000  }
0xbd: {  	[tilespmem:s16], [sflag:$0x2] =	stream.indirect.gather [hbm4b:s7+s14], $0x40, s11, s14, $0xb8;
	[tilespmem:$0x1E000] =	vst v63  }
0xbe: {  	_ =	swait.ge [sflag:s31], $0x2000  }
0xbf: {  	[sflag:s31] =	ssyncset.done $0x0  }
0xc0: {  	[sflag:s31] =	ssyncadd.s32 $0xFFFFE000  }
0xc1: {  	[tilespmem:s18], [sflag:$0x3] =	stream.indirect.gather [hbm4b:s7+s14], $0x40, s11, s14, $0xb8;
	[tilespmem:$0x1E000] =	vst v63  }
0xc2: {  	_ =	swait.ge [sflag:s0], $0x2000  }
0xc3: {  	[sflag:s0] =	ssyncset.done $0x0  }
0xc4: {  	[sflag:s0] =	ssyncadd.s32 $0xFFFFE000  }
0xc5: {  	[tilespmem:s20], [sflag:$0x4] =	stream.indirect.gather [hbm4b:s7+s14], $0x40, s11, s14, $0xb8;
	[tilespmem:$0x1E000] =	vst v63  }
0xc6: {  	_ =	swait.ge [sflag:s1], $0x2000  }
0xc7: {  	[sflag:s1] =	ssyncset.done $0x0  }
0xc8: {  	[sflag:s1] =	ssyncadd.s32 $0xFFFFE000  }
0xc9: {  	[tilespmem:s22], [sflag:$0x5] =	stream.indirect.gather [hbm4b:s7+s14], $0x40, s11, s14, $0xb8;
	[tilespmem:$0x1E000] =	vst v63  }
0xca: {  	_ =	swait.ge [sflag:s23], $0x2000  }
0xcb: {  	[sflag:s23] =	ssyncset.done $0x0  }
0xcc: {  	[sflag:s23] =	ssyncadd.s32 $0xFFFFE000  }
0xcd: {  	_ =	swait.ge [sflag:s24], $0x2000  }
0xce: {  	[sflag:s24] =	ssyncset.done $0x0  }
0xcf: {  	[sflag:s24] =	ssyncadd.s32 $0xFFFFE000  }
0xd0: {  	_ =	swait.ge [sflag:s25], $0x2000  }
0xd1: {  	[sflag:s25] =	ssyncset.done $0x0  }
0xd2: {  	[sflag:s25] =	ssyncadd.s32 $0xFFFFE000  }
0xd3: {  	_ =	swait.ge [sflag:s26], $0x2000  }
0xd4: {  	[sflag:s26] =	ssyncset.done $0x0  }
0xd5: {  	[sflag:s26] =	ssyncadd.s32 $0xFFFFE000  }
0xd6: {  	_ =	swait.ge [sflag:s28], $0x2000  }
0xd7: {  	s21 =	sadd.s32 $0x1, s21;
	[sflag:s28] =	ssyncset.done $0x0  }
0xd8: {  	p0 =	sne.s32 s21, s9;
	[sflag:s28] =	ssyncadd.s32 $0xFFFFE000  }
.Ltmp1:
0xd9: {  	[bflag:$0x0] =	sbarrier.arrive $0xFFFF;
	(pc) =	sbr.rel @p0 .LBB2_1-.Ltmp1, $4  }
0xda: {  	[hbm:s8], [sflag:s12] =	dma.local [spmem:s13], $0x1400  }
0xdb: {  	_ =	swait.ge [sflag:s10], $0x1400  }
0xdc: {  	[sflag:s10] =	ssyncset.done $0x0  }
0xdd: {  	[sflag:s10] =	ssyncadd.s32 $0xFFFFEC00  }
0xde: {  	_ =	sfence.sel $0x180000  }
0xdf: {  	[bflag:$0x0] =	sbarrier.arrive $0xFFFF  }
0xe0: {  	_ =	strace $0x9000004A  }
0xe1: {  	s0 =	stileid.u32;
	[bflag:$0x2] =	sbarrier.arrive $0xFFFF  }
0xe2: {  	p0 =	sne.s32 s0, $0x0;
	s0 =	rddreg [dreg:$0x2]  }
0xe3: {  	s0 =	sadd.s32 @!p0 $0x100000, s0  }
0xe4: {  	[sflag:s0] =	ssyncadd.tile.s32 @!p0 $0x1;
	_ =	shalt  }
.Lfunc_end2:
_tile_overlayer_lowered:
.L_overlay_start_2:
0xe5: {  	(tag) =	ssettag $0x2  }
0xe6: {  	s0 =	rddreg [dreg:$0x0];
	s2 =	stileid.u32  }
0xe7: {  	s1 =	rddreg [dreg:$0x1];
	p0 =	sne.s32 s2, $0x0  }
0xe8: {  	s3 =	rddreg [dreg:$0x2];
	[bflag:$0x3] =	sbarrier.arrive $0xFFFF;
	s2 =	simm.s32 @!p0 $0x1C0B  }
0xe9: {  	[timem:s3], [sflag:s2] =	dma.local @!p0 [hbm:s0], s1  }
0xea: {  	s0 =	simm.s32 @!p0 $0xB  }
0xeb: {  	_ =	swait.ge @!p0 [sflag:s0], s1  }
0xec: {  	s1 =	ssub.s32 @!p0 $0x0, s1;
	[sflag:s0] =	ssyncset.done @!p0 $0x0  }
0xed: {  	[sflag:s0] =	ssyncadd.s32 @!p0 s1  }
0xee: {  	[bflag:$0x3] =	sbarrier.arrive $0xFFFF  }
0xef: {  	_ =	shalt  }

// kernel: kernel.14.cloned.1.call-start
scs
__scs_entry_jumppad:
0x0: {  	(pc) =	sbr.rel $0x88, $3  }
0x1: {  	(tag) =	ssettag $0x0;
	lr =	simm.s32 $0x1  }
0x2: {  	[smem:$0x3F95] =	sst lr;
	_ =	strace $0xD0000000  }
0x3: {  	_ = 	snop  }
0x4: {  	_ = 	snop  }
0x5: {  	_ = 	snop  }
0x6: {  	_ = 	snop  }
0x7: {  	_ = 	snop  }
__scs_overlays_trampoline_lowered:
0x8: {  	[smem:$0x3FA4] =	sst s0  }
0x9: {  	[smem:$0x3FA5] =	sst s1  }
0xa: {  	[smem:$0x3FA6] =	sst s2  }
0xb: {  	[smem:$0x3FA7] =	sst s3  }
0xc: {  	[smem:$0x3FA8] =	sst s4  }
0xd: {  	[smem:$0x3FA9] =	sst s5  }
0xe: {  	[smem:$0x3FAA] =	sst s6  }
0xf: {  	[smem:$0x3FAB] =	sst s7  }
0x10: {  	[smem:$0x3FAC] =	sst s8  }
0x11: {  	[smem:$0x3FAD] =	sst s9;
	s0 =	simm.s32 @!p0 $0x0  }
0x12: {  	s1 =	sld [smem:$0x3F93];
	s0 =	simm.s32 @p0 $0x1  }
0x13: {  	[smem:$0x3FAE] =	sst s0;
	s0 =	simm.s32 @!p1 $0x0  }
0x14: {  	s2 =	sld [smem:$0x3F92];
	s0 =	simm.s32 @p1 $0x1  }
0x15: {  	[smem:$0x3FAF] =	sst s0;
	s0 =	simm.s32 @!p2 $0x0  }
0x16: {  	s3 =	sld [smem:$0x3FDB];
	s0 =	simm.s32 @p2 $0x1  }
0x17: {  	s4 =	simm.s32 $0x1BF5;
	[smem:$0x3FB1] =	sst s0  }
0x18: {  	s0 =	sld [smem:$0x3F94];
	_ =	swait.ge [sflag:s4], $0x0  }
0x19: {  	s7 =	sld [smem:$0x3F95]  }
0x1a: {  	s8 =	sadd.s32 $0xFFFFE003, lr  }
0x1b: {  	s9 =	sadd.s32 $0xFFFFFEF7, lr;
	s5 =	simm.s32 $0xFFFFFFFF;
	p2 =	slt.u32 s8, $0xFFFFF086  }
0x1c: {  	p1 =	slt.u32 s9, $0xF7A;
	s5 =	simm.s32 @!p2 $0x0  }
0x1d: {  	s5 =	simm.s32 @p1 $0x1;
	p0 =	seq.s32 s7, s2  }
0x1e: {  	s7 =	smul.u32 @!p0 $0xF7A, s2;
	p2 =	seq.s32 @!p0 s5, $0x0  }
0x1f: {  	s9 =	smul.u32 $0xF7A, s1;
	s8 =	simm.s32 @!p0 $0x1BF5;
	p2 =	por !p2, p0  }
0x20: {  	[sflag:s8] =	ssyncset.s32 @!p0 $0xFFFFF086;
	s6 =	sadd.s32 @!p0 s3, s7;
	s7 =	simm.s32 @!p0 $0x108  }
0x21: {  	s3 =	sadd.s32 s3, s9;
	s6 =	sadd.s32 @!p0 $0x88, s6;
	s7 =	simm.s32 @p2 $0x1082  }
0x22: {  	[simem:s7], [sflag:s8] =	dma.local @!p0 [hbm:s6], $0xF7A  }
0x23: {  	s9 =	sor.u32 $0xD0000000, s2;
	s6 =	simm.s32 $0x108;
	_ =	swait.ge @!p0 [sflag:s8], $0x0  }
0x24: {  	s3 =	sadd.s32 $0x88, s3;
	s6 =	simm.s32 @!p1 $0x1082;
	[sflag:s4] =	ssyncset.s32 $0xFFFFF086  }
0x25: {  	[simem:s6], [sflag:s4] =	dma.local [hbm:s3], $0xF7A  }
0x26: {  	[smem:$0x3F95] =	sst s1;
	(tag) =	ssettag s2;
	_ =	strace s9  }
0x27: {  	s1 =	sld [smem:$0x3FA5]  }
0x28: {  	s2 =	sld [smem:$0x3FA6]  }
0x29: {  	s4 =	sld [smem:$0x3FA8]  }
0x2a: {  	p0 =	seq.s32 s5, $0x0;
	s5 =	sld [smem:$0x3FA9]  }
0x2b: {  	s6 =	sld [smem:$0x3FAA]  }
0x2c: {  	s7 =	sld [smem:$0x3FAB]  }
0x2d: {  	s3 =	simm.s32 $0x108;
	s8 =	sld [smem:$0x3FAC]  }
0x2e: {  	s3 =	simm.s32 @!p0 $0x1082;
	s9 =	sld [smem:$0x3FAD]  }
0x2f: {  	lr =	sadd.s32 s0, s3;
	s0 =	sld [smem:$0x3FA4]  }
0x30: {  	s3 =	sld [smem:$0x3FA7]  }
0x31: {  	[smem:$0x3FB0] =	sst s10  }
0x32: {  	s10 =	sld [smem:$0x3FAE];
	_ =	sdelay $0x3  }
0x33: {  	p0 =	seq.s32 s10, $0x1;
	s10 =	sld [smem:$0x3FB0];
	_ =	sdelay $0x3  }
0x34: {  	[smem:$0x3FB0] =	sst s10  }
0x35: {  	s10 =	sld [smem:$0x3FAF];
	_ =	sdelay $0x3  }
0x36: {  	p1 =	seq.s32 s10, $0x1;
	s10 =	sld [smem:$0x3FB0];
	_ =	sdelay $0x3  }
0x37: {  	[smem:$0x3FB0] =	sst s10  }
0x38: {  	s10 =	sld [smem:$0x3FB1]  }
0x39: {  	_ = 	snop;
	(pc) =	sbr.ind lr, $3  }
0x3a: {  	_ = 	snop  }
0x3b: {  	_ = 	snop  }
0x3c: {  	p2 =	seq.s32 s10, $0x1;
	s10 =	sld [smem:$0x3FB0]  }
0x3d: {  	_ =	shalt  }
0x3e: {  	_ =	shalt  }
0x3f: {  	_ =	shalt  }
0x40: {  	_ =	shalt  }
0x41: {  	_ =	shalt  }
0x42: {  	_ =	shalt  }
0x43: {  	_ =	shalt  }
0x44: {  	_ =	shalt  }
0x45: {  	_ =	shalt  }
0x46: {  	_ =	shalt  }
0x47: {  	_ =	shalt  }
0x48: {  	_ =	shalt  }
0x49: {  	_ =	shalt  }
0x4a: {  	_ =	shalt  }
0x4b: {  	_ =	shalt  }
0x4c: {  	_ =	shalt  }
0x4d: {  	_ =	shalt  }
0x4e: {  	_ =	shalt  }
0x4f: {  	_ =	shalt  }
0x50: {  	_ =	shalt  }
0x51: {  	_ =	shalt  }
0x52: {  	_ =	shalt  }
0x53: {  	_ =	shalt  }
0x54: {  	_ =	shalt  }
0x55: {  	_ =	shalt  }
0x56: {  	_ =	shalt  }
0x57: {  	_ =	shalt  }
0x58: {  	_ =	shalt  }
0x59: {  	_ =	shalt  }
0x5a: {  	_ =	shalt  }
0x5b: {  	_ =	shalt  }
0x5c: {  	_ =	shalt  }
0x5d: {  	_ =	shalt  }
0x5e: {  	_ =	shalt  }
0x5f: {  	_ =	shalt  }
0x60: {  	_ =	shalt  }
0x61: {  	_ =	shalt  }
0x62: {  	_ =	shalt  }
0x63: {  	_ =	shalt  }
0x64: {  	_ =	shalt  }
0x65: {  	_ =	shalt  }
0x66: {  	_ =	shalt  }
0x67: {  	_ =	shalt  }
0x68: {  	_ =	shalt  }
0x69: {  	_ =	shalt  }
0x6a: {  	_ =	shalt  }
0x6b: {  	_ =	shalt  }
0x6c: {  	_ =	shalt  }
0x6d: {  	_ =	shalt  }
0x6e: {  	_ =	shalt  }
0x6f: {  	_ =	shalt  }
0x70: {  	_ =	shalt  }
0x71: {  	_ =	shalt  }
0x72: {  	_ =	shalt  }
0x73: {  	_ =	shalt  }
0x74: {  	_ =	shalt  }
0x75: {  	_ =	shalt  }
0x76: {  	_ =	shalt  }
0x77: {  	_ =	shalt  }
0x78: {  	_ =	shalt  }
0x79: {  	_ =	shalt  }
0x7a: {  	_ =	shalt  }
0x7b: {  	_ =	shalt  }
0x7c: {  	_ =	shalt  }
0x7d: {  	_ =	shalt  }
0x7e: {  	_ =	shalt  }
0x7f: {  	_ =	shalt  }
0x80: {  	_ =	shalt  }
0x81: {  	_ =	shalt  }
0x82: {  	_ =	shalt  }
0x83: {  	_ =	shalt  }
0x84: {  	_ =	shalt  }
0x85: {  	_ =	shalt  }
0x86: {  	_ =	shalt  }
0x87: {  	_ =	shalt  }
.Lfunc_end0:
.L_simem_size_0:
called_computation.2_lowered:
.L_overlay_start_0:
0x88: {  	s2 =	sld [smem:$0x3FD9]  }
0x89: {  	s3 =	sld [smem:$0x3FFE];
	_ =	sdelay $0x1  }
0x8a: {  	s1 =	srdreg.scid  }
0x8b: {  	s0 =	sand.u32 $0x1, s1  }
0x8c: {  	s16 =	sshll.u32 s0, $0xA;
	s2 =	sadd.s32 s3, s2  }
0x8d: {  	s2 =	sadd.s32 s2, s16  }
0x8e: {  	[smem:$0x3FBC] =	sst s2  }
0x8f: {  	_ = 	snop  }
0x90: {  	(tm) =	ssettm $0x1  }
0x91: {  	s17 =	sld [smem:$0x3FFB];
	_ =	sdelay $0x3  }
0x92: {  	_ =	strace s17  }
0x93: {  	s2 =	sld [smem:$0x3FFC];
	_ =	sdelay $0x3  }
0x94: {  	_ =	strace s2  }
0x95: {  	s2 =	sld [smem:$0x3FFD];
	_ =	sdelay $0x3  }
0x96: {  	_ =	strace s2  }
0x97: {  	_ =	strace $0x8FFFFFFF  }
0x98: {  	s18 =	sld [smem:$0x3FDB];
	_ =	sdelay $0x1  }
0x99: {  	s19 =	simm.s32 $_scs_section_size  }
0x9a: {  	s4 =	simm.s32 $_size__tile_overlayer_lowered;
	s5 =	simm.s32 $_tile_overlayer_lowered  }
0x9b: {  	s22 =	simm.s32 $0x1BFF;
	s21 =	sshll.u32 s5, $0x1;
	s2 =	sadd.s32 s19, s18  }
0x9c: {  	s6 =	simm.s32 $0x0;
	s20 =	sshll.u32 s4, $0x1;
	s4 =	sadd.s32 s21, s2  }
0x9d: {  	[timem:s6], [sflag:s22] =	dma.local [hbm:s4], s20  }
0x9e: {  	_ =	swait.ge [sflag:s22], s20  }
0x9f: {  	s3 =	ssub.s32 $0x0, s20;
	[sflag:s22] =	ssyncset.done $0x0  }
0xa0: {  	[sflag:s22] =	ssyncadd.s32 s3;
	_ =	sdelay $0x1  }
0xa1: {  	s23 =	simm.s32 $0x1B8B  }
0xa2: {  	_ =	swait.ge [sflag:s23], $0x1  }
0xa3: {  	[sflag:s23] =	ssyncset.done $0x0  }
0xa4: {  	s25 =	simm.s32 $0x1B8E;
	s24 =	sld [smem:$0x3FFE];
	[sflag:s23] =	ssyncadd.s32 $0xFFFFFFFF  }
0xa5: {  	s26 =	simm.s32 $execute0_lowered;
	[smem:$0x3FD2] =	sst s25  }
0xa6: {  	s4 =	sshll.u32 s26, $0x1;
	_ =	strace $0x8000004C;
	[dreg:$0x1] =	wrdreg $0xFFFFFFFF  }
0xa7: {  	s28 =	simm.s32 $_size_execute0_lowered;
	s2 =	sadd.s32 s2, s4;
	[dreg:$0x0] =	wrdreg $0x0  }
0xa8: {  	s4 =	sshll.u32 s28, $0x1;
	[dreg:$0x2] =	wrdreg s2  }
0xa9: {  	[dreg:$0x3] =	wrdreg s4  }
0xaa: {  	[dreg:$0x4] =	wrdreg $0xC0  }
0xab: {  	_ =	task [dreg:s6], $0x5FFFF  }
0xac: {  	[dreg:$0x1] =	wrdreg $0xFFFFFFFF  }
0xad: {  	[dreg:$0x0] =	wrdreg $0x60  }
0xae: {  	[dreg:$0x2] =	wrdreg s24  }
0xaf: {  	[dreg:$0x3] =	wrdreg $0x140000  }
0xb0: {  	[dreg:$0x4] =	wrdreg $0x9  }
0xb1: {  	_ =	task.clear_ibuf [dreg:s6], $0x5FFFF;
	_ =	strace $0x9000004C  }
0xb2: {  	s29 =	simm.s32 $0x9;
	_ =	strace $0x8000004E  }
0xb3: {  	_ =	swait.ge [sflag:s29], $0x1  }
0xb4: {  	[sflag:s29] =	ssyncadd.s32 $0xFFFFFFFF  }
0xb5: {  	_ =	strace $0x9000004E  }
0xb6: {  	_ =	sfence  }
0xb7: {  	s30 =	sld [smem:$0x0];
	_ =	sdelay $0x2  }
0xb8: {  	s31 =	sshll.u32 s1, $0xD;
	s1 =	sshrl.u32 s1, $0x2  }
0xb9: {  	s3 =	sand.u32 $0x4000, s31;
	s1 =	sadd.s32 s1, s30  }
0xba: {  	s0 =	sor.u32 s3, s0;
	s1 =	sshll.u32 s1, $0x11  }
0xbb: {  	s0 =	sor.u32 s1, s0  }
0xbc: {  	s0 =	sadd.s32 $0x8F2B, s0  }
0xbd: {  	[sflag:s0] =	ssyncadd.remote.s32 $0x1  }
0xbe: {  	_ =	sfence.sel $0xFFFF  }
0xbf: {  	[dreg:$0x0] =	wrdreg $0xFFFFFFFF;
	(pc) =	sbr.abs _section_cstart, $3  }
0xc0: {  	[dreg:$0x1] =	wrdreg $0xFFFFFFFF  }
0xc1: {  	_ =	task.clear_ibuf [dreg:s6], $0x2FFFF;
	_ =	strace $0x9FFFFFFF  }
0xc2: {  	(tm) =	ssettm $0x7FFFFFFF  }
0xc3: {  	_ =	shalt  }
tec
execute0_lowered:
.L_overlay_start_1:
0x0: {  	(tag) =	ssettag $0x1  }
0x1: {  	s0 =	rddreg [dreg:$0x0];
	s1 =	srdreg.scid  }
0x2: {  	s2 =	rddreg [dreg:$0x1];
	s12 =	stileid.u32  }
0x3: {  	s3 =	simm.s32 $0x0;
	s10 =	simm.s32 $0xB;
	s14 =	simm.s32 $0x80  }
0x4: {  	s15 =	simm.s32 $0xA000;
	s16 =	simm.s32 $0xC000;
	s18 =	simm.s32 $0xE000  }
0x5: {  	s20 =	simm.s32 $0x10000;
	s22 =	simm.s32 $0x12000;
	s23 =	simm.s32 $0x1  }
0x6: {  	s28 =	simm.s32 $0x5;
	s29 =	simm.s32 $0x6;
	s30 =	simm.s32 $0x7  }
0x7: {  	s31 =	simm.s32 $0x8;
	s21 =	simm.s32 $0x0;
	s5 =	smul.u32 $0xA00, s12  }
0x8: {  	s1 =	sand.u32 $0x1, s1;
	[smem:$0x7FF] =	sst s3;
	s7 =	smul.u32 $0xA000, s12  }
0x9: {  	s26 =	sshll.u32 s12, $0x6;
	s4 =	smul.u32 $0xA0000, s1;
	_ =	strace $0x8000004D  }
0xa: {  	s1 =	ssub.s32 $0x2, s1;
	s12 =	sor.u32 $0x1C0B, s26;
	s26 =	simm.s32 $0x4  }
0xb: {  	s5 =	sadd.s32 s5, s0;
	s24 =	sshrl.u32 s7, $0x3;
	s9 =	sshrl.u32 s1, $0x1  }
0xc: {  	s11 =	sadd.s32 s7, s2;
	s6 =	sshrl.u32 s4, $0x3;
	s4 =	sadd.s32 s7, s4  }
0xd: {  	s1 =	ssub.s32 s1, s9;
	s25 =	sadd.s32 $0xDE00, s5;
	s5 =	sadd.s32 $0x3E00, s5  }
0xe: {  	s13 =	sshrl.u32 s11, $0x3;
	s11 =	simm.s32 $0x4F80;
	s8 =	sadd.s32 s6, s0  }
0xf: {  	s4 =	sshrl.u32 s4, $0x3;
	s6 =	sadd.s32 s24, s0;
	[dreg:$0x3] =	wrdreg s25  }
0x10: {  	s9 =	smax.u32 s1, $0x1;
	s24 =	simm.s32 $0x2;
	s25 =	simm.s32 $0x3  }
0x11: {  	s1 =	simm.s32 $0xA;
	s0 =	sadd.s32 s4, s0;
	s6 =	sadd.s32 $0x3FE00, s6  }
0x12: {  	s7 =	sadd.s32 $0x17E00, s8;
	s8 =	sadd.s32 $0x53E00, s0;
	s0 =	simm.s32 $0x9  }
.LBB2_1:
0x13: {  	s4 =	rddreg [dreg:$0x3]  }
0x14: {  	[tilespmem:s3], [sflag:$0xB] =	stream.linear.gather [hbm4b:s4+s3], $0x5000, $0x38;
	[tilespmem:$0x1E000] =	vst v63  }
0x15: {  	_ =	swait.ge [sflag:s10], $0x5000  }
0x16: {  	[sflag:s10] =	ssyncset.done $0x0  }
0x17: {  	s17 =	simm.s32 $0x5000;
	[sflag:s10] =	ssyncadd.s32 $0xFFFFB000  }
0x18: {  	[tilespmem:s17], [sflag:$0xB] =	stream.linear.gather [hbm4b:s5+s3], $0x5000, $0x38;
	[tilespmem:$0x1E000] =	vst v63  }
0x19: {  	_ =	swait.ge [sflag:s10], $0x5000  }
0x1a: {  	[sflag:s10] =	ssyncset.done $0x0  }
0x1b: {  	[sflag:s10] =	ssyncadd.s32 $0xFFFFB000  }
0x1c: {  	[spmem:s13], [sflag:s12] =	dma.local [hbm:s6], $0x1400  }
0x1d: {  	_ =	swait.ge [sflag:s10], $0x1400  }
0x1e: {  	[sflag:s10] =	ssyncset.done $0x0  }
0x1f: {  	[sflag:s10] =	ssyncadd.s32 $0xFFFFEC00  }
0x20: {  	[bflag:$0x0] =	sbarrier.arrive $0xFFFF  }
0x21: {  	[tilespmem:s15], [sflag:$0x1] =	stream.indirect.gather [hbm4b:s7+s14], $0x40, s3, s14, $0xb8;
	[tilespmem:$0x1E000] =	vst v63  }
0x22: {  	_ = 	snop  }
0x23: {  	[tilespmem:s16], [sflag:$0x2] =	stream.indirect.gather [hbm4b:s7+s14], $0x40, s14, s14, $0xb8;
	[tilespmem:$0x1E000] =	vst v63  }
0x24: {  	s19 =	simm.s32 $0x100  }
0x25: {  	[tilespmem:s18], [sflag:$0x3] =	stream.indirect.gather [hbm4b:s7+s14], $0x40, s19, s14, $0xb8;
	[tilespmem:$0x1E000] =	vst v63  }
0x26: {  	s17 =	simm.s32 $0x180  }
0x27: {  	[tilespmem:s20], [sflag:$0x4] =	stream.indirect.gather [hbm4b:s7+s14], $0x40, s17, s14, $0xb8;
	[tilespmem:$0x1E000] =	vst v63  }
0x28: {  	s19 =	simm.s32 $0x200  }
0x29: {  	[tilespmem:s22], [sflag:$0x5] =	stream.indirect.gather [hbm4b:s7+s14], $0x40, s19, s14, $0xb8;
	[tilespmem:$0x1E000] =	vst v63  }
0x2a: {  	_ =	swait.ge [sflag:s23], $0x2000  }
0x2b: {  	[sflag:s23] =	ssyncset.done $0x0  }
0x2c: {  	s17 =	simm.s32 $0x5000;
	[sflag:s23] =	ssyncadd.s32 $0xFFFFE000  }
0x2d: {  	[spmem:s2] =	stream.indirect.scatter.add.f32 [tilespmem:s15], [sflag:$0x6], $0x40, s17, s14, $0xb8;
	[tilespmem:$0x1E000] =	vst v63  }
0x2e: {  	_ =	swait.ge [sflag:s24], $0x2000  }
0x2f: {  	[sflag:s24] =	ssyncset.done $0x0  }
0x30: {  	s4 =	simm.s32 $0x5080;
	[sflag:s24] =	ssyncadd.s32 $0xFFFFE000  }
0x31: {  	[spmem:s2] =	stream.indirect.scatter.add.f32 [tilespmem:s16], [sflag:$0x7], $0x40, s4, s14, $0xb8;
	[tilespmem:$0x1E000] =	vst v63  }
0x32: {  	_ =	swait.ge [sflag:s25], $0x2000  }
0x33: {  	[sflag:s25] =	ssyncset.done $0x0  }
0x34: {  	s19 =	simm.s32 $0x5100;
	[sflag:s25] =	ssyncadd.s32 $0xFFFFE000  }
0x35: {  	[spmem:s2] =	stream.indirect.scatter.add.f32 [tilespmem:s18], [sflag:$0x8], $0x40, s19, s14, $0xb8;
	[tilespmem:$0x1E000] =	vst v63  }
0x36: {  	_ =	swait.ge [sflag:s26], $0x2000  }
0x37: {  	[sflag:s26] =	ssyncset.done $0x0  }
0x38: {  	s4 =	simm.s32 $0x5180;
	[sflag:s26] =	ssyncadd.s32 $0xFFFFE000  }
0x39: {  	[spmem:s2] =	stream.indirect.scatter.add.f32 [tilespmem:s20], [sflag:$0x9], $0x40, s4, s14, $0xb8;
	[tilespmem:$0x1E000] =	vst v63  }
0x3a: {  	_ =	swait.ge [sflag:s28], $0x2000  }
0x3b: {  	[sflag:s28] =	ssyncset.done $0x0  }
0x3c: {  	s19 =	simm.s32 $0x5200;
	[sflag:s28] =	ssyncadd.s32 $0xFFFFE000  }
0x3d: {  	[spmem:s2] =	stream.indirect.scatter.add.f32 [tilespmem:s22], [sflag:$0xA], $0x40, s19, s14, $0xb8;
	[tilespmem:$0x1E000] =	vst v63  }
0x3e: {  	_ =	swait.ge [sflag:s29], $0x2000  }
0x3f: {  	[sflag:s29] =	ssyncset.done $0x0  }
0x40: {  	s4 =	simm.s32 $0x280;
	[sflag:s29] =	ssyncadd.s32 $0xFFFFE000  }
0x41: {  	[tilespmem:s15], [sflag:$0x1] =	stream.indirect.gather [hbm4b:s7+s14], $0x40, s4, s14, $0xb8;
	[tilespmem:$0x1E000] =	vst v63  }
0x42: {  	_ =	swait.ge [sflag:s30], $0x2000  }
0x43: {  	[sflag:s30] =	ssyncset.done $0x0  }
0x44: {  	s19 =	simm.s32 $0x300;
	[sflag:s30] =	ssyncadd.s32 $0xFFFFE000  }
0x45: {  	[tilespmem:s16], [sflag:$0x2] =	stream.indirect.gather [hbm4b:s7+s14], $0x40, s19, s14, $0xb8;
	[tilespmem:$0x1E000] =	vst v63  }
0x46: {  	_ =	swait.ge [sflag:s31], $0x2000  }
0x47: {  	[sflag:s31] =	ssyncset.done $0x0  }
0x48: {  	s4 =	simm.s32 $0x380;
	[sflag:s31] =	ssyncadd.s32 $0xFFFFE000  }
0x49: {  	[tilespmem:s18], [sflag:$0x3] =	stream.indirect.gather [hbm4b:s7+s14], $0x40, s4, s14, $0xb8;
	[tilespmem:$0x1E000] =	vst v63  }
0x4a: {  	_ =	swait.ge [sflag:s0], $0x2000  }
0x4b: {  	[sflag:s0] =	ssyncset.done $0x0  }
0x4c: {  	s19 =	simm.s32 $0x400;
	[sflag:s0] =	ssyncadd.s32 $0xFFFFE000  }
0x4d: {  	[tilespmem:s20], [sflag:$0x4] =	stream.indirect.gather [hbm4b:s7+s14], $0x40, s19, s14, $0xb8;
	[tilespmem:$0x1E000] =	vst v63  }
0x4e: {  	_ =	swait.ge [sflag:s1], $0x2000  }
0x4f: {  	[sflag:s1] =	ssyncset.done $0x0  }
0x50: {  	s17 =	simm.s32 $0xA00;
	s19 =	simm.s32 $0x480;
	[sflag:s1] =	ssyncadd.s32 $0xFFFFE000  }
.LBB2_2:
0x51: {  	[tilespmem:s22], [sflag:$0x5] =	stream.indirect.gather [hbm4b:s7+s14], $0x40, s19, s14, $0xb8;
	[tilespmem:$0x1E000] =	vst v63  }
0x52: {  	s19 =	smov.u32 s17;
	s17 =	sadd.s32 $0xA00, s17;
	_ =	swait.ge [sflag:s23], $0x2000  }
0x53: {  	s19 =	sshra.s32 s19, $0x2;
	p0 =	sne.s32 s17, $0x12C00;
	[sflag:s23] =	ssyncset.done $0x0  }
0x54: {  	s4 =	sadd.s32 $0x5000, s19;
	[sflag:s23] =	ssyncadd.s32 $0xFFFFE000  }
0x55: {  	[spmem:s2] =	stream.indirect.scatter.add.f32 [tilespmem:s15], [sflag:$0x6], $0x40, s4, s14, $0xb8;
	[tilespmem:$0x1E000] =	vst v63  }
0x56: {  	_ =	swait.ge [sflag:s24], $0x2000  }
0x57: {  	[sflag:s24] =	ssyncset.done $0x0  }
0x58: {  	s4 =	sadd.s32 $0x5080, s19;
	[sflag:s24] =	ssyncadd.s32 $0xFFFFE000  }
0x59: {  	[spmem:s2] =	stream.indirect.scatter.add.f32 [tilespmem:s16], [sflag:$0x7], $0x40, s4, s14, $0xb8;
	[tilespmem:$0x1E000] =	vst v63  }
0x5a: {  	_ =	swait.ge [sflag:s25], $0x2000  }
0x5b: {  	[sflag:s25] =	ssyncset.done $0x0  }
0x5c: {  	s4 =	sadd.s32 $0x5100, s19;
	[sflag:s25] =	ssyncadd.s32 $0xFFFFE000  }
0x5d: {  	[spmem:s2] =	stream.indirect.scatter.add.f32 [tilespmem:s18], [sflag:$0x8], $0x40, s4, s14, $0xb8;
	[tilespmem:$0x1E000] =	vst v63  }
0x5e: {  	_ =	swait.ge [sflag:s26], $0x2000  }
0x5f: {  	[sflag:s26] =	ssyncset.done $0x0  }
0x60: {  	s4 =	sadd.s32 $0x5180, s19;
	[sflag:s26] =	ssyncadd.s32 $0xFFFFE000  }
0x61: {  	[spmem:s2] =	stream.indirect.scatter.add.f32 [tilespmem:s20], [sflag:$0x9], $0x40, s4, s14, $0xb8;
	[tilespmem:$0x1E000] =	vst v63  }
0x62: {  	_ =	swait.ge [sflag:s28], $0x2000  }
0x63: {  	[sflag:s28] =	ssyncset.done $0x0  }
0x64: {  	s4 =	sadd.s32 $0x5200, s19;
	[sflag:s28] =	ssyncadd.s32 $0xFFFFE000  }
0x65: {  	[spmem:s2] =	stream.indirect.scatter.add.f32 [tilespmem:s22], [sflag:$0xA], $0x40, s4, s14, $0xb8;
	[tilespmem:$0x1E000] =	vst v63  }
0x66: {  	_ =	swait.ge [sflag:s29], $0x2000  }
0x67: {  	[sflag:s29] =	ssyncset.done $0x0  }
0x68: {  	s4 =	sadd.s32 $0x280, s19;
	[sflag:s29] =	ssyncadd.s32 $0xFFFFE000  }
0x69: {  	[tilespmem:s15], [sflag:$0x1] =	stream.indirect.gather [hbm4b:s7+s14], $0x40, s4, s14, $0xb8;
	[tilespmem:$0x1E000] =	vst v63  }
0x6a: {  	_ =	swait.ge [sflag:s30], $0x2000  }
0x6b: {  	[sflag:s30] =	ssyncset.done $0x0  }
0x6c: {  	s4 =	sadd.s32 $0x300, s19;
	[sflag:s30] =	ssyncadd.s32 $0xFFFFE000  }
0x6d: {  	[tilespmem:s16], [sflag:$0x2] =	stream.indirect.gather [hbm4b:s7+s14], $0x40, s4, s14, $0xb8;
	[tilespmem:$0x1E000] =	vst v63  }
0x6e: {  	_ =	swait.ge [sflag:s31], $0x2000  }
0x6f: {  	[sflag:s31] =	ssyncset.done $0x0  }
0x70: {  	s4 =	sadd.s32 $0x380, s19;
	[sflag:s31] =	ssyncadd.s32 $0xFFFFE000  }
0x71: {  	[tilespmem:s18], [sflag:$0x3] =	stream.indirect.gather [hbm4b:s7+s14], $0x40, s4, s14, $0xb8;
	[tilespmem:$0x1E000] =	vst v63  }
0x72: {  	_ =	swait.ge [sflag:s0], $0x2000  }
0x73: {  	[sflag:s0] =	ssyncset.done $0x0  }
.Ltmp0:
0x74: {  	s4 =	sadd.s32 $0x400, s19;
	[sflag:s0] =	ssyncadd.s32 $0xFFFFE000;
	(pc) =	sbr.rel @p0 .LBB2_2-.Ltmp0, $4  }
0x75: {  	[tilespmem:s20], [sflag:$0x4] =	stream.indirect.gather [hbm4b:s7+s14], $0x40, s4, s14, $0xb8;
	[tilespmem:$0x1E000] =	vst v63  }
0x76: {  	_ =	swait.ge [sflag:s1], $0x2000  }
0x77: {  	[sflag:s1] =	ssyncset.done $0x0  }
0x78: {  	s19 =	sadd.s32 $0x480, s19;
	[sflag:s1] =	ssyncadd.s32 $0xFFFFE000  }
0x79: {  	[tilespmem:s22], [sflag:$0x5] =	stream.indirect.gather [hbm4b:s7+s14], $0x40, s19, s14, $0xb8;
	[tilespmem:$0x1E000] =	vst v63  }
0x7a: {  	_ =	swait.ge [sflag:s23], $0x2000  }
0x7b: {  	s4 =	sshra.s32 s17, $0x2;
	[sflag:s23] =	ssyncset.done $0x0  }
0x7c: {  	s17 =	sadd.s32 $0x5000, s4;
	[sflag:s23] =	ssyncadd.s32 $0xFFFFE000  }
0x7d: {  	[spmem:s2] =	stream.indirect.scatter.add.f32 [tilespmem:s15], [sflag:$0x6], $0x40, s17, s14, $0xb8;
	[tilespmem:$0x1E000] =	vst v63  }
0x7e: {  	_ =	swait.ge [sflag:s24], $0x2000  }
0x7f: {  	[sflag:s24] =	ssyncset.done $0x0  }
0x80: {  	s19 =	sadd.s32 $0x5080, s4;
	[sflag:s24] =	ssyncadd.s32 $0xFFFFE000  }
0x81: {  	[spmem:s2] =	stream.indirect.scatter.add.f32 [tilespmem:s16], [sflag:$0x7], $0x40, s19, s14, $0xb8;
	[tilespmem:$0x1E000] =	vst v63  }
0x82: {  	_ =	swait.ge [sflag:s25], $0x2000  }
0x83: {  	[sflag:s25] =	ssyncset.done $0x0  }
0x84: {  	s19 =	sadd.s32 $0x5100, s4;
	[sflag:s25] =	ssyncadd.s32 $0xFFFFE000  }
0x85: {  	[spmem:s2] =	stream.indirect.scatter.add.f32 [tilespmem:s18], [sflag:$0x8], $0x40, s19, s14, $0xb8;
	[tilespmem:$0x1E000] =	vst v63  }
0x86: {  	_ =	swait.ge [sflag:s26], $0x2000  }
0x87: {  	[sflag:s26] =	ssyncset.done $0x0  }
0x88: {  	s19 =	sadd.s32 $0x5180, s4;
	[sflag:s26] =	ssyncadd.s32 $0xFFFFE000  }
0x89: {  	[spmem:s2] =	stream.indirect.scatter.add.f32 [tilespmem:s20], [sflag:$0x9], $0x40, s19, s14, $0xb8;
	[tilespmem:$0x1E000] =	vst v63  }
0x8a: {  	_ =	swait.ge [sflag:s28], $0x2000  }
0x8b: {  	[sflag:s28] =	ssyncset.done $0x0  }
0x8c: {  	s4 =	sadd.s32 $0x5200, s4;
	[sflag:s28] =	ssyncadd.s32 $0xFFFFE000  }
0x8d: {  	[spmem:s2] =	stream.indirect.scatter.add.f32 [tilespmem:s22], [sflag:$0xA], $0x40, s4, s14, $0xb8;
	[tilespmem:$0x1E000] =	vst v63  }
0x8e: {  	_ =	swait.ge [sflag:s29], $0x2000  }
0x8f: {  	[sflag:s29] =	ssyncset.done $0x0  }
0x90: {  	s19 =	simm.s32 $0x4D80;
	[sflag:s29] =	ssyncadd.s32 $0xFFFFE000  }
0x91: {  	[tilespmem:s15], [sflag:$0x1] =	stream.indirect.gather [hbm4b:s7+s14], $0x40, s19, s14, $0xb8;
	[tilespmem:$0x1E000] =	vst v63  }
0x92: {  	_ =	swait.ge [sflag:s30], $0x2000  }
0x93: {  	[sflag:s30] =	ssyncset.done $0x0  }
0x94: {  	s17 =	simm.s32 $0x4E00;
	[sflag:s30] =	ssyncadd.s32 $0xFFFFE000  }
0x95: {  	[tilespmem:s16], [sflag:$0x2] =	stream.indirect.gather [hbm4b:s7+s14], $0x40, s17, s14, $0xb8;
	[tilespmem:$0x1E000] =	vst v63  }
0x96: {  	_ =	swait.ge [sflag:s31], $0x2000  }
0x97: {  	[sflag:s31] =	ssyncset.done $0x0  }
0x98: {  	s19 =	simm.s32 $0x4E80;
	[sflag:s31] =	ssyncadd.s32 $0xFFFFE000  }
0x99: {  	[tilespmem:s18], [sflag:$0x3] =	stream.indirect.gather [hbm4b:s7+s14], $0x40, s19, s14, $0xb8;
	[tilespmem:$0x1E000] =	vst v63  }
0x9a: {  	_ =	swait.ge [sflag:s0], $0x2000  }
0x9b: {  	[sflag:s0] =	ssyncset.done $0x0  }
0x9c: {  	s17 =	simm.s32 $0x4F00;
	[sflag:s0] =	ssyncadd.s32 $0xFFFFE000  }
0x9d: {  	[tilespmem:s20], [sflag:$0x4] =	stream.indirect.gather [hbm4b:s7+s14], $0x40, s17, s14, $0xb8;
	[tilespmem:$0x1E000] =	vst v63  }
0x9e: {  	_ =	swait.ge [sflag:s1], $0x2000  }
0x9f: {  	[sflag:s1] =	ssyncset.done $0x0  }
0xa0: {  	[sflag:s1] =	ssyncadd.s32 $0xFFFFE000  }
0xa1: {  	[tilespmem:s22], [sflag:$0x5] =	stream.indirect.gather [hbm4b:s7+s14], $0x40, s11, s14, $0xb8;
	[tilespmem:$0x1E000] =	vst v63  }
0xa2: {  	_ =	swait.ge [sflag:s23], $0x2000  }
0xa3: {  	[sflag:s23] =	ssyncset.done $0x0  }
0xa4: {  	s19 =	simm.s32 $0x9D80;
	[sflag:s23] =	ssyncadd.s32 $0xFFFFE000  }
0xa5: {  	[spmem:s2] =	stream.indirect.scatter.add.f32 [tilespmem:s15], [sflag:$0x6], $0x40, s19, s14, $0xb8;
	[tilespmem:$0x1E000] =	vst v63  }
0xa6: {  	_ =	swait.ge [sflag:s24], $0x2000  }
0xa7: {  	[sflag:s24] =	ssyncset.done $0x0  }
0xa8: {  	s17 =	simm.s32 $0x9E00;
	[sflag:s24] =	ssyncadd.s32 $0xFFFFE000  }
0xa9: {  	[spmem:s2] =	stream.indirect.scatter.add.f32 [tilespmem:s16], [sflag:$0x7], $0x40, s17, s14, $0xb8;
	[tilespmem:$0x1E000] =	vst v63  }
0xaa: {  	_ =	swait.ge [sflag:s25], $0x2000  }
0xab: {  	[sflag:s25] =	ssyncset.done $0x0  }
0xac: {  	s19 =	simm.s32 $0x9E80;
	[sflag:s25] =	ssyncadd.s32 $0xFFFFE000  }
0xad: {  	[spmem:s2] =	stream.indirect.scatter.add.f32 [tilespmem:s18], [sflag:$0x8], $0x40, s19, s14, $0xb8;
	[tilespmem:$0x1E000] =	vst v63  }
0xae: {  	_ =	swait.ge [sflag:s26], $0x2000  }
0xaf: {  	[sflag:s26] =	ssyncset.done $0x0  }
0xb0: {  	s17 =	simm.s32 $0x9F00;
	[sflag:s26] =	ssyncadd.s32 $0xFFFFE000  }
0xb1: {  	[spmem:s2] =	stream.indirect.scatter.add.f32 [tilespmem:s20], [sflag:$0x9], $0x40, s17, s14, $0xb8;
	[tilespmem:$0x1E000] =	vst v63  }
0xb2: {  	_ =	swait.ge [sflag:s28], $0x2000  }
0xb3: {  	[sflag:s28] =	ssyncset.done $0x0  }
0xb4: {  	s19 =	simm.s32 $0x9F80;
	[sflag:s28] =	ssyncadd.s32 $0xFFFFE000  }
0xb5: {  	[spmem:s2] =	stream.indirect.scatter.add.f32 [tilespmem:s22], [sflag:$0xA], $0x40, s19, s14, $0xb8;
	[tilespmem:$0x1E000] =	vst v63  }
0xb6: {  	_ =	swait.ge [sflag:s29], $0x2000  }
0xb7: {  	[sflag:s29] =	ssyncset.done $0x0  }
0xb8: {  	[sflag:s29] =	ssyncadd.s32 $0xFFFFE000  }
0xb9: {  	[tilespmem:s15], [sflag:$0x1] =	stream.indirect.gather [hbm4b:s7+s14], $0x40, s11, s14, $0xb8;
	[tilespmem:$0x1E000] =	vst v63  }
0xba: {  	_ =	swait.ge [sflag:s30], $0x2000  }
0xbb: {  	[sflag:s30] =	ssyncset.done $0x0  }
0xbc: {  	[sflag:s30] =	ssyncadd.s32 $0xFFFFE000  }
0xbd: {  	[tilespmem:s16], [sflag:$0x2] =	stream.indirect.gather [hbm4b:s7+s14], $0x40, s11, s14, $0xb8;
	[tilespmem:$0x1E000] =	vst v63  }
0xbe: {  	_ =	swait.ge [sflag:s31], $0x2000  }
0xbf: {  	[sflag:s31] =	ssyncset.done $0x0  }
0xc0: {  	[sflag:s31] =	ssyncadd.s32 $0xFFFFE000  }
0xc1: {  	[tilespmem:s18], [sflag:$0x3] =	stream.indirect.gather [hbm4b:s7+s14], $0x40, s11, s14, $0xb8;
	[tilespmem:$0x1E000] =	vst v63  }
0xc2: {  	_ =	swait.ge [sflag:s0], $0x2000  }
0xc3: {  	[sflag:s0] =	ssyncset.done $0x0  }
0xc4: {  	[sflag:s0] =	ssyncadd.s32 $0xFFFFE000  }
0xc5: {  	[tilespmem:s20], [sflag:$0x4] =	stream.indirect.gather [hbm4b:s7+s14], $0x40, s11, s14, $0xb8;
	[tilespmem:$0x1E000] =	vst v63  }
0xc6: {  	_ =	swait.ge [sflag:s1], $0x2000  }
0xc7: {  	[sflag:s1] =	ssyncset.done $0x0  }
0xc8: {  	[sflag:s1] =	ssyncadd.s32 $0xFFFFE000  }
0xc9: {  	[tilespmem:s22], [sflag:$0x5] =	stream.indirect.gather [hbm4b:s7+s14], $0x40, s11, s14, $0xb8;
	[tilespmem:$0x1E000] =	vst v63  }
0xca: {  	_ =	swait.ge [sflag:s23], $0x2000  }
0xcb: {  	[sflag:s23] =	ssyncset.done $0x0  }
0xcc: {  	[sflag:s23] =	ssyncadd.s32 $0xFFFFE000  }
0xcd: {  	_ =	swait.ge [sflag:s24], $0x2000  }
0xce: {  	[sflag:s24] =	ssyncset.done $0x0  }
0xcf: {  	[sflag:s24] =	ssyncadd.s32 $0xFFFFE000  }
0xd0: {  	_ =	swait.ge [sflag:s25], $0x2000  }
0xd1: {  	[sflag:s25] =	ssyncset.done $0x0  }
0xd2: {  	[sflag:s25] =	ssyncadd.s32 $0xFFFFE000  }
0xd3: {  	_ =	swait.ge [sflag:s26], $0x2000  }
0xd4: {  	[sflag:s26] =	ssyncset.done $0x0  }
0xd5: {  	[sflag:s26] =	ssyncadd.s32 $0xFFFFE000  }
0xd6: {  	_ =	swait.ge [sflag:s28], $0x2000  }
0xd7: {  	s21 =	sadd.s32 $0x1, s21;
	[sflag:s28] =	ssyncset.done $0x0  }
0xd8: {  	p0 =	sne.s32 s21, s9;
	[sflag:s28] =	ssyncadd.s32 $0xFFFFE000  }
.Ltmp1:
0xd9: {  	[bflag:$0x0] =	sbarrier.arrive $0xFFFF;
	(pc) =	sbr.rel @p0 .LBB2_1-.Ltmp1, $4  }
0xda: {  	[hbm:s8], [sflag:s12] =	dma.local [spmem:s13], $0x1400  }
0xdb: {  	_ =	swait.ge [sflag:s10], $0x1400  }
0xdc: {  	[sflag:s10] =	ssyncset.done $0x0  }
0xdd: {  	[sflag:s10] =	ssyncadd.s32 $0xFFFFEC00  }
0xde: {  	_ =	sfence.sel $0x180000  }
0xdf: {  	[bflag:$0x0] =	sbarrier.arrive $0xFFFF  }
0xe0: {  	_ =	strace $0x9000004D  }
0xe1: {  	s0 =	stileid.u32;
	[bflag:$0x2] =	sbarrier.arrive $0xFFFF  }
0xe2: {  	p0 =	sne.s32 s0, $0x0;
	s0 =	rddreg [dreg:$0x2]  }
0xe3: {  	s0 =	sadd.s32 @!p0 $0x100000, s0  }
0xe4: {  	[sflag:s0] =	ssyncadd.tile.s32 @!p0 $0x1;
	_ =	shalt  }
.Lfunc_end2:
_tile_overlayer_lowered:
.L_overlay_start_2:
0xe5: {  	(tag) =	ssettag $0x2  }
0xe6: {  	s0 =	rddreg [dreg:$0x0];
	s2 =	stileid.u32  }
0xe7: {  	s1 =	rddreg [dreg:$0x1];
	p0 =	sne.s32 s2, $0x0  }
0xe8: {  	s3 =	rddreg [dreg:$0x2];
	[bflag:$0x3] =	sbarrier.arrive $0xFFFF;
	s2 =	simm.s32 @!p0 $0x1C0B  }
0xe9: {  	[timem:s3], [sflag:s2] =	dma.local @!p0 [hbm:s0], s1  }
0xea: {  	s0 =	simm.s32 @!p0 $0xB  }
0xeb: {  	_ =	swait.ge @!p0 [sflag:s0], s1  }
0xec: {  	s1 =	ssub.s32 @!p0 $0x0, s1;
	[sflag:s0] =	ssyncset.done @!p0 $0x0  }
0xed: {  	[sflag:s0] =	ssyncadd.s32 @!p0 s1  }
0xee: {  	[bflag:$0x3] =	sbarrier.arrive $0xFFFF  }
0xef: {  	_ =	shalt  }

// kernel: kernel.8.cloned.1.call-start
scs
__scs_entry_jumppad:
0x0: {  	(pc) =	sbr.rel $0x88, $3  }
0x1: {  	(tag) =	ssettag $0x0;
	lr =	simm.s32 $0x1  }
0x2: {  	[smem:$0x3F95] =	sst lr;
	_ =	strace $0xD0000000  }
0x3: {  	_ = 	snop  }
0x4: {  	_ = 	snop  }
0x5: {  	_ = 	snop  }
0x6: {  	_ = 	snop  }
0x7: {  	_ = 	snop  }
__scs_overlays_trampoline_lowered:
0x8: {  	[smem:$0x3FA4] =	sst s0  }
0x9: {  	[smem:$0x3FA5] =	sst s1  }
0xa: {  	[smem:$0x3FA6] =	sst s2  }
0xb: {  	[smem:$0x3FA7] =	sst s3  }
0xc: {  	[smem:$0x3FA8] =	sst s4  }
0xd: {  	[smem:$0x3FA9] =	sst s5  }
0xe: {  	[smem:$0x3FAA] =	sst s6  }
0xf: {  	[smem:$0x3FAB] =	sst s7  }
0x10: {  	[smem:$0x3FAC] =	sst s8  }
0x11: {  	[smem:$0x3FAD] =	sst s9;
	s0 =	simm.s32 @!p0 $0x0  }
0x12: {  	s1 =	sld [smem:$0x3F93];
	s0 =	simm.s32 @p0 $0x1  }
0x13: {  	[smem:$0x3FAE] =	sst s0;
	s0 =	simm.s32 @!p1 $0x0  }
0x14: {  	s2 =	sld [smem:$0x3F92];
	s0 =	simm.s32 @p1 $0x1  }
0x15: {  	[smem:$0x3FAF] =	sst s0;
	s0 =	simm.s32 @!p2 $0x0  }
0x16: {  	s3 =	sld [smem:$0x3FDB];
	s0 =	simm.s32 @p2 $0x1  }
0x17: {  	s4 =	simm.s32 $0x1BF5;
	[smem:$0x3FB1] =	sst s0  }
0x18: {  	s0 =	sld [smem:$0x3F94];
	_ =	swait.ge [sflag:s4], $0x0  }
0x19: {  	s7 =	sld [smem:$0x3F95]  }
0x1a: {  	s8 =	sadd.s32 $0xFFFFE003, lr  }
0x1b: {  	s9 =	sadd.s32 $0xFFFFFEF7, lr;
	s5 =	simm.s32 $0xFFFFFFFF;
	p2 =	slt.u32 s8, $0xFFFFF086  }
0x1c: {  	p1 =	slt.u32 s9, $0xF7A;
	s5 =	simm.s32 @!p2 $0x0  }
0x1d: {  	s5 =	simm.s32 @p1 $0x1;
	p0 =	seq.s32 s7, s2  }
0x1e: {  	s7 =	smul.u32 @!p0 $0xF7A, s2;
	p2 =	seq.s32 @!p0 s5, $0x0  }
0x1f: {  	s9 =	smul.u32 $0xF7A, s1;
	s8 =	simm.s32 @!p0 $0x1BF5;
	p2 =	por !p2, p0  }
0x20: {  	[sflag:s8] =	ssyncset.s32 @!p0 $0xFFFFF086;
	s6 =	sadd.s32 @!p0 s3, s7;
	s7 =	simm.s32 @!p0 $0x108  }
0x21: {  	s3 =	sadd.s32 s3, s9;
	s6 =	sadd.s32 @!p0 $0x88, s6;
	s7 =	simm.s32 @p2 $0x1082  }
0x22: {  	[simem:s7], [sflag:s8] =	dma.local @!p0 [hbm:s6], $0xF7A  }
0x23: {  	s9 =	sor.u32 $0xD0000000, s2;
	s6 =	simm.s32 $0x108;
	_ =	swait.ge @!p0 [sflag:s8], $0x0  }
0x24: {  	s3 =	sadd.s32 $0x88, s3;
	s6 =	simm.s32 @!p1 $0x1082;
	[sflag:s4] =	ssyncset.s32 $0xFFFFF086  }
0x25: {  	[simem:s6], [sflag:s4] =	dma.local [hbm:s3], $0xF7A  }
0x26: {  	[smem:$0x3F95] =	sst s1;
	(tag) =	ssettag s2;
	_ =	strace s9  }
0x27: {  	s1 =	sld [smem:$0x3FA5]  }
0x28: {  	s2 =	sld [smem:$0x3FA6]  }
0x29: {  	s4 =	sld [smem:$0x3FA8]  }
0x2a: {  	p0 =	seq.s32 s5, $0x0;
	s5 =	sld [smem:$0x3FA9]  }
0x2b: {  	s6 =	sld [smem:$0x3FAA]  }
0x2c: {  	s7 =	sld [smem:$0x3FAB]  }
0x2d: {  	s3 =	simm.s32 $0x108;
	s8 =	sld [smem:$0x3FAC]  }
0x2e: {  	s3 =	simm.s32 @!p0 $0x1082;
	s9 =	sld [smem:$0x3FAD]  }
0x2f: {  	lr =	sadd.s32 s0, s3;
	s0 =	sld [smem:$0x3FA4]  }
0x30: {  	s3 =	sld [smem:$0x3FA7]  }
0x31: {  	[smem:$0x3FB0] =	sst s10  }
0x32: {  	s10 =	sld [smem:$0x3FAE];
	_ =	sdelay $0x3  }
0x33: {  	p0 =	seq.s32 s10, $0x1;
	s10 =	sld [smem:$0x3FB0];
	_ =	sdelay $0x3  }
0x34: {  	[smem:$0x3FB0] =	sst s10  }
0x35: {  	s10 =	sld [smem:$0x3FAF];
	_ =	sdelay $0x3  }
0x36: {  	p1 =	seq.s32 s10, $0x1;
	s10 =	sld [smem:$0x3FB0];
	_ =	sdelay $0x3  }
0x37: {  	[smem:$0x3FB0] =	sst s10  }
0x38: {  	s10 =	sld [smem:$0x3FB1]  }
0x39: {  	_ = 	snop;
	(pc) =	sbr.ind lr, $3  }
0x3a: {  	_ = 	snop  }
0x3b: {  	_ = 	snop  }
0x3c: {  	p2 =	seq.s32 s10, $0x1;
	s10 =	sld [smem:$0x3FB0]  }
0x3d: {  	_ =	shalt  }
0x3e: {  	_ =	shalt  }
0x3f: {  	_ =	shalt  }
0x40: {  	_ =	shalt  }
0x41: {  	_ =	shalt  }
0x42: {  	_ =	shalt  }
0x43: {  	_ =	shalt  }
0x44: {  	_ =	shalt  }
0x45: {  	_ =	shalt  }
0x46: {  	_ =	shalt  }
0x47: {  	_ =	shalt  }
0x48: {  	_ =	shalt  }
0x49: {  	_ =	shalt  }
0x4a: {  	_ =	shalt  }
0x4b: {  	_ =	shalt  }
0x4c: {  	_ =	shalt  }
0x4d: {  	_ =	shalt  }
0x4e: {  	_ =	shalt  }
0x4f: {  	_ =	shalt  }
0x50: {  	_ =	shalt  }
0x51: {  	_ =	shalt  }
0x52: {  	_ =	shalt  }
0x53: {  	_ =	shalt  }
0x54: {  	_ =	shalt  }
0x55: {  	_ =	shalt  }
0x56: {  	_ =	shalt  }
0x57: {  	_ =	shalt  }
0x58: {  	_ =	shalt  }
0x59: {  	_ =	shalt  }
0x5a: {  	_ =	shalt  }
0x5b: {  	_ =	shalt  }
0x5c: {  	_ =	shalt  }
0x5d: {  	_ =	shalt  }
0x5e: {  	_ =	shalt  }
0x5f: {  	_ =	shalt  }
0x60: {  	_ =	shalt  }
0x61: {  	_ =	shalt  }
0x62: {  	_ =	shalt  }
0x63: {  	_ =	shalt  }
0x64: {  	_ =	shalt  }
0x65: {  	_ =	shalt  }
0x66: {  	_ =	shalt  }
0x67: {  	_ =	shalt  }
0x68: {  	_ =	shalt  }
0x69: {  	_ =	shalt  }
0x6a: {  	_ =	shalt  }
0x6b: {  	_ =	shalt  }
0x6c: {  	_ =	shalt  }
0x6d: {  	_ =	shalt  }
0x6e: {  	_ =	shalt  }
0x6f: {  	_ =	shalt  }
0x70: {  	_ =	shalt  }
0x71: {  	_ =	shalt  }
0x72: {  	_ =	shalt  }
0x73: {  	_ =	shalt  }
0x74: {  	_ =	shalt  }
0x75: {  	_ =	shalt  }
0x76: {  	_ =	shalt  }
0x77: {  	_ =	shalt  }
0x78: {  	_ =	shalt  }
0x79: {  	_ =	shalt  }
0x7a: {  	_ =	shalt  }
0x7b: {  	_ =	shalt  }
0x7c: {  	_ =	shalt  }
0x7d: {  	_ =	shalt  }
0x7e: {  	_ =	shalt  }
0x7f: {  	_ =	shalt  }
0x80: {  	_ =	shalt  }
0x81: {  	_ =	shalt  }
0x82: {  	_ =	shalt  }
0x83: {  	_ =	shalt  }
0x84: {  	_ =	shalt  }
0x85: {  	_ =	shalt  }
0x86: {  	_ =	shalt  }
0x87: {  	_ =	shalt  }
.Lfunc_end0:
.L_simem_size_0:
called_computation_lowered:
.L_overlay_start_0:
0x88: {  	s2 =	sld [smem:$0x3FD9]  }
0x89: {  	s3 =	sld [smem:$0x3FFE];
	_ =	sdelay $0x1  }
0x8a: {  	s1 =	srdreg.scid  }
0x8b: {  	s0 =	sand.u32 $0x1, s1  }
0x8c: {  	s14 =	sshll.u32 s0, $0xA;
	s2 =	sadd.s32 s3, s2  }
0x8d: {  	s2 =	sadd.s32 s2, s14  }
0x8e: {  	[smem:$0x3FBC] =	sst s2  }
0x8f: {  	_ = 	snop  }
0x90: {  	s2 =	sld [smem:$0x3FD0];
	_ =	sdelay $0x2  }
0x91: {  	s15 =	simm.s32 $0xA;
	s4 =	simm.s32 $0x10  }
0x92: {  	[smem:s4], [sflag:s15] =	dma.local [hbm:s2], $0x1  }
0x93: {  	_ =	swait.eq [sflag:s15], $0x1  }
0x94: {  	[sflag:s15] =	ssyncset.done $0x0  }
0x95: {  	[sflag:s15] =	ssyncadd.s32 $0xFFFFFFFF  }
0x96: {  	s16 =	sld [smem:$0x10];
	(tm) =	ssettm $0x1  }
0x97: {  	s17 =	sld [smem:$0x3FFB];
	_ =	sdelay $0x3  }
0x98: {  	_ =	strace s17  }
0x99: {  	s3 =	sld [smem:$0x3FFC];
	_ =	sdelay $0x3  }
0x9a: {  	_ =	strace s3  }
0x9b: {  	s3 =	sld [smem:$0x3FFD];
	_ =	sdelay $0x3  }
0x9c: {  	_ =	strace s3  }
0x9d: {  	_ =	strace $0x8FFFFFFF  }
0x9e: {  	s18 =	sld [smem:$0x3FDB];
	_ =	sdelay $0x1  }
0x9f: {  	s19 =	simm.s32 $_scs_section_size  }
0xa0: {  	s5 =	simm.s32 $_size__tile_overlayer_lowered;
	s6 =	simm.s32 $_tile_overlayer_lowered  }
0xa1: {  	s22 =	simm.s32 $0x1BFF;
	s21 =	sshll.u32 s6, $0x1;
	s3 =	sadd.s32 s19, s18  }
0xa2: {  	s7 =	simm.s32 $0x0;
	s20 =	sshll.u32 s5, $0x1;
	s5 =	sadd.s32 s21, s3  }
0xa3: {  	[timem:s7], [sflag:s22] =	dma.local [hbm:s5], s20  }
0xa4: {  	_ =	swait.ge [sflag:s22], s20  }
0xa5: {  	s4 =	ssub.s32 $0x0, s20;
	[sflag:s22] =	ssyncset.done $0x0  }
0xa6: {  	[sflag:s22] =	ssyncadd.s32 s4;
	_ =	sdelay $0x1  }
0xa7: {  	s23 =	simm.s32 $0x1B8B  }
0xa8: {  	_ =	swait.ge [sflag:s23], $0x1  }
0xa9: {  	[sflag:s23] =	ssyncset.done $0x0  }
0xaa: {  	s25 =	simm.s32 $0x1B8E;
	s24 =	sld [smem:$0x3FFE];
	[sflag:s23] =	ssyncadd.s32 $0xFFFFFFFF  }
0xab: {  	s26 =	simm.s32 $execute0_lowered;
	[smem:$0x3FD2] =	sst s25  }
0xac: {  	s5 =	sshll.u32 s26, $0x1;
	_ =	strace $0x80000046;
	[dreg:$0x1] =	wrdreg $0xFFFFFFFF  }
0xad: {  	s28 =	simm.s32 $_size_execute0_lowered;
	s3 =	sadd.s32 s3, s5;
	[dreg:$0x0] =	wrdreg $0x0  }
0xae: {  	s5 =	sshll.u32 s28, $0x1;
	[dreg:$0x2] =	wrdreg s3  }
0xaf: {  	[dreg:$0x3] =	wrdreg s5  }
0xb0: {  	[dreg:$0x4] =	wrdreg $0xC0  }
0xb1: {  	_ =	task [dreg:s7], $0x5FFFF  }
0xb2: {  	[dreg:$0x1] =	wrdreg $0xFFFFFFFF  }
0xb3: {  	[dreg:$0x0] =	wrdreg $0x60  }
0xb4: {  	[dreg:$0x2] =	wrdreg s24  }
0xb5: {  	[dreg:$0x3] =	wrdreg s16  }
0xb6: {  	[dreg:$0x4] =	wrdreg $0x53000  }
0xb7: {  	[dreg:$0x5] =	wrdreg $0x9  }
0xb8: {  	_ =	task.clear_ibuf [dreg:s7], $0x6FFFF;
	_ =	strace $0x90000046  }
0xb9: {  	s29 =	simm.s32 $0x9;
	_ =	strace $0x80000048  }
0xba: {  	_ =	swait.ge [sflag:s29], $0x1  }
0xbb: {  	[sflag:s29] =	ssyncadd.s32 $0xFFFFFFFF  }
0xbc: {  	_ =	strace $0x90000048  }
0xbd: {  	_ =	sfence  }
0xbe: {  	s30 =	sld [smem:$0x0];
	_ =	sdelay $0x2  }
0xbf: {  	s31 =	sshll.u32 s1, $0xD;
	s1 =	sshrl.u32 s1, $0x2  }
0xc0: {  	s3 =	sand.u32 $0x4000, s31;
	s1 =	sadd.s32 s1, s30  }
0xc1: {  	s0 =	sor.u32 s3, s0;
	s1 =	sshll.u32 s1, $0x11  }
0xc2: {  	s0 =	sor.u32 s1, s0  }
0xc3: {  	s0 =	sadd.s32 $0x8F2B, s0  }
0xc4: {  	[sflag:s0] =	ssyncadd.remote.s32 $0x1  }
0xc5: {  	_ =	sfence.sel $0xFFFF  }
0xc6: {  	[dreg:$0x0] =	wrdreg $0xFFFFFFFF;
	(pc) =	sbr.abs _section_cstart, $3  }
0xc7: {  	[dreg:$0x1] =	wrdreg $0xFFFFFFFF  }
0xc8: {  	_ =	task.clear_ibuf [dreg:s7], $0x2FFFF;
	_ =	strace $0x9FFFFFFF  }
0xc9: {  	(tm) =	ssettm $0x7FFFFFFF  }
tec
execute0_lowered:
.L_overlay_start_1:
0x0: {  	(tag) =	ssettag $0x1  }
0x1: {  	s4 =	rddreg [dreg:$0x0]  }
0x2: {  	s7 =	rddreg [dreg:$0x1]  }
0x3: {  	s2 =	rddreg [dreg:$0x2]  }
0x4: {  	s0 =	rddreg [dreg:$0x3];
	s1 =	stileid.u32  }
0x5: {  	s6 =	srdreg.scid;
	s3 =	simm.s32 $0x0;
	s11 =	simm.s32 $0x80  }
0x6: {  	s12 =	simm.s32 $0x5000;
	s15 =	simm.s32 $0x0;
	s5 =	smul.u32 $0xA00, s1  }
0x7: {  	s6 =	sand.u32 $0x1, s6;
	s8 =	smul.u32 $0x280, s1;
	[smem:$0x7FF] =	sst s3  }
0x8: {  	s13 =	sshll.u32 s1, $0x6;
	s9 =	smul.u32 $0x2800, s6;
	_ =	strace $0x80000047  }
0x9: {  	s10 =	ssub.s32 $0x2, s6;
	s6 =	sshll.u32 s6, $0x7;
	s13 =	sor.u32 $0x1C01, s13  }
0xa: {  	s4 =	sadd.s32 s5, s4;
	s31 =	sshrl.u32 s10, $0x1;
	s5 =	sadd.s32 s8, s2  }
0xb: {  	s9 =	sadd.s32 s8, s9;
	s10 =	ssub.s32 s10, s31;
	s4 =	sadd.s32 $0x3E00, s4  }
0xc: {  	s14 =	sshrl.u32 s5, $0x3;
	s9 =	sshrl.u32 s9, $0x3;
	s8 =	smax.u32 s10, $0x1  }
0xd: {  	v0 =	vimm.f32 $0.0e+00;
	v1 =	vimm.f32 $1.000000000e+00;
	s10 =	simm.s32 $0x5080;
	s7 =	sadd.s32 s7, s9;
	s9 =	simm.s32 $0x1  }
.LBB2_1:
0xe: {  	[tilespmem:s3], [sflag:$0x1] =	stream.linear.gather [hbm4b:s4+s3], $0x5000, $0x38;
	[tilespmem:$0x5580] =	vst v63  }
0xf: {  	_ =	swait.ge [sflag:s9], $0x5000  }
0x10: {  	[sflag:s9] =	ssyncset.done $0x0  }
0x11: {  	[sflag:s9] =	ssyncadd.s32 $0xFFFFB000  }
0x12: {  	[tilespmem:$0x5080] =	vst v0  }
0x13: {  	[tilespmem:$0x5090] =	vst v0  }
0x14: {  	[tilespmem:$0x50A0] =	vst v0  }
0x15: {  	[tilespmem:$0x50B0] =	vst v0  }
0x16: {  	[tilespmem:$0x50C0] =	vst v0  }
0x17: {  	[tilespmem:$0x50D0] =	vst v0  }
0x18: {  	[tilespmem:$0x50E0] =	vst v0  }
0x19: {  	[tilespmem:$0x50F0] =	vst v0  }
0x1a: {  	[tilespmem:$0x5100] =	vst v0  }
0x1b: {  	[tilespmem:$0x5110] =	vst v0  }
0x1c: {  	[tilespmem:$0x5120] =	vst v0  }
0x1d: {  	[tilespmem:$0x5130] =	vst v0  }
0x1e: {  	[tilespmem:$0x5140] =	vst v0  }
0x1f: {  	[tilespmem:$0x5150] =	vst v0  }
0x20: {  	[tilespmem:$0x5160] =	vst v0  }
0x21: {  	[tilespmem:$0x5170] =	vst v0  }
0x22: {  	[tilespmem:$0x5180] =	vst v0  }
0x23: {  	[tilespmem:$0x5190] =	vst v0  }
0x24: {  	[tilespmem:$0x51A0] =	vst v0  }
0x25: {  	[tilespmem:$0x51B0] =	vst v0  }
0x26: {  	[tilespmem:$0x51C0] =	vst v0  }
0x27: {  	[tilespmem:$0x51D0] =	vst v0  }
0x28: {  	[tilespmem:$0x51E0] =	vst v0  }
0x29: {  	[tilespmem:$0x51F0] =	vst v0  }
0x2a: {  	[tilespmem:$0x5200] =	vst v0  }
0x2b: {  	[tilespmem:$0x5210] =	vst v0  }
0x2c: {  	[tilespmem:$0x5220] =	vst v0  }
0x2d: {  	[tilespmem:$0x5230] =	vst v0  }
0x2e: {  	[tilespmem:$0x5240] =	vst v0  }
0x2f: {  	[tilespmem:$0x5250] =	vst v0  }
0x30: {  	[tilespmem:$0x5260] =	vst v0  }
0x31: {  	[tilespmem:$0x5270] =	vst v0  }
0x32: {  	[tilespmem:$0x5280] =	vst v0  }
0x33: {  	[tilespmem:$0x5290] =	vst v0  }
0x34: {  	[tilespmem:$0x52A0] =	vst v0  }
0x35: {  	[tilespmem:$0x52B0] =	vst v0  }
0x36: {  	[tilespmem:$0x52C0] =	vst v0  }
0x37: {  	[tilespmem:$0x52D0] =	vst v0  }
0x38: {  	[tilespmem:$0x52E0] =	vst v0  }
0x39: {  	[tilespmem:$0x52F0] =	vst v0  }
0x3a: {  	[tilespmem:$0x5000] =	vst v1  }
0x3b: {  	[tilespmem:$0x5010] =	vst v1  }
0x3c: {  	[tilespmem:$0x5020] =	vst v1  }
0x3d: {  	[tilespmem:$0x5030] =	vst v1  }
0x3e: {  	[tilespmem:$0x5040] =	vst v1  }
0x3f: {  	[tilespmem:$0x5050] =	vst v1  }
0x40: {  	[tilespmem:$0x5060] =	vst v1  }
0x41: {  	[tilespmem:$0x5070] =	vst v1  }
0x42: {  	[spmem:s5] =	stream.linear.scatter [tilespmem:s10], [sflag:$0x1], $0x280, $0x38;
	[tilespmem:$0x5580] =	vst v63  }
0x43: {  	_ =	swait.ge [sflag:s9], $0x280  }
0x44: {  	[sflag:s9] =	ssyncset.done $0x0  }
0x45: {  	[sflag:s9] =	ssyncadd.s32 $0xFFFFFD80  }
0x46: {  	s16 =	sadd.s32 $0x0, s6;
	[bflag:$0x0] =	sbarrier.arrive $0xFFFF  }
0x47: {  	[spmem:s2] =	stream.indirect.scatter.add.f32 [tilespmem:s12], [sflag:$0x1], $0x1, s16, s11, $0xb8;
	[tilespmem:$0x5580] =	vst v63  }
0x48: {  	s16 =	simm.s32 $0x400;
	_ =	swait.ge [sflag:s9], $0x80  }
.LBB2_2:
0x49: {  	s17 =	sshra.s32 s16, $0x2;
	[sflag:s9] =	ssyncset.done $0x0;
	p0 =	sne.s32 s16, $0x13C00  }
.Ltmp0:
0x4a: {  	s17 =	sadd.s32 s17, s6;
	[sflag:s9] =	ssyncadd.s32 $0xFFFFFF80;
	(pc) =	sbr.rel @p0 .LBB2_2-.Ltmp0, $3  }
0x4b: {  	[spmem:s2] =	stream.indirect.scatter.add.f32 [tilespmem:s12], [sflag:$0x1], $0x1, s17, s11, $0xb8;
	[tilespmem:$0x5580] =	vst v63  }
0x4c: {  	s16 =	sadd.s32 $0x400, s16;
	_ =	sdelay $0x1  }
0x4d: {  	_ =	swait.ge [sflag:s9], $0x80  }
0x4e: {  	[sflag:s9] =	ssyncset.done $0x0;
	s15 =	sadd.s32 $0x1, s15  }
0x4f: {  	[sflag:s9] =	ssyncadd.s32 $0xFFFFFF80;
	p0 =	sne.s32 s15, s8  }
.Ltmp1:
0x50: {  	[bflag:$0x0] =	sbarrier.arrive $0xFFFF;
	(pc) =	sbr.rel @p0 .LBB2_1-.Ltmp1, $4  }
0x51: {  	[hbm:s7], [sflag:s13] =	dma.local [spmem:s14], $0x50  }
0x52: {  	_ =	swait.ge [sflag:s9], $0x50  }
0x53: {  	[sflag:s9] =	ssyncset.done $0x0  }
0x54: {  	[sflag:s9] =	ssyncadd.s32 $0xFFFFFFB0  }
0x55: {  	_ =	sfence.sel $0x180000  }
0x56: {  	[bflag:$0x0] =	sbarrier.arrive $0xFFFF  }
0x57: {  	p0 =	sne.s32 s1, $0x0;
	_ =	strace $0x90000047  }
0x58: {  	s0 =	sadd.s32 @!p0 $0x100000, s0;
	[bflag:$0x2] =	sbarrier.arrive $0xFFFF  }
0x59: {  	[sflag:s0] =	ssyncadd.tile.s32 @!p0 $0x1;
	_ =	shalt  }
.Lfunc_end2:
_tile_overlayer_lowered:
.L_overlay_start_2:
0x5a: {  	(tag) =	ssettag $0x2  }
0x5b: {  	s0 =	rddreg [dreg:$0x0];
	s2 =	stileid.u32  }
0x5c: {  	s1 =	rddreg [dreg:$0x1];
	p0 =	sne.s32 s2, $0x0  }
0x5d: {  	s3 =	rddreg [dreg:$0x2];
	[bflag:$0x3] =	sbarrier.arrive $0xFFFF;
	s2 =	simm.s32 @!p0 $0x1C01  }
0x5e: {  	[timem:s3], [sflag:s2] =	dma.local @!p0 [hbm:s0], s1  }
0x5f: {  	s0 =	simm.s32 @!p0 $0x1  }
0x60: {  	_ =	swait.ge @!p0 [sflag:s0], s1  }
0x61: {  	s1 =	ssub.s32 @!p0 $0x0, s1;
	[sflag:s0] =	ssyncset.done @!p0 $0x0  }
0x62: {  	[sflag:s0] =	ssyncadd.s32 @!p0 s1  }
0x63: {  	[bflag:$0x3] =	sbarrier.arrive $0xFFFF  }
0x64: {  	_ =	shalt  }

</sc_bundles>
